<compile_context>
chip_gen: v7x
topology: tpu7x:2x2x1
jax: 0.10.2.dev20260603
libtpu: 0.0.44.dev20260713+nightly
codegen_flags: <defaults>
</compile_context>

<pallas_src>
import dataclasses
import functools

import jax
import jax.numpy as jnp
from jax import lax
from jax.experimental import pallas as pl
from jax.experimental.pallas import tpu as pltpu
from jax.experimental.pallas import tpu_sc as plsc

_N_L1 = 512
_N_PSQT = 8
_TOTAL = _N_L1 + _N_PSQT
_ROWS = 100000
_BATCH = 4096
_ACTIVE = 20
_NC = 2
_NS = 16
_NW = _NC * _NS
_LANES = 16
_SB = 512
_NSB = _BATCH // _SB
_MAGIC = 12582912.0
_MAGIC20 = _MAGIC * _ACTIVE
_NCOL_HI = 17
_NCOL_LO = 16
_HI_WORKERS = _TOTAL - _NCOL_LO * _NW


def _sc_cols(idxT, wT, rinv, sfin, bias):
    mesh = plsc.VectorSubcoreMesh(core_axis_name="c", subcore_axis_name="s")
    cp = pltpu.CompilerParams()
    if "needs_layout_passes" in pltpu.CompilerParams.__dataclass_fields__:
        cp = dataclasses.replace(cp, needs_layout_passes=False)

    @functools.partial(
        pl.kernel,
        out_type=jax.ShapeDtypeStruct((_TOTAL, _BATCH), jnp.float32),
        mesh=mesh,
        compiler_params=cp,
        scratch_types=[
            pltpu.VMEM((_ROWS,), jnp.float32),
            pltpu.VMEM((_ACTIVE, _SB), jnp.int32),
            pltpu.VMEM((_ACTIVE, _SB), jnp.int32),
            pltpu.VMEM((_BATCH,), jnp.float32),
            pltpu.VMEM((_TOTAL,), jnp.float32),
            pltpu.VMEM((_TOTAL,), jnp.float32),
            pltpu.VMEM((_TOTAL,), jnp.float32),
            pltpu.SemaphoreType.DMA,
            pltpu.SemaphoreType.DMA,
            pltpu.SemaphoreType.DMA,
            pltpu.SemaphoreType.DMA,
            pltpu.SemaphoreType.DMA,
            pltpu.SemaphoreType.DMA,
        ],
    )
    def body(idxT_hbm, wT_hbm, rinv_hbm, sfin_hbm, bias_hbm, outT_hbm,
             colbuf, idx0, idx1, outbuf, rinv_s, sfin_s, bias_s,
             csem0, csem1, csem2, csem3, isem0, isem1):
        wid = lax.axis_index("s") * _NC + lax.axis_index("c")
        nt = jnp.where(wid < _HI_WORKERS, _NCOL_HI, _NCOL_LO)
        start = jnp.where(wid < _HI_WORKERS,
                          _NCOL_HI * wid,
                          _NCOL_LO * wid + _HI_WORKERS)
        pltpu.sync_copy(rinv_hbm, rinv_s)
        pltpu.sync_copy(sfin_hbm, sfin_s)
        pltpu.sync_copy(bias_hbm, bias_s)

        def idx_start(sb, buf, sem):
            pltpu.async_copy(idxT_hbm.at[:, pl.ds(sb * _SB, _SB)], buf, sem)

        def idx_wait(buf, sem):
            pltpu.make_async_copy(
                idxT_hbm.at[:, pl.ds(0, _SB)], buf, sem).wait()

        @pl.loop(0, _NCOL_HI)
        def _(k):
            @pl.when(k < nt)
            def _():
                c = start + k
                pltpu.async_copy(wT_hbm.at[c], colbuf, csem0)
                idx_start(0, idx0, isem0)
                cvec = jnp.full((_LANES,), c, jnp.int32)
                rv = plsc.load_gather(rinv_s, [cvec])
                sv = plsc.load_gather(sfin_s, [cvec])
                bv = plsc.load_gather(bias_s, [cvec])
                mvec = jnp.full((_LANES,), _MAGIC, jnp.float32)
                m20v = jnp.full((_LANES,), _MAGIC20, jnp.float32)
                pltpu.make_async_copy(wT_hbm.at[c], colbuf, csem0).wait()

                def do_block(sb, buf):
                    @plsc.parallel_loop(0, _SB // _LANES)
                    def _(s16):
                        accs = [jnp.zeros((_LANES,), jnp.float32)
                                for _ in range(4)]
                        for a in range(_ACTIVE):
                            iv = buf[a, pl.ds(s16 * _LANES, _LANES)]
                            vals = plsc.load_gather(colbuf, [iv])
                            accs[a % 4] = accs[a % 4] + (vals * rv + mvec)
                        acc = (accs[0] + accs[1]) + (accs[2] + accs[3])
                        outbuf[pl.ds(sb * _SB + s16 * _LANES, _LANES)] = (
                            (acc - m20v) * sv + bv)

                for sb in range(_NSB):
                    cur, nxt = (idx0, idx1) if sb % 2 == 0 else (idx1, idx0)
                    csem_cur, csem_nxt = (
                        (isem0, isem1) if sb % 2 == 0 else (isem1, isem0))
                    idx_wait(cur, csem_cur)
                    if sb + 1 < _NSB:
                        idx_start(sb + 1, nxt, csem_nxt)
                    do_block(sb, cur)

                pltpu.sync_copy(outbuf, outT_hbm.at[c])

    return body(idxT, wT, rinv, sfin, bias)


def kernel(indices, weight, bias, scale_l1, scale_psqt):
    s_full = jnp.concatenate([scale_l1, scale_psqt]).astype(jnp.float32)
    rinv_full = (1.0 / s_full).astype(jnp.float32)
    wT = weight.T
    idxT = indices.T
    outT = _sc_cols(idxT, wT, rinv_full, s_full, bias.astype(jnp.float32))
    return outT.T

# --- scband reference (transcript-rebuilt; emitter-appended) ---
"""Pipeline reference for scband-base-feature-transformer-63814624084081 (READ-ONLY COPY).

The authoritative reference and input builder live on the scoring server;
editing this copy changes nothing except your own understanding.
"""

import jax, jax.numpy as jnp
import numpy as np
import math

NUM_INPUTS = 100000
N_L1 = 512
N_PSQT = 8
TOTAL = N_L1 + N_PSQT
BATCH = 4096
ACTIVE = 20


def lsq_quant(w, s, bits):
    # LSQ embedding quantization with straight-through rounding
    qmax = 2.0 ** (bits - 1) - 1.0
    qmin = -qmax - 1.0
    v = w / s
    v = jnp.clip(v, qmin, qmax)
    v_hat = v + jax.lax.stop_gradient(jnp.round(v) - v)
    return v_hat * s


def setup_inputs(seed: int = 0) -> dict:
    key = jax.random.key(seed)
    k1, k2, k3 = jax.random.split(key, 3)
    sigma = math.sqrt(1.0 / NUM_INPUTS)
    indices = jax.random.randint(k1, (BATCH, ACTIVE), 0, NUM_INPUTS, dtype=jnp.int32)
    weight = jax.random.uniform(k2, (NUM_INPUTS, TOTAL), minval=-sigma, maxval=sigma, dtype=jnp.float32)
    bias = jax.random.uniform(k3, (TOTAL,), minval=-sigma, maxval=sigma, dtype=jnp.float32)
    scale_l1 = jnp.full((N_L1,), 2.0 * sigma / (2.0 ** 16), dtype=jnp.float32)
    scale_psqt = jnp.full((N_PSQT,), 2.0 * sigma / (2.0 ** 32), dtype=jnp.float32)
    return {"indices": indices, "weight": weight, "bias": bias, "scale_l1": scale_l1, "scale_psqt": scale_psqt}


def reference(indices, weight, bias, scale_l1, scale_psqt):
    # quantize the two column blocks of the feature-transformer table (LSQ, 16b / 32b)
    wq_l1 = lsq_quant(weight[:, :N_L1], scale_l1[None, :], 16)
    wq_psqt = lsq_quant(weight[:, N_L1:], scale_psqt[None, :], 32)
    w_q = jnp.concatenate([wq_l1, wq_psqt], axis=1)
    # sparse-feature accumulation: embedding-bag sum over active feature indices
    gathered = jnp.take(w_q, indices, axis=0)  # [B, ACTIVE, TOTAL]
    out = jnp.sum(gathered, axis=1) + bias[None, :]  # [B, TOTAL]
    return out

if __name__ == "__main__":
    import jax
    _d = setup_inputs()
    print(jax.jit(kernel)(*tuple(_d.values())))

</pallas_src>

<mosaic_0001>
#map = affine_map<(d0, d1) -> (0, 0)>
#map1 = affine_map<(d0, d1) -> (0)>
module attributes {stable_mosaic.version = 14 : i64} {
  func.func @body(%arg0: i32, %arg1: i32, %arg2: memref<20x4096xi32, #tpu.memory_space<hbm>>, %arg3: memref<520x100000xf32, #tpu.memory_space<hbm>>, %arg4: memref<520xf32, #tpu.memory_space<hbm>>, %arg5: memref<520xf32, #tpu.memory_space<hbm>>, %arg6: memref<520xf32, #tpu.memory_space<hbm>>, %arg7: memref<520x4096xf32, #tpu.memory_space<hbm>>, %arg8: memref<100000xf32, #tpu.memory_space<vmem>>, %arg9: memref<20x512xi32, #tpu.memory_space<vmem>>, %arg10: memref<20x512xi32, #tpu.memory_space<vmem>>, %arg11: memref<4096xf32, #tpu.memory_space<vmem>>, %arg12: memref<520xf32, #tpu.memory_space<vmem>>, %arg13: memref<520xf32, #tpu.memory_space<vmem>>, %arg14: memref<520xf32, #tpu.memory_space<vmem>>, %arg15: memref<!tpu.dma_semaphore, #tpu.memory_space<semaphore_mem>>, %arg16: memref<!tpu.dma_semaphore, #tpu.memory_space<semaphore_mem>>, %arg17: memref<!tpu.dma_semaphore, #tpu.memory_space<semaphore_mem>>, %arg18: memref<!tpu.dma_semaphore, #tpu.memory_space<semaphore_mem>>, %arg19: memref<!tpu.dma_semaphore, #tpu.memory_space<semaphore_mem>>, %arg20: memref<!tpu.dma_semaphore, #tpu.memory_space<semaphore_mem>>) attributes {dimension_semantics = [#tpu.dimension_semantics<core_parallel>, #tpu.dimension_semantics<subcore_parallel>], iteration_bounds = array<i64: 2, 16>, scalar_prefetch = 0 : i64, scratch_operands = 13 : i64, tpu.core_type = #tpu.core_type<sc_vector_subcore>, window_params = [{transform_indices = #map}, {transform_indices = #map}, {transform_indices = #map1}, {transform_indices = #map1}, {transform_indices = #map1}, {transform_indices = #map}]} {
    %mul3A = arith.constant 2 : i32
    %mul3A_0 = arith.muli %arg1, %mul3A : i32
    %add3A = arith.addi %mul3A_0, %arg0 : i32
    %lt3A = arith.constant 8 : i32
    %lt3A_1 = arith.cmpi slt, %add3A, %lt3A : i32
    %jit3A = arith.constant 17 : i32
    %jit3A_2 = arith.constant 16 : i32
    %select_n3A = arith.select %lt3A_1, %jit3A, %jit3A_2 : i32
    %lt3A_3 = arith.constant 8 : i32
    %lt3A_4 = arith.cmpi slt, %add3A, %lt3A_3 : i32
    %mul3A_5 = arith.constant 17 : i32
    %mul3A_6 = arith.muli %mul3A_5, %add3A : i32
    %mul3A_7 = arith.constant 16 : i32
    %mul3A_8 = arith.muli %mul3A_7, %add3A : i32
    %add3A_9 = arith.constant 8 : i32
    %add3A_10 = arith.addi %mul3A_8, %add3A_9 : i32
    %select_n3A_11 = arith.select %lt3A_4, %mul3A_6, %add3A_10 : i32
    "tpu.region"() ({
      %run_scoped3A = tpu.sem_alloc : memref<!tpu.dma_semaphore, #tpu.memory_space<semaphore_mem>>
      tpu.enqueue_dma source(%arg4 : memref<520xf32, #tpu.memory_space<hbm>>) target(%arg12 : memref<520xf32, #tpu.memory_space<vmem>>) target_semaphore(%run_scoped3A : memref<!tpu.dma_semaphore, #tpu.memory_space<semaphore_mem>>)
      tpu.wait_dma2 semaphore(%run_scoped3A : memref<!tpu.dma_semaphore, #tpu.memory_space<semaphore_mem>>) src(%arg4 : memref<520xf32, #tpu.memory_space<hbm>>) dst(%arg12 : memref<520xf32, #tpu.memory_space<vmem>>)
      tpu.yield
    }) : () -> ()
    "tpu.region"() ({
      %run_scoped3A = tpu.sem_alloc : memref<!tpu.dma_semaphore, #tpu.memory_space<semaphore_mem>>
      tpu.enqueue_dma source(%arg5 : memref<520xf32, #tpu.memory_space<hbm>>) target(%arg13 : memref<520xf32, #tpu.memory_space<vmem>>) target_semaphore(%run_scoped3A : memref<!tpu.dma_semaphore, #tpu.memory_space<semaphore_mem>>)
      tpu.wait_dma2 semaphore(%run_scoped3A : memref<!tpu.dma_semaphore, #tpu.memory_space<semaphore_mem>>) src(%arg5 : memref<520xf32, #tpu.memory_space<hbm>>) dst(%arg13 : memref<520xf32, #tpu.memory_space<vmem>>)
      tpu.yield
    }) : () -> ()
    "tpu.region"() ({
      %run_scoped3A = tpu.sem_alloc : memref<!tpu.dma_semaphore, #tpu.memory_space<semaphore_mem>>
      tpu.enqueue_dma source(%arg6 : memref<520xf32, #tpu.memory_space<hbm>>) target(%arg14 : memref<520xf32, #tpu.memory_space<vmem>>) target_semaphore(%run_scoped3A : memref<!tpu.dma_semaphore, #tpu.memory_space<semaphore_mem>>)
      tpu.wait_dma2 semaphore(%run_scoped3A : memref<!tpu.dma_semaphore, #tpu.memory_space<semaphore_mem>>) src(%arg6 : memref<520xf32, #tpu.memory_space<hbm>>) dst(%arg14 : memref<520xf32, #tpu.memory_space<vmem>>)
      tpu.yield
    }) : () -> ()
    %scan3A = arith.constant 0 : i32
    %scan3A_12 = arith.constant 17 : i32
    %scan3A_13 = arith.addi %scan3A, %scan3A_12 : i32
    %scan3A_14 = arith.constant 1 : i32
    scf.for %scan3A_16 = %scan3A to %scan3A_13 step %scan3A_14  : i32 {
      %mul3A_17 = arith.constant 1 : i32
      %mul3A_18 = arith.muli %scan3A_16, %mul3A_17 : i32
      %add3A_19 = arith.constant 0 : i32
      %add3A_20 = arith.addi %add3A_19, %mul3A_18 : i32
      %lt3A_21 = arith.cmpi slt, %add3A_20, %select_n3A : i32
      %convert_element_type3A = arith.extui %lt3A_21 : i1 to i32
      %cond3A = arith.constant 0 : i32
      %cond3A_22 = arith.cmpi ne, %convert_element_type3A, %cond3A : i32
      scf.if %cond3A_22 {
        %add3A_23 = arith.addi %select_n3A_11, %add3A_20 : i32
        %dma_start3A = arith.constant 0 : i32
        %dma_start3A_24 = tpu.memref_slice %arg3[%add3A_23, %dma_start3A] : memref<520x100000xf32, #tpu.memory_space<hbm>> -> memref<1x100000xf32, #tpu.memory_space<hbm>>
        %dma_start3A_25 = tpu.memref_squeeze %dma_start3A_24 : memref<1x100000xf32, #tpu.memory_space<hbm>> -> memref<100000xf32, #tpu.memory_space<hbm>>
        %dma_start3A_26 = arith.constant 0 : i32
        %dma_start3A_27 = tpu.memref_slice %arg3[%add3A_23, %dma_start3A_26] : memref<520x100000xf32, #tpu.memory_space<hbm>> -> memref<1x100000xf32, #tpu.memory_space<hbm>>
        %dma_start3A_28 = tpu.memref_squeeze %dma_start3A_27 : memref<1x100000xf32, #tpu.memory_space<hbm>> -> memref<100000xf32, #tpu.memory_space<hbm>>
        tpu.enqueue_dma source(%dma_start3A_28 : memref<100000xf32, #tpu.memory_space<hbm>>) target(%arg8 : memref<100000xf32, #tpu.memory_space<vmem>>) target_semaphore(%arg15 : memref<!tpu.dma_semaphore, #tpu.memory_space<semaphore_mem>>)
        %dma_start3A_29 = arith.constant 0 : i32
        %dma_start3A_30 = arith.constant 0 : i32
        %dma_start3A_31 = tpu.memref_slice %arg2[%dma_start3A_29, %dma_start3A_30] : memref<20x4096xi32, #tpu.memory_space<hbm>> -> memref<20x512xi32, #tpu.memory_space<hbm>>
        %dma_start3A_32 = arith.constant 0 : i32
        %dma_start3A_33 = arith.constant 0 : i32
        %dma_start3A_34 = tpu.memref_slice %arg2[%dma_start3A_32, %dma_start3A_33] : memref<20x4096xi32, #tpu.memory_space<hbm>> -> memref<20x512xi32, #tpu.memory_space<hbm>>
        tpu.enqueue_dma source(%dma_start3A_34 : memref<20x512xi32, #tpu.memory_space<hbm>>) target(%arg9 : memref<20x512xi32, #tpu.memory_space<vmem>>) target_semaphore(%arg19 : memref<!tpu.dma_semaphore, #tpu.memory_space<semaphore_mem>>)
        %broadcast_in_dim3A = vector.broadcast %add3A_23 : i32 to vector<16xi32>
        %gather3A = tpu.vector_load_idx %arg12[%broadcast_in_dim3A] : memref<520xf32, #tpu.memory_space<vmem>>[vector<16xi32>], vector<16xf32>,
        %gather3A_35 = tpu.vector_load_idx %arg13[%broadcast_in_dim3A] : memref<520xf32, #tpu.memory_space<vmem>>[vector<16xi32>], vector<16xf32>,
        %gather3A_36 = tpu.vector_load_idx %arg14[%broadcast_in_dim3A] : memref<520xf32, #tpu.memory_space<vmem>>[vector<16xi32>], vector<16xf32>,
        %broadcast_in_dim3A_37 = arith.constant 0x4B400000 : f32
        %broadcast_in_dim3A_38 = vector.broadcast %broadcast_in_dim3A_37 : f32 to vector<16xf32>
        %broadcast_in_dim3A_39 = arith.constant 0x4D700000 : f32
        %broadcast_in_dim3A_40 = vector.broadcast %broadcast_in_dim3A_39 : f32 to vector<16xf32>
        %dma_wait3A = arith.constant 0 : i32
        %dma_wait3A_41 = tpu.memref_slice %arg3[%add3A_23, %dma_wait3A] : memref<520x100000xf32, #tpu.memory_space<hbm>> -> memref<1x100000xf32, #tpu.memory_space<hbm>>
        %dma_wait3A_42 = tpu.memref_squeeze %dma_wait3A_41 : memref<1x100000xf32, #tpu.memory_space<hbm>> -> memref<100000xf32, #tpu.memory_space<hbm>>
        %dma_wait3A_43 = arith.constant 0 : i32
        %dma_wait3A_44 = tpu.memref_slice %arg3[%add3A_23, %dma_wait3A_43] : memref<520x100000xf32, #tpu.memory_space<hbm>> -> memref<1x100000xf32, #tpu.memory_space<hbm>>
        %dma_wait3A_45 = tpu.memref_squeeze %dma_wait3A_44 : memref<1x100000xf32, #tpu.memory_space<hbm>> -> memref<100000xf32, #tpu.memory_space<hbm>>
        tpu.wait_dma2 semaphore(%arg15 : memref<!tpu.dma_semaphore, #tpu.memory_space<semaphore_mem>>) src(%dma_wait3A_45 : memref<100000xf32, #tpu.memory_space<hbm>>) dst(%arg8 : memref<100000xf32, #tpu.memory_space<vmem>>)
        %dma_wait3A_46 = arith.constant 0 : i32
        %dma_wait3A_47 = arith.constant 0 : i32
        %dma_wait3A_48 = tpu.memref_slice %arg2[%dma_wait3A_46, %dma_wait3A_47] : memref<20x4096xi32, #tpu.memory_space<hbm>> -> memref<20x512xi32, #tpu.memory_space<hbm>>
        %dma_wait3A_49 = arith.constant 0 : i32
        %dma_wait3A_50 = arith.constant 0 : i32
        %dma_wait3A_51 = tpu.memref_slice %arg2[%dma_wait3A_49, %dma_wait3A_50] : memref<20x4096xi32, #tpu.memory_space<hbm>> -> memref<20x512xi32, #tpu.memory_space<hbm>>
        tpu.wait_dma2 semaphore(%arg19 : memref<!tpu.dma_semaphore, #tpu.memory_space<semaphore_mem>>) src(%dma_wait3A_51 : memref<20x512xi32, #tpu.memory_space<hbm>>) dst(%arg9 : memref<20x512xi32, #tpu.memory_space<vmem>>)
        %dma_start3A_52 = arith.constant 0 : i32
        %dma_start3A_53 = arith.constant 512 : i32
        %dma_start3A_54 = tpu.memref_slice %arg2[%dma_start3A_52, %dma_start3A_53] : memref<20x4096xi32, #tpu.memory_space<hbm>> -> memref<20x512xi32, #tpu.memory_space<hbm>>
        %dma_start3A_55 = arith.constant 0 : i32
        %dma_start3A_56 = arith.constant 512 : i32
        %dma_start3A_57 = tpu.memref_slice %arg2[%dma_start3A_55, %dma_start3A_56] : memref<20x4096xi32, #tpu.memory_space<hbm>> -> memref<20x512xi32, #tpu.memory_space<hbm>>
        tpu.enqueue_dma source(%dma_start3A_57 : memref<20x512xi32, #tpu.memory_space<hbm>>) target(%arg10 : memref<20x512xi32, #tpu.memory_space<vmem>>) target_semaphore(%arg20 : memref<!tpu.dma_semaphore, #tpu.memory_space<semaphore_mem>>)
        %parallel_loop3A = arith.constant 0 : i32
        %parallel_loop3A_58 = arith.constant 32 : i32
        %parallel_loop3A_59 = arith.constant 1 : i32
        scf.for %parallel_loop3A_159 = %parallel_loop3A to %parallel_loop3A_58 step %parallel_loop3A_59  : i32 {
          %parallel_loop3A_160 = arith.constant 0.000000e+00 : f32
          %parallel_loop3A_161 = vector.broadcast %parallel_loop3A_160 : f32 to vector<16xf32>
          %parallel_loop3A_162 = arith.constant 0.000000e+00 : f32
          %parallel_loop3A_163 = vector.broadcast %parallel_loop3A_162 : f32 to vector<16xf32>
          %parallel_loop3A_164 = arith.constant 0.000000e+00 : f32
          %parallel_loop3A_165 = vector.broadcast %parallel_loop3A_164 : f32 to vector<16xf32>
          %parallel_loop3A_166 = arith.constant 0.000000e+00 : f32
          %parallel_loop3A_167 = vector.broadcast %parallel_loop3A_166 : f32 to vector<16xf32>
          %parallel_loop3A_168 = arith.constant 16 : i32
          %parallel_loop3A_169 = arith.muli %parallel_loop3A_159, %parallel_loop3A_168 : i32
          %parallel_loop3A_170 = arith.constant 0 : i32
          %parallel_loop3A_171 = arith.index_cast %parallel_loop3A_170 : i32 to index
          %parallel_loop3A_172 = arith.index_cast %parallel_loop3A_169 : i32 to index
          %parallel_loop3A_173 = tpu.vector_load %arg9[%parallel_loop3A_171, %parallel_loop3A_172] {strides = array<i32>} : memref<20x512xi32, #tpu.memory_space<vmem>>, vector<16xi32>,
          %parallel_loop3A_174 = tpu.vector_load_idx %arg8[%parallel_loop3A_173] : memref<100000xf32, #tpu.memory_space<vmem>>[vector<16xi32>], vector<16xf32>,
          %parallel_loop3A_175 = arith.mulf %parallel_loop3A_174, %gather3A : vector<16xf32>
          %parallel_loop3A_176 = arith.addf %parallel_loop3A_175, %broadcast_in_dim3A_38 : vector<16xf32>
          %parallel_loop3A_177 = arith.addf %parallel_loop3A_161, %parallel_loop3A_176 : vector<16xf32>
          %parallel_loop3A_178 = arith.constant 16 : i32
          %parallel_loop3A_179 = arith.muli %parallel_loop3A_159, %parallel_loop3A_178 : i32
          %parallel_loop3A_180 = arith.constant 1 : i32
          %parallel_loop3A_181 = arith.index_cast %parallel_loop3A_180 : i32 to index
          %parallel_loop3A_182 = arith.index_cast %parallel_loop3A_179 : i32 to index
          %parallel_loop3A_183 = tpu.vector_load %arg9[%parallel_loop3A_181, %parallel_loop3A_182] {strides = array<i32>} : memref<20x512xi32, #tpu.memory_space<vmem>>, vector<16xi32>,
          %parallel_loop3A_184 = tpu.vector_load_idx %arg8[%parallel_loop3A_183] : memref<100000xf32, #tpu.memory_space<vmem>>[vector<16xi32>], vector<16xf32>,
          %parallel_loop3A_185 = arith.mulf %parallel_loop3A_184, %gather3A : vector<16xf32>
          %parallel_loop3A_186 = arith.addf %parallel_loop3A_185, %broadcast_in_dim3A_38 : vector<16xf32>
          %parallel_loop3A_187 = arith.addf %parallel_loop3A_163, %parallel_loop3A_186 : vector<16xf32>
          %parallel_loop3A_188 = arith.constant 16 : i32
          %parallel_loop3A_189 = arith.muli %parallel_loop3A_159, %parallel_loop3A_188 : i32
          %parallel_loop3A_190 = arith.constant 2 : i32
          %parallel_loop3A_191 = arith.index_cast %parallel_loop3A_190 : i32 to index
          %parallel_loop3A_192 = arith.index_cast %parallel_loop3A_189 : i32 to index
          %parallel_loop3A_193 = tpu.vector_load %arg9[%parallel_loop3A_191, %parallel_loop3A_192] {strides = array<i32>} : memref<20x512xi32, #tpu.memory_space<vmem>>, vector<16xi32>,
          %parallel_loop3A_194 = tpu.vector_load_idx %arg8[%parallel_loop3A_193] : memref<100000xf32, #tpu.memory_space<vmem>>[vector<16xi32>], vector<16xf32>,
          %parallel_loop3A_195 = arith.mulf %parallel_loop3A_194, %gather3A : vector<16xf32>
          %parallel_loop3A_196 = arith.addf %parallel_loop3A_195, %broadcast_in_dim3A_38 : vector<16xf32>
          %parallel_loop3A_197 = arith.addf %parallel_loop3A_165, %parallel_loop3A_196 : vector<16xf32>
          %parallel_loop3A_198 = arith.constant 16 : i32
          %parallel_loop3A_199 = arith.muli %parallel_loop3A_159, %parallel_loop3A_198 : i32
          %parallel_loop3A_200 = arith.constant 3 : i32
          %parallel_loop3A_201 = arith.index_cast %parallel_loop3A_200 : i32 to index
          %parallel_loop3A_202 = arith.index_cast %parallel_loop3A_199 : i32 to index
          %parallel_loop3A_203 = tpu.vector_load %arg9[%parallel_loop3A_201, %parallel_loop3A_202] {strides = array<i32>} : memref<20x512xi32, #tpu.memory_space<vmem>>, vector<16xi32>,
          %parallel_loop3A_204 = tpu.vector_load_idx %arg8[%parallel_loop3A_203] : memref<100000xf32, #tpu.memory_space<vmem>>[vector<16xi32>], vector<16xf32>,
          %parallel_loop3A_205 = arith.mulf %parallel_loop3A_204, %gather3A : vector<16xf32>
          %parallel_loop3A_206 = arith.addf %parallel_loop3A_205, %broadcast_in_dim3A_38 : vector<16xf32>
          %parallel_loop3A_207 = arith.addf %parallel_loop3A_167, %parallel_loop3A_206 : vector<16xf32>
          %parallel_loop3A_208 = arith.constant 16 : i32
          %parallel_loop3A_209 = arith.muli %parallel_loop3A_159, %parallel_loop3A_208 : i32
          %parallel_loop3A_210 = arith.constant 4 : i32
          %parallel_loop3A_211 = arith.index_cast %parallel_loop3A_210 : i32 to index
          %parallel_loop3A_212 = arith.index_cast %parallel_loop3A_209 : i32 to index
          %parallel_loop3A_213 = tpu.vector_load %arg9[%parallel_loop3A_211, %parallel_loop3A_212] {strides = array<i32>} : memref<20x512xi32, #tpu.memory_space<vmem>>, vector<16xi32>,
          %parallel_loop3A_214 = tpu.vector_load_idx %arg8[%parallel_loop3A_213] : memref<100000xf32, #tpu.memory_space<vmem>>[vector<16xi32>], vector<16xf32>,
          %parallel_loop3A_215 = arith.mulf %parallel_loop3A_214, %gather3A : vector<16xf32>
          %parallel_loop3A_216 = arith.addf %parallel_loop3A_215, %broadcast_in_dim3A_38 : vector<16xf32>
          %parallel_loop3A_217 = arith.addf %parallel_loop3A_177, %parallel_loop3A_216 : vector<16xf32>
          %parallel_loop3A_218 = arith.constant 16 : i32
          %parallel_loop3A_219 = arith.muli %parallel_loop3A_159, %parallel_loop3A_218 : i32
          %parallel_loop3A_220 = arith.constant 5 : i32
          %parallel_loop3A_221 = arith.index_cast %parallel_loop3A_220 : i32 to index
          %parallel_loop3A_222 = arith.index_cast %parallel_loop3A_219 : i32 to index
          %parallel_loop3A_223 = tpu.vector_load %arg9[%parallel_loop3A_221, %parallel_loop3A_222] {strides = array<i32>} : memref<20x512xi32, #tpu.memory_space<vmem>>, vector<16xi32>,
          %parallel_loop3A_224 = tpu.vector_load_idx %arg8[%parallel_loop3A_223] : memref<100000xf32, #tpu.memory_space<vmem>>[vector<16xi32>], vector<16xf32>,
          %parallel_loop3A_225 = arith.mulf %parallel_loop3A_224, %gather3A : vector<16xf32>
          %parallel_loop3A_226 = arith.addf %parallel_loop3A_225, %broadcast_in_dim3A_38 : vector<16xf32>
          %parallel_loop3A_227 = arith.addf %parallel_loop3A_187, %parallel_loop3A_226 : vector<16xf32>
          %parallel_loop3A_228 = arith.constant 16 : i32
          %parallel_loop3A_229 = arith.muli %parallel_loop3A_159, %parallel_loop3A_228 : i32
          %parallel_loop3A_230 = arith.constant 6 : i32
          %parallel_loop3A_231 = arith.index_cast %parallel_loop3A_230 : i32 to index
          %parallel_loop3A_232 = arith.index_cast %parallel_loop3A_229 : i32 to index
          %parallel_loop3A_233 = tpu.vector_load %arg9[%parallel_loop3A_231, %parallel_loop3A_232] {strides = array<i32>} : memref<20x512xi32, #tpu.memory_space<vmem>>, vector<16xi32>,
          %parallel_loop3A_234 = tpu.vector_load_idx %arg8[%parallel_loop3A_233] : memref<100000xf32, #tpu.memory_space<vmem>>[vector<16xi32>], vector<16xf32>,
          %parallel_loop3A_235 = arith.mulf %parallel_loop3A_234, %gather3A : vector<16xf32>
          %parallel_loop3A_236 = arith.addf %parallel_loop3A_235, %broadcast_in_dim3A_38 : vector<16xf32>
          %parallel_loop3A_237 = arith.addf %parallel_loop3A_197, %parallel_loop3A_236 : vector<16xf32>
          %parallel_loop3A_238 = arith.constant 16 : i32
          %parallel_loop3A_239 = arith.muli %parallel_loop3A_159, %parallel_loop3A_238 : i32
          %parallel_loop3A_240 = arith.constant 7 : i32
          %parallel_loop3A_241 = arith.index_cast %parallel_loop3A_240 : i32 to index
          %parallel_loop3A_242 = arith.index_cast %parallel_loop3A_239 : i32 to index
          %parallel_loop3A_243 = tpu.vector_load %arg9[%parallel_loop3A_241, %parallel_loop3A_242] {strides = array<i32>} : memref<20x512xi32, #tpu.memory_space<vmem>>, vector<16xi32>,
          %parallel_loop3A_244 = tpu.vector_load_idx %arg8[%parallel_loop3A_243] : memref<100000xf32, #tpu.memory_space<vmem>>[vector<16xi32>], vector<16xf32>,
          %parallel_loop3A_245 = arith.mulf %parallel_loop3A_244, %gather3A : vector<16xf32>
          %parallel_loop3A_246 = arith.addf %parallel_loop3A_245, %broadcast_in_dim3A_38 : vector<16xf32>
          %parallel_loop3A_247 = arith.addf %parallel_loop3A_207, %parallel_loop3A_246 : vector<16xf32>
          %parallel_loop3A_248 = arith.constant 16 : i32
          %parallel_loop3A_249 = arith.muli %parallel_loop3A_159, %parallel_loop3A_248 : i32
          %parallel_loop3A_250 = arith.constant 8 : i32
          %parallel_loop3A_251 = arith.index_cast %parallel_loop3A_250 : i32 to index
          %parallel_loop3A_252 = arith.index_cast %parallel_loop3A_249 : i32 to index
          %parallel_loop3A_253 = tpu.vector_load %arg9[%parallel_loop3A_251, %parallel_loop3A_252] {strides = array<i32>} : memref<20x512xi32, #tpu.memory_space<vmem>>, vector<16xi32>,
          %parallel_loop3A_254 = tpu.vector_load_idx %arg8[%parallel_loop3A_253] : memref<100000xf32, #tpu.memory_space<vmem>>[vector<16xi32>], vector<16xf32>,
          %parallel_loop3A_255 = arith.mulf %parallel_loop3A_254, %gather3A : vector<16xf32>
          %parallel_loop3A_256 = arith.addf %parallel_loop3A_255, %broadcast_in_dim3A_38 : vector<16xf32>
          %parallel_loop3A_257 = arith.addf %parallel_loop3A_217, %parallel_loop3A_256 : vector<16xf32>
          %parallel_loop3A_258 = arith.constant 16 : i32
          %parallel_loop3A_259 = arith.muli %parallel_loop3A_159, %parallel_loop3A_258 : i32
          %parallel_loop3A_260 = arith.constant 9 : i32
          %parallel_loop3A_261 = arith.index_cast %parallel_loop3A_260 : i32 to index
          %parallel_loop3A_262 = arith.index_cast %parallel_loop3A_259 : i32 to index
          %parallel_loop3A_263 = tpu.vector_load %arg9[%parallel_loop3A_261, %parallel_loop3A_262] {strides = array<i32>} : memref<20x512xi32, #tpu.memory_space<vmem>>, vector<16xi32>,
          %parallel_loop3A_264 = tpu.vector_load_idx %arg8[%parallel_loop3A_263] : memref<100000xf32, #tpu.memory_space<vmem>>[vector<16xi32>], vector<16xf32>,
          %parallel_loop3A_265 = arith.mulf %parallel_loop3A_264, %gather3A : vector<16xf32>
          %parallel_loop3A_266 = arith.addf %parallel_loop3A_265, %broadcast_in_dim3A_38 : vector<16xf32>
          %parallel_loop3A_267 = arith.addf %parallel_loop3A_227, %parallel_loop3A_266 : vector<16xf32>
          %parallel_loop3A_268 = arith.constant 16 : i32
          %parallel_loop3A_269 = arith.muli %parallel_loop3A_159, %parallel_loop3A_268 : i32
          %parallel_loop3A_270 = arith.constant 10 : i32
          %parallel_loop3A_271 = arith.index_cast %parallel_loop3A_270 : i32 to index
          %parallel_loop3A_272 = arith.index_cast %parallel_loop3A_269 : i32 to index
          %parallel_loop3A_273 = tpu.vector_load %arg9[%parallel_loop3A_271, %parallel_loop3A_272] {strides = array<i32>} : memref<20x512xi32, #tpu.memory_space<vmem>>, vector<16xi32>,
          %parallel_loop3A_274 = tpu.vector_load_idx %arg8[%parallel_loop3A_273] : memref<100000xf32, #tpu.memory_space<vmem>>[vector<16xi32>], vector<16xf32>,
          %parallel_loop3A_275 = arith.mulf %parallel_loop3A_274, %gather3A : vector<16xf32>
          %parallel_loop3A_276 = arith.addf %parallel_loop3A_275, %broadcast_in_dim3A_38 : vector<16xf32>
          %parallel_loop3A_277 = arith.addf %parallel_loop3A_237, %parallel_loop3A_276 : vector<16xf32>
          %parallel_loop3A_278 = arith.constant 16 : i32
          %parallel_loop3A_279 = arith.muli %parallel_loop3A_159, %parallel_loop3A_278 : i32
          %parallel_loop3A_280 = arith.constant 11 : i32
          %parallel_loop3A_281 = arith.index_cast %parallel_loop3A_280 : i32 to index
          %parallel_loop3A_282 = arith.index_cast %parallel_loop3A_279 : i32 to index
          %parallel_loop3A_283 = tpu.vector_load %arg9[%parallel_loop3A_281, %parallel_loop3A_282] {strides = array<i32>} : memref<20x512xi32, #tpu.memory_space<vmem>>, vector<16xi32>,
          %parallel_loop3A_284 = tpu.vector_load_idx %arg8[%parallel_loop3A_283] : memref<100000xf32, #tpu.memory_space<vmem>>[vector<16xi32>], vector<16xf32>,
          %parallel_loop3A_285 = arith.mulf %parallel_loop3A_284, %gather3A : vector<16xf32>
          %parallel_loop3A_286 = arith.addf %parallel_loop3A_285, %broadcast_in_dim3A_38 : vector<16xf32>
          %parallel_loop3A_287 = arith.addf %parallel_loop3A_247, %parallel_loop3A_286 : vector<16xf32>
          %parallel_loop3A_288 = arith.constant 16 : i32
          %parallel_loop3A_289 = arith.muli %parallel_loop3A_159, %parallel_loop3A_288 : i32
          %parallel_loop3A_290 = arith.constant 12 : i32
          %parallel_loop3A_291 = arith.index_cast %parallel_loop3A_290 : i32 to index
          %parallel_loop3A_292 = arith.index_cast %parallel_loop3A_289 : i32 to index
          %parallel_loop3A_293 = tpu.vector_load %arg9[%parallel_loop3A_291, %parallel_loop3A_292] {strides = array<i32>} : memref<20x512xi32, #tpu.memory_space<vmem>>, vector<16xi32>,
          %parallel_loop3A_294 = tpu.vector_load_idx %arg8[%parallel_loop3A_293] : memref<100000xf32, #tpu.memory_space<vmem>>[vector<16xi32>], vector<16xf32>,
          %parallel_loop3A_295 = arith.mulf %parallel_loop3A_294, %gather3A : vector<16xf32>
          %parallel_loop3A_296 = arith.addf %parallel_loop3A_295, %broadcast_in_dim3A_38 : vector<16xf32>
          %parallel_loop3A_297 = arith.addf %parallel_loop3A_257, %parallel_loop3A_296 : vector<16xf32>
          %parallel_loop3A_298 = arith.constant 16 : i32
          %parallel_loop3A_299 = arith.muli %parallel_loop3A_159, %parallel_loop3A_298 : i32
          %parallel_loop3A_300 = arith.constant 13 : i32
          %parallel_loop3A_301 = arith.index_cast %parallel_loop3A_300 : i32 to index
          %parallel_loop3A_302 = arith.index_cast %parallel_loop3A_299 : i32 to index
          %parallel_loop3A_303 = tpu.vector_load %arg9[%parallel_loop3A_301, %parallel_loop3A_302] {strides = array<i32>} : memref<20x512xi32, #tpu.memory_space<vmem>>, vector<16xi32>,
          %parallel_loop3A_304 = tpu.vector_load_idx %arg8[%parallel_loop3A_303] : memref<100000xf32, #tpu.memory_space<vmem>>[vector<16xi32>], vector<16xf32>,
          %parallel_loop3A_305 = arith.mulf %parallel_loop3A_304, %gather3A : vector<16xf32>
          %parallel_loop3A_306 = arith.addf %parallel_loop3A_305, %broadcast_in_dim3A_38 : vector<16xf32>
          %parallel_loop3A_307 = arith.addf %parallel_loop3A_267, %parallel_loop3A_306 : vector<16xf32>
          %parallel_loop3A_308 = arith.constant 16 : i32
          %parallel_loop3A_309 = arith.muli %parallel_loop3A_159, %parallel_loop3A_308 : i32
          %parallel_loop3A_310 = arith.constant 14 : i32
          %parallel_loop3A_311 = arith.index_cast %parallel_loop3A_310 : i32 to index
          %parallel_loop3A_312 = arith.index_cast %parallel_loop3A_309 : i32 to index
          %parallel_loop3A_313 = tpu.vector_load %arg9[%parallel_loop3A_311, %parallel_loop3A_312] {strides = array<i32>} : memref<20x512xi32, #tpu.memory_space<vmem>>, vector<16xi32>,
          %parallel_loop3A_314 = tpu.vector_load_idx %arg8[%parallel_loop3A_313] : memref<100000xf32, #tpu.memory_space<vmem>>[vector<16xi32>], vector<16xf32>,
          %parallel_loop3A_315 = arith.mulf %parallel_loop3A_314, %gather3A : vector<16xf32>
          %parallel_loop3A_316 = arith.addf %parallel_loop3A_315, %broadcast_in_dim3A_38 : vector<16xf32>
          %parallel_loop3A_317 = arith.addf %parallel_loop3A_277, %parallel_loop3A_316 : vector<16xf32>
          %parallel_loop3A_318 = arith.constant 16 : i32
          %parallel_loop3A_319 = arith.muli %parallel_loop3A_159, %parallel_loop3A_318 : i32
          %parallel_loop3A_320 = arith.constant 15 : i32
          %parallel_loop3A_321 = arith.index_cast %parallel_loop3A_320 : i32 to index
          %parallel_loop3A_322 = arith.index_cast %parallel_loop3A_319 : i32 to index
          %parallel_loop3A_323 = tpu.vector_load %arg9[%parallel_loop3A_321, %parallel_loop3A_322] {strides = array<i32>} : memref<20x512xi32, #tpu.memory_space<vmem>>, vector<16xi32>,
          %parallel_loop3A_324 = tpu.vector_load_idx %arg8[%parallel_loop3A_323] : memref<100000xf32, #tpu.memory_space<vmem>>[vector<16xi32>], vector<16xf32>,
          %parallel_loop3A_325 = arith.mulf %parallel_loop3A_324, %gather3A : vector<16xf32>
          %parallel_loop3A_326 = arith.addf %parallel_loop3A_325, %broadcast_in_dim3A_38 : vector<16xf32>
          %parallel_loop3A_327 = arith.addf %parallel_loop3A_287, %parallel_loop3A_326 : vector<16xf32>
          %parallel_loop3A_328 = arith.constant 16 : i32
          %parallel_loop3A_329 = arith.muli %parallel_loop3A_159, %parallel_loop3A_328 : i32
          %parallel_loop3A_330 = arith.constant 16 : i32
          %parallel_loop3A_331 = arith.index_cast %parallel_loop3A_330 : i32 to index
          %parallel_loop3A_332 = arith.index_cast %parallel_loop3A_329 : i32 to index
          %parallel_loop3A_333 = tpu.vector_load %arg9[%parallel_loop3A_331, %parallel_loop3A_332] {strides = array<i32>} : memref<20x512xi32, #tpu.memory_space<vmem>>, vector<16xi32>,
          %parallel_loop3A_334 = tpu.vector_load_idx %arg8[%parallel_loop3A_333] : memref<100000xf32, #tpu.memory_space<vmem>>[vector<16xi32>], vector<16xf32>,
          %parallel_loop3A_335 = arith.mulf %parallel_loop3A_334, %gather3A : vector<16xf32>
          %parallel_loop3A_336 = arith.addf %parallel_loop3A_335, %broadcast_in_dim3A_38 : vector<16xf32>
          %parallel_loop3A_337 = arith.addf %parallel_loop3A_297, %parallel_loop3A_336 : vector<16xf32>
          %parallel_loop3A_338 = arith.constant 16 : i32
          %parallel_loop3A_339 = arith.muli %parallel_loop3A_159, %parallel_loop3A_338 : i32
          %parallel_loop3A_340 = arith.constant 17 : i32
          %parallel_loop3A_341 = arith.index_cast %parallel_loop3A_340 : i32 to index
          %parallel_loop3A_342 = arith.index_cast %parallel_loop3A_339 : i32 to index
          %parallel_loop3A_343 = tpu.vector_load %arg9[%parallel_loop3A_341, %parallel_loop3A_342] {strides = array<i32>} : memref<20x512xi32, #tpu.memory_space<vmem>>, vector<16xi32>,
          %parallel_loop3A_344 = tpu.vector_load_idx %arg8[%parallel_loop3A_343] : memref<100000xf32, #tpu.memory_space<vmem>>[vector<16xi32>], vector<16xf32>,
          %parallel_loop3A_345 = arith.mulf %parallel_loop3A_344, %gather3A : vector<16xf32>
          %parallel_loop3A_346 = arith.addf %parallel_loop3A_345, %broadcast_in_dim3A_38 : vector<16xf32>
          %parallel_loop3A_347 = arith.addf %parallel_loop3A_307, %parallel_loop3A_346 : vector<16xf32>
          %parallel_loop3A_348 = arith.constant 16 : i32
          %parallel_loop3A_349 = arith.muli %parallel_loop3A_159, %parallel_loop3A_348 : i32
          %parallel_loop3A_350 = arith.constant 18 : i32
          %parallel_loop3A_351 = arith.index_cast %parallel_loop3A_350 : i32 to index
          %parallel_loop3A_352 = arith.index_cast %parallel_loop3A_349 : i32 to index
          %parallel_loop3A_353 = tpu.vector_load %arg9[%parallel_loop3A_351, %parallel_loop3A_352] {strides = array<i32>} : memref<20x512xi32, #tpu.memory_space<vmem>>, vector<16xi32>,
          %parallel_loop3A_354 = tpu.vector_load_idx %arg8[%parallel_loop3A_353] : memref<100000xf32, #tpu.memory_space<vmem>>[vector<16xi32>], vector<16xf32>,
          %parallel_loop3A_355 = arith.mulf %parallel_loop3A_354, %gather3A : vector<16xf32>
          %parallel_loop3A_356 = arith.addf %parallel_loop3A_355, %broadcast_in_dim3A_38 : vector<16xf32>
          %parallel_loop3A_357 = arith.addf %parallel_loop3A_317, %parallel_loop3A_356 : vector<16xf32>
          %parallel_loop3A_358 = arith.constant 16 : i32
          %parallel_loop3A_359 = arith.muli %parallel_loop3A_159, %parallel_loop3A_358 : i32
          %parallel_loop3A_360 = arith.constant 19 : i32
          %parallel_loop3A_361 = arith.index_cast %parallel_loop3A_360 : i32 to index
          %parallel_loop3A_362 = arith.index_cast %parallel_loop3A_359 : i32 to index
          %parallel_loop3A_363 = tpu.vector_load %arg9[%parallel_loop3A_361, %parallel_loop3A_362] {strides = array<i32>} : memref<20x512xi32, #tpu.memory_space<vmem>>, vector<16xi32>,
          %parallel_loop3A_364 = tpu.vector_load_idx %arg8[%parallel_loop3A_363] : memref<100000xf32, #tpu.memory_space<vmem>>[vector<16xi32>], vector<16xf32>,
          %parallel_loop3A_365 = arith.mulf %parallel_loop3A_364, %gather3A : vector<16xf32>
          %parallel_loop3A_366 = arith.addf %parallel_loop3A_365, %broadcast_in_dim3A_38 : vector<16xf32>
          %parallel_loop3A_367 = arith.addf %parallel_loop3A_327, %parallel_loop3A_366 : vector<16xf32>
          %parallel_loop3A_368 = arith.addf %parallel_loop3A_337, %parallel_loop3A_347 : vector<16xf32>
          %parallel_loop3A_369 = arith.addf %parallel_loop3A_357, %parallel_loop3A_367 : vector<16xf32>
          %parallel_loop3A_370 = arith.addf %parallel_loop3A_368, %parallel_loop3A_369 : vector<16xf32>
          %parallel_loop3A_371 = arith.subf %parallel_loop3A_370, %broadcast_in_dim3A_40 : vector<16xf32>
          %parallel_loop3A_372 = arith.mulf %parallel_loop3A_371, %gather3A_35 : vector<16xf32>
          %parallel_loop3A_373 = arith.addf %parallel_loop3A_372, %gather3A_36 : vector<16xf32>
          %parallel_loop3A_374 = arith.constant 16 : i32
          %parallel_loop3A_375 = arith.muli %parallel_loop3A_159, %parallel_loop3A_374 : i32
          %parallel_loop3A_376 = arith.constant 0 : i32
          %parallel_loop3A_377 = arith.addi %parallel_loop3A_376, %parallel_loop3A_375 : i32
          %parallel_loop3A_378 = arith.index_cast %parallel_loop3A_377 : i32 to index
          %parallel_loop3A_379 = tpu.vector_load %arg11[%parallel_loop3A_378] {strides = array<i32>} : memref<4096xf32, #tpu.memory_space<vmem>>, vector<16xf32>,
          tpu.vector_store %arg11[%parallel_loop3A_378], %parallel_loop3A_373 {strides = array<i32>} : memref<4096xf32, #tpu.memory_space<vmem>>, vector<16xf32>,
        } {sc.loop_unroll_factor = 1 : i64, sc.parallel_access}
        %dma_wait3A_60 = arith.constant 0 : i32
        %dma_wait3A_61 = arith.constant 0 : i32
        %dma_wait3A_62 = tpu.memref_slice %arg2[%dma_wait3A_60, %dma_wait3A_61] : memref<20x4096xi32, #tpu.memory_space<hbm>> -> memref<20x512xi32, #tpu.memory_space<hbm>>
        %dma_wait3A_63 = arith.constant 0 : i32
        %dma_wait3A_64 = arith.constant 0 : i32
        %dma_wait3A_65 = tpu.memref_slice %arg2[%dma_wait3A_63, %dma_wait3A_64] : memref<20x4096xi32, #tpu.memory_space<hbm>> -> memref<20x512xi32, #tpu.memory_space<hbm>>
        tpu.wait_dma2 semaphore(%arg20 : memref<!tpu.dma_semaphore, #tpu.memory_space<semaphore_mem>>) src(%dma_wait3A_65 : memref<20x512xi32, #tpu.memory_space<hbm>>) dst(%arg10 : memref<20x512xi32, #tpu.memory_space<vmem>>)
        %dma_start3A_66 = arith.constant 0 : i32
        %dma_start3A_67 = arith.constant 1024 : i32
        %dma_start3A_68 = tpu.memref_slice %arg2[%dma_start3A_66, %dma_start3A_67] : memref<20x4096xi32, #tpu.memory_space<hbm>> -> memref<20x512xi32, #tpu.memory_space<hbm>>
        %dma_start3A_69 = arith.constant 0 : i32
        %dma_start3A_70 = arith.constant 1024 : i32
        %dma_start3A_71 = tpu.memref_slice %arg2[%dma_start3A_69, %dma_start3A_70] : memref<20x4096xi32, #tpu.memory_space<hbm>> -> memref<20x512xi32, #tpu.memory_space<hbm>>
        tpu.enqueue_dma source(%dma_start3A_71 : memref<20x512xi32, #tpu.memory_space<hbm>>) target(%arg9 : memref<20x512xi32, #tpu.memory_space<vmem>>) target_semaphore(%arg19 : memref<!tpu.dma_semaphore, #tpu.memory_space<semaphore_mem>>)
        %parallel_loop3A_72 = arith.constant 0 : i32
        %parallel_loop3A_73 = arith.constant 32 : i32
        %parallel_loop3A_74 = arith.constant 1 : i32
        scf.for %parallel_loop3A_159 = %parallel_loop3A_72 to %parallel_loop3A_73 step %parallel_loop3A_74  : i32 {
          %parallel_loop3A_160 = arith.constant 0.000000e+00 : f32
          %parallel_loop3A_161 = vector.broadcast %parallel_loop3A_160 : f32 to vector<16xf32>
          %parallel_loop3A_162 = arith.constant 0.000000e+00 : f32
          %parallel_loop3A_163 = vector.broadcast %parallel_loop3A_162 : f32 to vector<16xf32>
          %parallel_loop3A_164 = arith.constant 0.000000e+00 : f32
          %parallel_loop3A_165 = vector.broadcast %parallel_loop3A_164 : f32 to vector<16xf32>
          %parallel_loop3A_166 = arith.constant 0.000000e+00 : f32
          %parallel_loop3A_167 = vector.broadcast %parallel_loop3A_166 : f32 to vector<16xf32>
          %parallel_loop3A_168 = arith.constant 16 : i32
          %parallel_loop3A_169 = arith.muli %parallel_loop3A_159, %parallel_loop3A_168 : i32
          %parallel_loop3A_170 = arith.constant 0 : i32
          %parallel_loop3A_171 = arith.index_cast %parallel_loop3A_170 : i32 to index
          %parallel_loop3A_172 = arith.index_cast %parallel_loop3A_169 : i32 to index
          %parallel_loop3A_173 = tpu.vector_load %arg10[%parallel_loop3A_171, %parallel_loop3A_172] {strides = array<i32>} : memref<20x512xi32, #tpu.memory_space<vmem>>, vector<16xi32>,
          %parallel_loop3A_174 = tpu.vector_load_idx %arg8[%parallel_loop3A_173] : memref<100000xf32, #tpu.memory_space<vmem>>[vector<16xi32>], vector<16xf32>,
          %parallel_loop3A_175 = arith.mulf %parallel_loop3A_174, %gather3A : vector<16xf32>
          %parallel_loop3A_176 = arith.addf %parallel_loop3A_175, %broadcast_in_dim3A_38 : vector<16xf32>
          %parallel_loop3A_177 = arith.addf %parallel_loop3A_161, %parallel_loop3A_176 : vector<16xf32>
          %parallel_loop3A_178 = arith.constant 16 : i32
          %parallel_loop3A_179 = arith.muli %parallel_loop3A_159, %parallel_loop3A_178 : i32
          %parallel_loop3A_180 = arith.constant 1 : i32
          %parallel_loop3A_181 = arith.index_cast %parallel_loop3A_180 : i32 to index
          %parallel_loop3A_182 = arith.index_cast %parallel_loop3A_179 : i32 to index
          %parallel_loop3A_183 = tpu.vector_load %arg10[%parallel_loop3A_181, %parallel_loop3A_182] {strides = array<i32>} : memref<20x512xi32, #tpu.memory_space<vmem>>, vector<16xi32>,
          %parallel_loop3A_184 = tpu.vector_load_idx %arg8[%parallel_loop3A_183] : memref<100000xf32, #tpu.memory_space<vmem>>[vector<16xi32>], vector<16xf32>,
          %parallel_loop3A_185 = arith.mulf %parallel_loop3A_184, %gather3A : vector<16xf32>
          %parallel_loop3A_186 = arith.addf %parallel_loop3A_185, %broadcast_in_dim3A_38 : vector<16xf32>
          %parallel_loop3A_187 = arith.addf %parallel_loop3A_163, %parallel_loop3A_186 : vector<16xf32>
          %parallel_loop3A_188 = arith.constant 16 : i32
          %parallel_loop3A_189 = arith.muli %parallel_loop3A_159, %parallel_loop3A_188 : i32
          %parallel_loop3A_190 = arith.constant 2 : i32
          %parallel_loop3A_191 = arith.index_cast %parallel_loop3A_190 : i32 to index
          %parallel_loop3A_192 = arith.index_cast %parallel_loop3A_189 : i32 to index
          %parallel_loop3A_193 = tpu.vector_load %arg10[%parallel_loop3A_191, %parallel_loop3A_192] {strides = array<i32>} : memref<20x512xi32, #tpu.memory_space<vmem>>, vector<16xi32>,
          %parallel_loop3A_194 = tpu.vector_load_idx %arg8[%parallel_loop3A_193] : memref<100000xf32, #tpu.memory_space<vmem>>[vector<16xi32>], vector<16xf32>,
          %parallel_loop3A_195 = arith.mulf %parallel_loop3A_194, %gather3A : vector<16xf32>
          %parallel_loop3A_196 = arith.addf %parallel_loop3A_195, %broadcast_in_dim3A_38 : vector<16xf32>
          %parallel_loop3A_197 = arith.addf %parallel_loop3A_165, %parallel_loop3A_196 : vector<16xf32>
          %parallel_loop3A_198 = arith.constant 16 : i32
          %parallel_loop3A_199 = arith.muli %parallel_loop3A_159, %parallel_loop3A_198 : i32
          %parallel_loop3A_200 = arith.constant 3 : i32
          %parallel_loop3A_201 = arith.index_cast %parallel_loop3A_200 : i32 to index
          %parallel_loop3A_202 = arith.index_cast %parallel_loop3A_199 : i32 to index
          %parallel_loop3A_203 = tpu.vector_load %arg10[%parallel_loop3A_201, %parallel_loop3A_202] {strides = array<i32>} : memref<20x512xi32, #tpu.memory_space<vmem>>, vector<16xi32>,
          %parallel_loop3A_204 = tpu.vector_load_idx %arg8[%parallel_loop3A_203] : memref<100000xf32, #tpu.memory_space<vmem>>[vector<16xi32>], vector<16xf32>,
          %parallel_loop3A_205 = arith.mulf %parallel_loop3A_204, %gather3A : vector<16xf32>
          %parallel_loop3A_206 = arith.addf %parallel_loop3A_205, %broadcast_in_dim3A_38 : vector<16xf32>
          %parallel_loop3A_207 = arith.addf %parallel_loop3A_167, %parallel_loop3A_206 : vector<16xf32>
          %parallel_loop3A_208 = arith.constant 16 : i32
          %parallel_loop3A_209 = arith.muli %parallel_loop3A_159, %parallel_loop3A_208 : i32
          %parallel_loop3A_210 = arith.constant 4 : i32
          %parallel_loop3A_211 = arith.index_cast %parallel_loop3A_210 : i32 to index
          %parallel_loop3A_212 = arith.index_cast %parallel_loop3A_209 : i32 to index
          %parallel_loop3A_213 = tpu.vector_load %arg10[%parallel_loop3A_211, %parallel_loop3A_212] {strides = array<i32>} : memref<20x512xi32, #tpu.memory_space<vmem>>, vector<16xi32>,
          %parallel_loop3A_214 = tpu.vector_load_idx %arg8[%parallel_loop3A_213] : memref<100000xf32, #tpu.memory_space<vmem>>[vector<16xi32>], vector<16xf32>,
          %parallel_loop3A_215 = arith.mulf %parallel_loop3A_214, %gather3A : vector<16xf32>
          %parallel_loop3A_216 = arith.addf %parallel_loop3A_215, %broadcast_in_dim3A_38 : vector<16xf32>
          %parallel_loop3A_217 = arith.addf %parallel_loop3A_177, %parallel_loop3A_216 : vector<16xf32>
          %parallel_loop3A_218 = arith.constant 16 : i32
          %parallel_loop3A_219 = arith.muli %parallel_loop3A_159, %parallel_loop3A_218 : i32
          %parallel_loop3A_220 = arith.constant 5 : i32
          %parallel_loop3A_221 = arith.index_cast %parallel_loop3A_220 : i32 to index
          %parallel_loop3A_222 = arith.index_cast %parallel_loop3A_219 : i32 to index
          %parallel_loop3A_223 = tpu.vector_load %arg10[%parallel_loop3A_221, %parallel_loop3A_222] {strides = array<i32>} : memref<20x512xi32, #tpu.memory_space<vmem>>, vector<16xi32>,
          %parallel_loop3A_224 = tpu.vector_load_idx %arg8[%parallel_loop3A_223] : memref<100000xf32, #tpu.memory_space<vmem>>[vector<16xi32>], vector<16xf32>,
          %parallel_loop3A_225 = arith.mulf %parallel_loop3A_224, %gather3A : vector<16xf32>
          %parallel_loop3A_226 = arith.addf %parallel_loop3A_225, %broadcast_in_dim3A_38 : vector<16xf32>
          %parallel_loop3A_227 = arith.addf %parallel_loop3A_187, %parallel_loop3A_226 : vector<16xf32>
          %parallel_loop3A_228 = arith.constant 16 : i32
          %parallel_loop3A_229 = arith.muli %parallel_loop3A_159, %parallel_loop3A_228 : i32
          %parallel_loop3A_230 = arith.constant 6 : i32
          %parallel_loop3A_231 = arith.index_cast %parallel_loop3A_230 : i32 to index
          %parallel_loop3A_232 = arith.index_cast %parallel_loop3A_229 : i32 to index
          %parallel_loop3A_233 = tpu.vector_load %arg10[%parallel_loop3A_231, %parallel_loop3A_232] {strides = array<i32>} : memref<20x512xi32, #tpu.memory_space<vmem>>, vector<16xi32>,
          %parallel_loop3A_234 = tpu.vector_load_idx %arg8[%parallel_loop3A_233] : memref<100000xf32, #tpu.memory_space<vmem>>[vector<16xi32>], vector<16xf32>,
          %parallel_loop3A_235 = arith.mulf %parallel_loop3A_234, %gather3A : vector<16xf32>
          %parallel_loop3A_236 = arith.addf %parallel_loop3A_235, %broadcast_in_dim3A_38 : vector<16xf32>
          %parallel_loop3A_237 = arith.addf %parallel_loop3A_197, %parallel_loop3A_236 : vector<16xf32>
          %parallel_loop3A_238 = arith.constant 16 : i32
          %parallel_loop3A_239 = arith.muli %parallel_loop3A_159, %parallel_loop3A_238 : i32
          %parallel_loop3A_240 = arith.constant 7 : i32
          %parallel_loop3A_241 = arith.index_cast %parallel_loop3A_240 : i32 to index
          %parallel_loop3A_242 = arith.index_cast %parallel_loop3A_239 : i32 to index
          %parallel_loop3A_243 = tpu.vector_load %arg10[%parallel_loop3A_241, %parallel_loop3A_242] {strides = array<i32>} : memref<20x512xi32, #tpu.memory_space<vmem>>, vector<16xi32>,
          %parallel_loop3A_244 = tpu.vector_load_idx %arg8[%parallel_loop3A_243] : memref<100000xf32, #tpu.memory_space<vmem>>[vector<16xi32>], vector<16xf32>,
          %parallel_loop3A_245 = arith.mulf %parallel_loop3A_244, %gather3A : vector<16xf32>
          %parallel_loop3A_246 = arith.addf %parallel_loop3A_245, %broadcast_in_dim3A_38 : vector<16xf32>
          %parallel_loop3A_247 = arith.addf %parallel_loop3A_207, %parallel_loop3A_246 : vector<16xf32>
          %parallel_loop3A_248 = arith.constant 16 : i32
          %parallel_loop3A_249 = arith.muli %parallel_loop3A_159, %parallel_loop3A_248 : i32
          %parallel_loop3A_250 = arith.constant 8 : i32
          %parallel_loop3A_251 = arith.index_cast %parallel_loop3A_250 : i32 to index
          %parallel_loop3A_252 = arith.index_cast %parallel_loop3A_249 : i32 to index
          %parallel_loop3A_253 = tpu.vector_load %arg10[%parallel_loop3A_251, %parallel_loop3A_252] {strides = array<i32>} : memref<20x512xi32, #tpu.memory_space<vmem>>, vector<16xi32>,
          %parallel_loop3A_254 = tpu.vector_load_idx %arg8[%parallel_loop3A_253] : memref<100000xf32, #tpu.memory_space<vmem>>[vector<16xi32>], vector<16xf32>,
          %parallel_loop3A_255 = arith.mulf %parallel_loop3A_254, %gather3A : vector<16xf32>
          %parallel_loop3A_256 = arith.addf %parallel_loop3A_255, %broadcast_in_dim3A_38 : vector<16xf32>
          %parallel_loop3A_257 = arith.addf %parallel_loop3A_217, %parallel_loop3A_256 : vector<16xf32>
          %parallel_loop3A_258 = arith.constant 16 : i32
          %parallel_loop3A_259 = arith.muli %parallel_loop3A_159, %parallel_loop3A_258 : i32
          %parallel_loop3A_260 = arith.constant 9 : i32
          %parallel_loop3A_261 = arith.index_cast %parallel_loop3A_260 : i32 to index
          %parallel_loop3A_262 = arith.index_cast %parallel_loop3A_259 : i32 to index
          %parallel_loop3A_263 = tpu.vector_load %arg10[%parallel_loop3A_261, %parallel_loop3A_262] {strides = array<i32>} : memref<20x512xi32, #tpu.memory_space<vmem>>, vector<16xi32>,
          %parallel_loop3A_264 = tpu.vector_load_idx %arg8[%parallel_loop3A_263] : memref<100000xf32, #tpu.memory_space<vmem>>[vector<16xi32>], vector<16xf32>,
          %parallel_loop3A_265 = arith.mulf %parallel_loop3A_264, %gather3A : vector<16xf32>
          %parallel_loop3A_266 = arith.addf %parallel_loop3A_265, %broadcast_in_dim3A_38 : vector<16xf32>
          %parallel_loop3A_267 = arith.addf %parallel_loop3A_227, %parallel_loop3A_266 : vector<16xf32>
          %parallel_loop3A_268 = arith.constant 16 : i32
          %parallel_loop3A_269 = arith.muli %parallel_loop3A_159, %parallel_loop3A_268 : i32
          %parallel_loop3A_270 = arith.constant 10 : i32
          %parallel_loop3A_271 = arith.index_cast %parallel_loop3A_270 : i32 to index
          %parallel_loop3A_272 = arith.index_cast %parallel_loop3A_269 : i32 to index
          %parallel_loop3A_273 = tpu.vector_load %arg10[%parallel_loop3A_271, %parallel_loop3A_272] {strides = array<i32>} : memref<20x512xi32, #tpu.memory_space<vmem>>, vector<16xi32>,
          %parallel_loop3A_274 = tpu.vector_load_idx %arg8[%parallel_loop3A_273] : memref<100000xf32, #tpu.memory_space<vmem>>[vector<16xi32>], vector<16xf32>,
          %parallel_loop3A_275 = arith.mulf %parallel_loop3A_274, %gather3A : vector<16xf32>
          %parallel_loop3A_276 = arith.addf %parallel_loop3A_275, %broadcast_in_dim3A_38 : vector<16xf32>
          %parallel_loop3A_277 = arith.addf %parallel_loop3A_237, %parallel_loop3A_276 : vector<16xf32>
          %parallel_loop3A_278 = arith.constant 16 : i32
          %parallel_loop3A_279 = arith.muli %parallel_loop3A_159, %parallel_loop3A_278 : i32
          %parallel_loop3A_280 = arith.constant 11 : i32
          %parallel_loop3A_281 = arith.index_cast %parallel_loop3A_280 : i32 to index
          %parallel_loop3A_282 = arith.index_cast %parallel_loop3A_279 : i32 to index
          %parallel_loop3A_283 = tpu.vector_load %arg10[%parallel_loop3A_281, %parallel_loop3A_282] {strides = array<i32>} : memref<20x512xi32, #tpu.memory_space<vmem>>, vector<16xi32>,
          %parallel_loop3A_284 = tpu.vector_load_idx %arg8[%parallel_loop3A_283] : memref<100000xf32, #tpu.memory_space<vmem>>[vector<16xi32>], vector<16xf32>,
          %parallel_loop3A_285 = arith.mulf %parallel_loop3A_284, %gather3A : vector<16xf32>
          %parallel_loop3A_286 = arith.addf %parallel_loop3A_285, %broadcast_in_dim3A_38 : vector<16xf32>
          %parallel_loop3A_287 = arith.addf %parallel_loop3A_247, %parallel_loop3A_286 : vector<16xf32>
          %parallel_loop3A_288 = arith.constant 16 : i32
          %parallel_loop3A_289 = arith.muli %parallel_loop3A_159, %parallel_loop3A_288 : i32
          %parallel_loop3A_290 = arith.constant 12 : i32
          %parallel_loop3A_291 = arith.index_cast %parallel_loop3A_290 : i32 to index
          %parallel_loop3A_292 = arith.index_cast %parallel_loop3A_289 : i32 to index
          %parallel_loop3A_293 = tpu.vector_load %arg10[%parallel_loop3A_291, %parallel_loop3A_292] {strides = array<i32>} : memref<20x512xi32, #tpu.memory_space<vmem>>, vector<16xi32>,
          %parallel_loop3A_294 = tpu.vector_load_idx %arg8[%parallel_loop3A_293] : memref<100000xf32, #tpu.memory_space<vmem>>[vector<16xi32>], vector<16xf32>,
          %parallel_loop3A_295 = arith.mulf %parallel_loop3A_294, %gather3A : vector<16xf32>
          %parallel_loop3A_296 = arith.addf %parallel_loop3A_295, %broadcast_in_dim3A_38 : vector<16xf32>
          %parallel_loop3A_297 = arith.addf %parallel_loop3A_257, %parallel_loop3A_296 : vector<16xf32>
          %parallel_loop3A_298 = arith.constant 16 : i32
          %parallel_loop3A_299 = arith.muli %parallel_loop3A_159, %parallel_loop3A_298 : i32
          %parallel_loop3A_300 = arith.constant 13 : i32
          %parallel_loop3A_301 = arith.index_cast %parallel_loop3A_300 : i32 to index
          %parallel_loop3A_302 = arith.index_cast %parallel_loop3A_299 : i32 to index
          %parallel_loop3A_303 = tpu.vector_load %arg10[%parallel_loop3A_301, %parallel_loop3A_302] {strides = array<i32>} : memref<20x512xi32, #tpu.memory_space<vmem>>, vector<16xi32>,
          %parallel_loop3A_304 = tpu.vector_load_idx %arg8[%parallel_loop3A_303] : memref<100000xf32, #tpu.memory_space<vmem>>[vector<16xi32>], vector<16xf32>,
          %parallel_loop3A_305 = arith.mulf %parallel_loop3A_304, %gather3A : vector<16xf32>
          %parallel_loop3A_306 = arith.addf %parallel_loop3A_305, %broadcast_in_dim3A_38 : vector<16xf32>
          %parallel_loop3A_307 = arith.addf %parallel_loop3A_267, %parallel_loop3A_306 : vector<16xf32>
          %parallel_loop3A_308 = arith.constant 16 : i32
          %parallel_loop3A_309 = arith.muli %parallel_loop3A_159, %parallel_loop3A_308 : i32
          %parallel_loop3A_310 = arith.constant 14 : i32
          %parallel_loop3A_311 = arith.index_cast %parallel_loop3A_310 : i32 to index
          %parallel_loop3A_312 = arith.index_cast %parallel_loop3A_309 : i32 to index
          %parallel_loop3A_313 = tpu.vector_load %arg10[%parallel_loop3A_311, %parallel_loop3A_312] {strides = array<i32>} : memref<20x512xi32, #tpu.memory_space<vmem>>, vector<16xi32>,
          %parallel_loop3A_314 = tpu.vector_load_idx %arg8[%parallel_loop3A_313] : memref<100000xf32, #tpu.memory_space<vmem>>[vector<16xi32>], vector<16xf32>,
          %parallel_loop3A_315 = arith.mulf %parallel_loop3A_314, %gather3A : vector<16xf32>
          %parallel_loop3A_316 = arith.addf %parallel_loop3A_315, %broadcast_in_dim3A_38 : vector<16xf32>
          %parallel_loop3A_317 = arith.addf %parallel_loop3A_277, %parallel_loop3A_316 : vector<16xf32>
          %parallel_loop3A_318 = arith.constant 16 : i32
          %parallel_loop3A_319 = arith.muli %parallel_loop3A_159, %parallel_loop3A_318 : i32
          %parallel_loop3A_320 = arith.constant 15 : i32
          %parallel_loop3A_321 = arith.index_cast %parallel_loop3A_320 : i32 to index
          %parallel_loop3A_322 = arith.index_cast %parallel_loop3A_319 : i32 to index
          %parallel_loop3A_323 = tpu.vector_load %arg10[%parallel_loop3A_321, %parallel_loop3A_322] {strides = array<i32>} : memref<20x512xi32, #tpu.memory_space<vmem>>, vector<16xi32>,
          %parallel_loop3A_324 = tpu.vector_load_idx %arg8[%parallel_loop3A_323] : memref<100000xf32, #tpu.memory_space<vmem>>[vector<16xi32>], vector<16xf32>,
          %parallel_loop3A_325 = arith.mulf %parallel_loop3A_324, %gather3A : vector<16xf32>
          %parallel_loop3A_326 = arith.addf %parallel_loop3A_325, %broadcast_in_dim3A_38 : vector<16xf32>
          %parallel_loop3A_327 = arith.addf %parallel_loop3A_287, %parallel_loop3A_326 : vector<16xf32>
          %parallel_loop3A_328 = arith.constant 16 : i32
          %parallel_loop3A_329 = arith.muli %parallel_loop3A_159, %parallel_loop3A_328 : i32
          %parallel_loop3A_330 = arith.constant 16 : i32
          %parallel_loop3A_331 = arith.index_cast %parallel_loop3A_330 : i32 to index
          %parallel_loop3A_332 = arith.index_cast %parallel_loop3A_329 : i32 to index
          %parallel_loop3A_333 = tpu.vector_load %arg10[%parallel_loop3A_331, %parallel_loop3A_332] {strides = array<i32>} : memref<20x512xi32, #tpu.memory_space<vmem>>, vector<16xi32>,
          %parallel_loop3A_334 = tpu.vector_load_idx %arg8[%parallel_loop3A_333] : memref<100000xf32, #tpu.memory_space<vmem>>[vector<16xi32>], vector<16xf32>,
          %parallel_loop3A_335 = arith.mulf %parallel_loop3A_334, %gather3A : vector<16xf32>
          %parallel_loop3A_336 = arith.addf %parallel_loop3A_335, %broadcast_in_dim3A_38 : vector<16xf32>
          %parallel_loop3A_337 = arith.addf %parallel_loop3A_297, %parallel_loop3A_336 : vector<16xf32>
          %parallel_loop3A_338 = arith.constant 16 : i32
          %parallel_loop3A_339 = arith.muli %parallel_loop3A_159, %parallel_loop3A_338 : i32
          %parallel_loop3A_340 = arith.constant 17 : i32
          %parallel_loop3A_341 = arith.index_cast %parallel_loop3A_340 : i32 to index
          %parallel_loop3A_342 = arith.index_cast %parallel_loop3A_339 : i32 to index
          %parallel_loop3A_343 = tpu.vector_load %arg10[%parallel_loop3A_341, %parallel_loop3A_342] {strides = array<i32>} : memref<20x512xi32, #tpu.memory_space<vmem>>, vector<16xi32>,
          %parallel_loop3A_344 = tpu.vector_load_idx %arg8[%parallel_loop3A_343] : memref<100000xf32, #tpu.memory_space<vmem>>[vector<16xi32>], vector<16xf32>,
          %parallel_loop3A_345 = arith.mulf %parallel_loop3A_344, %gather3A : vector<16xf32>
          %parallel_loop3A_346 = arith.addf %parallel_loop3A_345, %broadcast_in_dim3A_38 : vector<16xf32>
          %parallel_loop3A_347 = arith.addf %parallel_loop3A_307, %parallel_loop3A_346 : vector<16xf32>
          %parallel_loop3A_348 = arith.constant 16 : i32
          %parallel_loop3A_349 = arith.muli %parallel_loop3A_159, %parallel_loop3A_348 : i32
          %parallel_loop3A_350 = arith.constant 18 : i32
          %parallel_loop3A_351 = arith.index_cast %parallel_loop3A_350 : i32 to index
          %parallel_loop3A_352 = arith.index_cast %parallel_loop3A_349 : i32 to index
          %parallel_loop3A_353 = tpu.vector_load %arg10[%parallel_loop3A_351, %parallel_loop3A_352] {strides = array<i32>} : memref<20x512xi32, #tpu.memory_space<vmem>>, vector<16xi32>,
          %parallel_loop3A_354 = tpu.vector_load_idx %arg8[%parallel_loop3A_353] : memref<100000xf32, #tpu.memory_space<vmem>>[vector<16xi32>], vector<16xf32>,
          %parallel_loop3A_355 = arith.mulf %parallel_loop3A_354, %gather3A : vector<16xf32>
          %parallel_loop3A_356 = arith.addf %parallel_loop3A_355, %broadcast_in_dim3A_38 : vector<16xf32>
          %parallel_loop3A_357 = arith.addf %parallel_loop3A_317, %parallel_loop3A_356 : vector<16xf32>
          %parallel_loop3A_358 = arith.constant 16 : i32
          %parallel_loop3A_359 = arith.muli %parallel_loop3A_159, %parallel_loop3A_358 : i32
          %parallel_loop3A_360 = arith.constant 19 : i32
          %parallel_loop3A_361 = arith.index_cast %parallel_loop3A_360 : i32 to index
          %parallel_loop3A_362 = arith.index_cast %parallel_loop3A_359 : i32 to index
          %parallel_loop3A_363 = tpu.vector_load %arg10[%parallel_loop3A_361, %parallel_loop3A_362] {strides = array<i32>} : memref<20x512xi32, #tpu.memory_space<vmem>>, vector<16xi32>,
          %parallel_loop3A_364 = tpu.vector_load_idx %arg8[%parallel_loop3A_363] : memref<100000xf32, #tpu.memory_space<vmem>>[vector<16xi32>], vector<16xf32>,
          %parallel_loop3A_365 = arith.mulf %parallel_loop3A_364, %gather3A : vector<16xf32>
          %parallel_loop3A_366 = arith.addf %parallel_loop3A_365, %broadcast_in_dim3A_38 : vector<16xf32>
          %parallel_loop3A_367 = arith.addf %parallel_loop3A_327, %parallel_loop3A_366 : vector<16xf32>
          %parallel_loop3A_368 = arith.addf %parallel_loop3A_337, %parallel_loop3A_347 : vector<16xf32>
          %parallel_loop3A_369 = arith.addf %parallel_loop3A_357, %parallel_loop3A_367 : vector<16xf32>
          %parallel_loop3A_370 = arith.addf %parallel_loop3A_368, %parallel_loop3A_369 : vector<16xf32>
          %parallel_loop3A_371 = arith.subf %parallel_loop3A_370, %broadcast_in_dim3A_40 : vector<16xf32>
          %parallel_loop3A_372 = arith.mulf %parallel_loop3A_371, %gather3A_35 : vector<16xf32>
          %parallel_loop3A_373 = arith.addf %parallel_loop3A_372, %gather3A_36 : vector<16xf32>
          %parallel_loop3A_374 = arith.constant 16 : i32
          %parallel_loop3A_375 = arith.muli %parallel_loop3A_159, %parallel_loop3A_374 : i32
          %parallel_loop3A_376 = arith.constant 512 : i32
          %parallel_loop3A_377 = arith.addi %parallel_loop3A_376, %parallel_loop3A_375 : i32
          %parallel_loop3A_378 = arith.index_cast %parallel_loop3A_377 : i32 to index
          %parallel_loop3A_379 = tpu.vector_load %arg11[%parallel_loop3A_378] {strides = array<i32>} : memref<4096xf32, #tpu.memory_space<vmem>>, vector<16xf32>,
          tpu.vector_store %arg11[%parallel_loop3A_378], %parallel_loop3A_373 {strides = array<i32>} : memref<4096xf32, #tpu.memory_space<vmem>>, vector<16xf32>,
        } {sc.loop_unroll_factor = 1 : i64, sc.parallel_access}
        %dma_wait3A_75 = arith.constant 0 : i32
        %dma_wait3A_76 = arith.constant 0 : i32
        %dma_wait3A_77 = tpu.memref_slice %arg2[%dma_wait3A_75, %dma_wait3A_76] : memref<20x4096xi32, #tpu.memory_space<hbm>> -> memref<20x512xi32, #tpu.memory_space<hbm>>
        %dma_wait3A_78 = arith.constant 0 : i32
        %dma_wait3A_79 = arith.constant 0 : i32
        %dma_wait3A_80 = tpu.memref_slice %arg2[%dma_wait3A_78, %dma_wait3A_79] : memref<20x4096xi32, #tpu.memory_space<hbm>> -> memref<20x512xi32, #tpu.memory_space<hbm>>
        tpu.wait_dma2 semaphore(%arg19 : memref<!tpu.dma_semaphore, #tpu.memory_space<semaphore_mem>>) src(%dma_wait3A_80 : memref<20x512xi32, #tpu.memory_space<hbm>>) dst(%arg9 : memref<20x512xi32, #tpu.memory_space<vmem>>)
        %dma_start3A_81 = arith.constant 0 : i32
        %dma_start3A_82 = arith.constant 1536 : i32
        %dma_start3A_83 = tpu.memref_slice %arg2[%dma_start3A_81, %dma_start3A_82] : memref<20x4096xi32, #tpu.memory_space<hbm>> -> memref<20x512xi32, #tpu.memory_space<hbm>>
        %dma_start3A_84 = arith.constant 0 : i32
        %dma_start3A_85 = arith.constant 1536 : i32
        %dma_start3A_86 = tpu.memref_slice %arg2[%dma_start3A_84, %dma_start3A_85] : memref<20x4096xi32, #tpu.memory_space<hbm>> -> memref<20x512xi32, #tpu.memory_space<hbm>>
        tpu.enqueue_dma source(%dma_start3A_86 : memref<20x512xi32, #tpu.memory_space<hbm>>) target(%arg10 : memref<20x512xi32, #tpu.memory_space<vmem>>) target_semaphore(%arg20 : memref<!tpu.dma_semaphore, #tpu.memory_space<semaphore_mem>>)
        %parallel_loop3A_87 = arith.constant 0 : i32
        %parallel_loop3A_88 = arith.constant 32 : i32
        %parallel_loop3A_89 = arith.constant 1 : i32
        scf.for %parallel_loop3A_159 = %parallel_loop3A_87 to %parallel_loop3A_88 step %parallel_loop3A_89  : i32 {
          %parallel_loop3A_160 = arith.constant 0.000000e+00 : f32
          %parallel_loop3A_161 = vector.broadcast %parallel_loop3A_160 : f32 to vector<16xf32>
          %parallel_loop3A_162 = arith.constant 0.000000e+00 : f32
          %parallel_loop3A_163 = vector.broadcast %parallel_loop3A_162 : f32 to vector<16xf32>
          %parallel_loop3A_164 = arith.constant 0.000000e+00 : f32
          %parallel_loop3A_165 = vector.broadcast %parallel_loop3A_164 : f32 to vector<16xf32>
          %parallel_loop3A_166 = arith.constant 0.000000e+00 : f32
          %parallel_loop3A_167 = vector.broadcast %parallel_loop3A_166 : f32 to vector<16xf32>
          %parallel_loop3A_168 = arith.constant 16 : i32
          %parallel_loop3A_169 = arith.muli %parallel_loop3A_159, %parallel_loop3A_168 : i32
          %parallel_loop3A_170 = arith.constant 0 : i32
          %parallel_loop3A_171 = arith.index_cast %parallel_loop3A_170 : i32 to index
          %parallel_loop3A_172 = arith.index_cast %parallel_loop3A_169 : i32 to index
          %parallel_loop3A_173 = tpu.vector_load %arg9[%parallel_loop3A_171, %parallel_loop3A_172] {strides = array<i32>} : memref<20x512xi32, #tpu.memory_space<vmem>>, vector<16xi32>,
          %parallel_loop3A_174 = tpu.vector_load_idx %arg8[%parallel_loop3A_173] : memref<100000xf32, #tpu.memory_space<vmem>>[vector<16xi32>], vector<16xf32>,
          %parallel_loop3A_175 = arith.mulf %parallel_loop3A_174, %gather3A : vector<16xf32>
          %parallel_loop3A_176 = arith.addf %parallel_loop3A_175, %broadcast_in_dim3A_38 : vector<16xf32>
          %parallel_loop3A_177 = arith.addf %parallel_loop3A_161, %parallel_loop3A_176 : vector<16xf32>
          %parallel_loop3A_178 = arith.constant 16 : i32
          %parallel_loop3A_179 = arith.muli %parallel_loop3A_159, %parallel_loop3A_178 : i32
          %parallel_loop3A_180 = arith.constant 1 : i32
          %parallel_loop3A_181 = arith.index_cast %parallel_loop3A_180 : i32 to index
          %parallel_loop3A_182 = arith.index_cast %parallel_loop3A_179 : i32 to index
          %parallel_loop3A_183 = tpu.vector_load %arg9[%parallel_loop3A_181, %parallel_loop3A_182] {strides = array<i32>} : memref<20x512xi32, #tpu.memory_space<vmem>>, vector<16xi32>,
          %parallel_loop3A_184 = tpu.vector_load_idx %arg8[%parallel_loop3A_183] : memref<100000xf32, #tpu.memory_space<vmem>>[vector<16xi32>], vector<16xf32>,
          %parallel_loop3A_185 = arith.mulf %parallel_loop3A_184, %gather3A : vector<16xf32>
          %parallel_loop3A_186 = arith.addf %parallel_loop3A_185, %broadcast_in_dim3A_38 : vector<16xf32>
          %parallel_loop3A_187 = arith.addf %parallel_loop3A_163, %parallel_loop3A_186 : vector<16xf32>
          %parallel_loop3A_188 = arith.constant 16 : i32
          %parallel_loop3A_189 = arith.muli %parallel_loop3A_159, %parallel_loop3A_188 : i32
          %parallel_loop3A_190 = arith.constant 2 : i32
          %parallel_loop3A_191 = arith.index_cast %parallel_loop3A_190 : i32 to index
          %parallel_loop3A_192 = arith.index_cast %parallel_loop3A_189 : i32 to index
          %parallel_loop3A_193 = tpu.vector_load %arg9[%parallel_loop3A_191, %parallel_loop3A_192] {strides = array<i32>} : memref<20x512xi32, #tpu.memory_space<vmem>>, vector<16xi32>,
          %parallel_loop3A_194 = tpu.vector_load_idx %arg8[%parallel_loop3A_193] : memref<100000xf32, #tpu.memory_space<vmem>>[vector<16xi32>], vector<16xf32>,
          %parallel_loop3A_195 = arith.mulf %parallel_loop3A_194, %gather3A : vector<16xf32>
          %parallel_loop3A_196 = arith.addf %parallel_loop3A_195, %broadcast_in_dim3A_38 : vector<16xf32>
          %parallel_loop3A_197 = arith.addf %parallel_loop3A_165, %parallel_loop3A_196 : vector<16xf32>
          %parallel_loop3A_198 = arith.constant 16 : i32
          %parallel_loop3A_199 = arith.muli %parallel_loop3A_159, %parallel_loop3A_198 : i32
          %parallel_loop3A_200 = arith.constant 3 : i32
          %parallel_loop3A_201 = arith.index_cast %parallel_loop3A_200 : i32 to index
          %parallel_loop3A_202 = arith.index_cast %parallel_loop3A_199 : i32 to index
          %parallel_loop3A_203 = tpu.vector_load %arg9[%parallel_loop3A_201, %parallel_loop3A_202] {strides = array<i32>} : memref<20x512xi32, #tpu.memory_space<vmem>>, vector<16xi32>,
          %parallel_loop3A_204 = tpu.vector_load_idx %arg8[%parallel_loop3A_203] : memref<100000xf32, #tpu.memory_space<vmem>>[vector<16xi32>], vector<16xf32>,
          %parallel_loop3A_205 = arith.mulf %parallel_loop3A_204, %gather3A : vector<16xf32>
          %parallel_loop3A_206 = arith.addf %parallel_loop3A_205, %broadcast_in_dim3A_38 : vector<16xf32>
          %parallel_loop3A_207 = arith.addf %parallel_loop3A_167, %parallel_loop3A_206 : vector<16xf32>
          %parallel_loop3A_208 = arith.constant 16 : i32
          %parallel_loop3A_209 = arith.muli %parallel_loop3A_159, %parallel_loop3A_208 : i32
          %parallel_loop3A_210 = arith.constant 4 : i32
          %parallel_loop3A_211 = arith.index_cast %parallel_loop3A_210 : i32 to index
          %parallel_loop3A_212 = arith.index_cast %parallel_loop3A_209 : i32 to index
          %parallel_loop3A_213 = tpu.vector_load %arg9[%parallel_loop3A_211, %parallel_loop3A_212] {strides = array<i32>} : memref<20x512xi32, #tpu.memory_space<vmem>>, vector<16xi32>,
          %parallel_loop3A_214 = tpu.vector_load_idx %arg8[%parallel_loop3A_213] : memref<100000xf32, #tpu.memory_space<vmem>>[vector<16xi32>], vector<16xf32>,
          %parallel_loop3A_215 = arith.mulf %parallel_loop3A_214, %gather3A : vector<16xf32>
          %parallel_loop3A_216 = arith.addf %parallel_loop3A_215, %broadcast_in_dim3A_38 : vector<16xf32>
          %parallel_loop3A_217 = arith.addf %parallel_loop3A_177, %parallel_loop3A_216 : vector<16xf32>
          %parallel_loop3A_218 = arith.constant 16 : i32
          %parallel_loop3A_219 = arith.muli %parallel_loop3A_159, %parallel_loop3A_218 : i32
          %parallel_loop3A_220 = arith.constant 5 : i32
          %parallel_loop3A_221 = arith.index_cast %parallel_loop3A_220 : i32 to index
          %parallel_loop3A_222 = arith.index_cast %parallel_loop3A_219 : i32 to index
          %parallel_loop3A_223 = tpu.vector_load %arg9[%parallel_loop3A_221, %parallel_loop3A_222] {strides = array<i32>} : memref<20x512xi32, #tpu.memory_space<vmem>>, vector<16xi32>,
          %parallel_loop3A_224 = tpu.vector_load_idx %arg8[%parallel_loop3A_223] : memref<100000xf32, #tpu.memory_space<vmem>>[vector<16xi32>], vector<16xf32>,
          %parallel_loop3A_225 = arith.mulf %parallel_loop3A_224, %gather3A : vector<16xf32>
          %parallel_loop3A_226 = arith.addf %parallel_loop3A_225, %broadcast_in_dim3A_38 : vector<16xf32>
          %parallel_loop3A_227 = arith.addf %parallel_loop3A_187, %parallel_loop3A_226 : vector<16xf32>
          %parallel_loop3A_228 = arith.constant 16 : i32
          %parallel_loop3A_229 = arith.muli %parallel_loop3A_159, %parallel_loop3A_228 : i32
          %parallel_loop3A_230 = arith.constant 6 : i32
          %parallel_loop3A_231 = arith.index_cast %parallel_loop3A_230 : i32 to index
          %parallel_loop3A_232 = arith.index_cast %parallel_loop3A_229 : i32 to index
          %parallel_loop3A_233 = tpu.vector_load %arg9[%parallel_loop3A_231, %parallel_loop3A_232] {strides = array<i32>} : memref<20x512xi32, #tpu.memory_space<vmem>>, vector<16xi32>,
          %parallel_loop3A_234 = tpu.vector_load_idx %arg8[%parallel_loop3A_233] : memref<100000xf32, #tpu.memory_space<vmem>>[vector<16xi32>], vector<16xf32>,
          %parallel_loop3A_235 = arith.mulf %parallel_loop3A_234, %gather3A : vector<16xf32>
          %parallel_loop3A_236 = arith.addf %parallel_loop3A_235, %broadcast_in_dim3A_38 : vector<16xf32>
          %parallel_loop3A_237 = arith.addf %parallel_loop3A_197, %parallel_loop3A_236 : vector<16xf32>
          %parallel_loop3A_238 = arith.constant 16 : i32
          %parallel_loop3A_239 = arith.muli %parallel_loop3A_159, %parallel_loop3A_238 : i32
          %parallel_loop3A_240 = arith.constant 7 : i32
          %parallel_loop3A_241 = arith.index_cast %parallel_loop3A_240 : i32 to index
          %parallel_loop3A_242 = arith.index_cast %parallel_loop3A_239 : i32 to index
          %parallel_loop3A_243 = tpu.vector_load %arg9[%parallel_loop3A_241, %parallel_loop3A_242] {strides = array<i32>} : memref<20x512xi32, #tpu.memory_space<vmem>>, vector<16xi32>,
          %parallel_loop3A_244 = tpu.vector_load_idx %arg8[%parallel_loop3A_243] : memref<100000xf32, #tpu.memory_space<vmem>>[vector<16xi32>], vector<16xf32>,
          %parallel_loop3A_245 = arith.mulf %parallel_loop3A_244, %gather3A : vector<16xf32>
          %parallel_loop3A_246 = arith.addf %parallel_loop3A_245, %broadcast_in_dim3A_38 : vector<16xf32>
          %parallel_loop3A_247 = arith.addf %parallel_loop3A_207, %parallel_loop3A_246 : vector<16xf32>
          %parallel_loop3A_248 = arith.constant 16 : i32
          %parallel_loop3A_249 = arith.muli %parallel_loop3A_159, %parallel_loop3A_248 : i32
          %parallel_loop3A_250 = arith.constant 8 : i32
          %parallel_loop3A_251 = arith.index_cast %parallel_loop3A_250 : i32 to index
          %parallel_loop3A_252 = arith.index_cast %parallel_loop3A_249 : i32 to index
          %parallel_loop3A_253 = tpu.vector_load %arg9[%parallel_loop3A_251, %parallel_loop3A_252] {strides = array<i32>} : memref<20x512xi32, #tpu.memory_space<vmem>>, vector<16xi32>,
          %parallel_loop3A_254 = tpu.vector_load_idx %arg8[%parallel_loop3A_253] : memref<100000xf32, #tpu.memory_space<vmem>>[vector<16xi32>], vector<16xf32>,
          %parallel_loop3A_255 = arith.mulf %parallel_loop3A_254, %gather3A : vector<16xf32>
          %parallel_loop3A_256 = arith.addf %parallel_loop3A_255, %broadcast_in_dim3A_38 : vector<16xf32>
          %parallel_loop3A_257 = arith.addf %parallel_loop3A_217, %parallel_loop3A_256 : vector<16xf32>
          %parallel_loop3A_258 = arith.constant 16 : i32
          %parallel_loop3A_259 = arith.muli %parallel_loop3A_159, %parallel_loop3A_258 : i32
          %parallel_loop3A_260 = arith.constant 9 : i32
          %parallel_loop3A_261 = arith.index_cast %parallel_loop3A_260 : i32 to index
          %parallel_loop3A_262 = arith.index_cast %parallel_loop3A_259 : i32 to index
          %parallel_loop3A_263 = tpu.vector_load %arg9[%parallel_loop3A_261, %parallel_loop3A_262] {strides = array<i32>} : memref<20x512xi32, #tpu.memory_space<vmem>>, vector<16xi32>,
          %parallel_loop3A_264 = tpu.vector_load_idx %arg8[%parallel_loop3A_263] : memref<100000xf32, #tpu.memory_space<vmem>>[vector<16xi32>], vector<16xf32>,
          %parallel_loop3A_265 = arith.mulf %parallel_loop3A_264, %gather3A : vector<16xf32>
          %parallel_loop3A_266 = arith.addf %parallel_loop3A_265, %broadcast_in_dim3A_38 : vector<16xf32>
          %parallel_loop3A_267 = arith.addf %parallel_loop3A_227, %parallel_loop3A_266 : vector<16xf32>
          %parallel_loop3A_268 = arith.constant 16 : i32
          %parallel_loop3A_269 = arith.muli %parallel_loop3A_159, %parallel_loop3A_268 : i32
          %parallel_loop3A_270 = arith.constant 10 : i32
          %parallel_loop3A_271 = arith.index_cast %parallel_loop3A_270 : i32 to index
          %parallel_loop3A_272 = arith.index_cast %parallel_loop3A_269 : i32 to index
          %parallel_loop3A_273 = tpu.vector_load %arg9[%parallel_loop3A_271, %parallel_loop3A_272] {strides = array<i32>} : memref<20x512xi32, #tpu.memory_space<vmem>>, vector<16xi32>,
          %parallel_loop3A_274 = tpu.vector_load_idx %arg8[%parallel_loop3A_273] : memref<100000xf32, #tpu.memory_space<vmem>>[vector<16xi32>], vector<16xf32>,
          %parallel_loop3A_275 = arith.mulf %parallel_loop3A_274, %gather3A : vector<16xf32>
          %parallel_loop3A_276 = arith.addf %parallel_loop3A_275, %broadcast_in_dim3A_38 : vector<16xf32>
          %parallel_loop3A_277 = arith.addf %parallel_loop3A_237, %parallel_loop3A_276 : vector<16xf32>
          %parallel_loop3A_278 = arith.constant 16 : i32
          %parallel_loop3A_279 = arith.muli %parallel_loop3A_159, %parallel_loop3A_278 : i32
          %parallel_loop3A_280 = arith.constant 11 : i32
          %parallel_loop3A_281 = arith.index_cast %parallel_loop3A_280 : i32 to index
          %parallel_loop3A_282 = arith.index_cast %parallel_loop3A_279 : i32 to index
          %parallel_loop3A_283 = tpu.vector_load %arg9[%parallel_loop3A_281, %parallel_loop3A_282] {strides = array<i32>} : memref<20x512xi32, #tpu.memory_space<vmem>>, vector<16xi32>,
          %parallel_loop3A_284 = tpu.vector_load_idx %arg8[%parallel_loop3A_283] : memref<100000xf32, #tpu.memory_space<vmem>>[vector<16xi32>], vector<16xf32>,
          %parallel_loop3A_285 = arith.mulf %parallel_loop3A_284, %gather3A : vector<16xf32>
          %parallel_loop3A_286 = arith.addf %parallel_loop3A_285, %broadcast_in_dim3A_38 : vector<16xf32>
          %parallel_loop3A_287 = arith.addf %parallel_loop3A_247, %parallel_loop3A_286 : vector<16xf32>
          %parallel_loop3A_288 = arith.constant 16 : i32
          %parallel_loop3A_289 = arith.muli %parallel_loop3A_159, %parallel_loop3A_288 : i32
          %parallel_loop3A_290 = arith.constant 12 : i32
          %parallel_loop3A_291 = arith.index_cast %parallel_loop3A_290 : i32 to index
          %parallel_loop3A_292 = arith.index_cast %parallel_loop3A_289 : i32 to index
          %parallel_loop3A_293 = tpu.vector_load %arg9[%parallel_loop3A_291, %parallel_loop3A_292] {strides = array<i32>} : memref<20x512xi32, #tpu.memory_space<vmem>>, vector<16xi32>,
          %parallel_loop3A_294 = tpu.vector_load_idx %arg8[%parallel_loop3A_293] : memref<100000xf32, #tpu.memory_space<vmem>>[vector<16xi32>], vector<16xf32>,
          %parallel_loop3A_295 = arith.mulf %parallel_loop3A_294, %gather3A : vector<16xf32>
          %parallel_loop3A_296 = arith.addf %parallel_loop3A_295, %broadcast_in_dim3A_38 : vector<16xf32>
          %parallel_loop3A_297 = arith.addf %parallel_loop3A_257, %parallel_loop3A_296 : vector<16xf32>
          %parallel_loop3A_298 = arith.constant 16 : i32
          %parallel_loop3A_299 = arith.muli %parallel_loop3A_159, %parallel_loop3A_298 : i32
          %parallel_loop3A_300 = arith.constant 13 : i32
          %parallel_loop3A_301 = arith.index_cast %parallel_loop3A_300 : i32 to index
          %parallel_loop3A_302 = arith.index_cast %parallel_loop3A_299 : i32 to index
          %parallel_loop3A_303 = tpu.vector_load %arg9[%parallel_loop3A_301, %parallel_loop3A_302] {strides = array<i32>} : memref<20x512xi32, #tpu.memory_space<vmem>>, vector<16xi32>,
          %parallel_loop3A_304 = tpu.vector_load_idx %arg8[%parallel_loop3A_303] : memref<100000xf32, #tpu.memory_space<vmem>>[vector<16xi32>], vector<16xf32>,
          %parallel_loop3A_305 = arith.mulf %parallel_loop3A_304, %gather3A : vector<16xf32>
          %parallel_loop3A_306 = arith.addf %parallel_loop3A_305, %broadcast_in_dim3A_38 : vector<16xf32>
          %parallel_loop3A_307 = arith.addf %parallel_loop3A_267, %parallel_loop3A_306 : vector<16xf32>
          %parallel_loop3A_308 = arith.constant 16 : i32
          %parallel_loop3A_309 = arith.muli %parallel_loop3A_159, %parallel_loop3A_308 : i32
          %parallel_loop3A_310 = arith.constant 14 : i32
          %parallel_loop3A_311 = arith.index_cast %parallel_loop3A_310 : i32 to index
          %parallel_loop3A_312 = arith.index_cast %parallel_loop3A_309 : i32 to index
          %parallel_loop3A_313 = tpu.vector_load %arg9[%parallel_loop3A_311, %parallel_loop3A_312] {strides = array<i32>} : memref<20x512xi32, #tpu.memory_space<vmem>>, vector<16xi32>,
          %parallel_loop3A_314 = tpu.vector_load_idx %arg8[%parallel_loop3A_313] : memref<100000xf32, #tpu.memory_space<vmem>>[vector<16xi32>], vector<16xf32>,
          %parallel_loop3A_315 = arith.mulf %parallel_loop3A_314, %gather3A : vector<16xf32>
          %parallel_loop3A_316 = arith.addf %parallel_loop3A_315, %broadcast_in_dim3A_38 : vector<16xf32>
          %parallel_loop3A_317 = arith.addf %parallel_loop3A_277, %parallel_loop3A_316 : vector<16xf32>
          %parallel_loop3A_318 = arith.constant 16 : i32
          %parallel_loop3A_319 = arith.muli %parallel_loop3A_159, %parallel_loop3A_318 : i32
          %parallel_loop3A_320 = arith.constant 15 : i32
          %parallel_loop3A_321 = arith.index_cast %parallel_loop3A_320 : i32 to index
          %parallel_loop3A_322 = arith.index_cast %parallel_loop3A_319 : i32 to index
          %parallel_loop3A_323 = tpu.vector_load %arg9[%parallel_loop3A_321, %parallel_loop3A_322] {strides = array<i32>} : memref<20x512xi32, #tpu.memory_space<vmem>>, vector<16xi32>,
          %parallel_loop3A_324 = tpu.vector_load_idx %arg8[%parallel_loop3A_323] : memref<100000xf32, #tpu.memory_space<vmem>>[vector<16xi32>], vector<16xf32>,
          %parallel_loop3A_325 = arith.mulf %parallel_loop3A_324, %gather3A : vector<16xf32>
          %parallel_loop3A_326 = arith.addf %parallel_loop3A_325, %broadcast_in_dim3A_38 : vector<16xf32>
          %parallel_loop3A_327 = arith.addf %parallel_loop3A_287, %parallel_loop3A_326 : vector<16xf32>
          %parallel_loop3A_328 = arith.constant 16 : i32
          %parallel_loop3A_329 = arith.muli %parallel_loop3A_159, %parallel_loop3A_328 : i32
          %parallel_loop3A_330 = arith.constant 16 : i32
          %parallel_loop3A_331 = arith.index_cast %parallel_loop3A_330 : i32 to index
          %parallel_loop3A_332 = arith.index_cast %parallel_loop3A_329 : i32 to index
          %parallel_loop3A_333 = tpu.vector_load %arg9[%parallel_loop3A_331, %parallel_loop3A_332] {strides = array<i32>} : memref<20x512xi32, #tpu.memory_space<vmem>>, vector<16xi32>,
          %parallel_loop3A_334 = tpu.vector_load_idx %arg8[%parallel_loop3A_333] : memref<100000xf32, #tpu.memory_space<vmem>>[vector<16xi32>], vector<16xf32>,
          %parallel_loop3A_335 = arith.mulf %parallel_loop3A_334, %gather3A : vector<16xf32>
          %parallel_loop3A_336 = arith.addf %parallel_loop3A_335, %broadcast_in_dim3A_38 : vector<16xf32>
          %parallel_loop3A_337 = arith.addf %parallel_loop3A_297, %parallel_loop3A_336 : vector<16xf32>
          %parallel_loop3A_338 = arith.constant 16 : i32
          %parallel_loop3A_339 = arith.muli %parallel_loop3A_159, %parallel_loop3A_338 : i32
          %parallel_loop3A_340 = arith.constant 17 : i32
          %parallel_loop3A_341 = arith.index_cast %parallel_loop3A_340 : i32 to index
          %parallel_loop3A_342 = arith.index_cast %parallel_loop3A_339 : i32 to index
          %parallel_loop3A_343 = tpu.vector_load %arg9[%parallel_loop3A_341, %parallel_loop3A_342] {strides = array<i32>} : memref<20x512xi32, #tpu.memory_space<vmem>>, vector<16xi32>,
          %parallel_loop3A_344 = tpu.vector_load_idx %arg8[%parallel_loop3A_343] : memref<100000xf32, #tpu.memory_space<vmem>>[vector<16xi32>], vector<16xf32>,
          %parallel_loop3A_345 = arith.mulf %parallel_loop3A_344, %gather3A : vector<16xf32>
          %parallel_loop3A_346 = arith.addf %parallel_loop3A_345, %broadcast_in_dim3A_38 : vector<16xf32>
          %parallel_loop3A_347 = arith.addf %parallel_loop3A_307, %parallel_loop3A_346 : vector<16xf32>
          %parallel_loop3A_348 = arith.constant 16 : i32
          %parallel_loop3A_349 = arith.muli %parallel_loop3A_159, %parallel_loop3A_348 : i32
          %parallel_loop3A_350 = arith.constant 18 : i32
          %parallel_loop3A_351 = arith.index_cast %parallel_loop3A_350 : i32 to index
          %parallel_loop3A_352 = arith.index_cast %parallel_loop3A_349 : i32 to index
          %parallel_loop3A_353 = tpu.vector_load %arg9[%parallel_loop3A_351, %parallel_loop3A_352] {strides = array<i32>} : memref<20x512xi32, #tpu.memory_space<vmem>>, vector<16xi32>,
          %parallel_loop3A_354 = tpu.vector_load_idx %arg8[%parallel_loop3A_353] : memref<100000xf32, #tpu.memory_space<vmem>>[vector<16xi32>], vector<16xf32>,
          %parallel_loop3A_355 = arith.mulf %parallel_loop3A_354, %gather3A : vector<16xf32>
          %parallel_loop3A_356 = arith.addf %parallel_loop3A_355, %broadcast_in_dim3A_38 : vector<16xf32>
          %parallel_loop3A_357 = arith.addf %parallel_loop3A_317, %parallel_loop3A_356 : vector<16xf32>
          %parallel_loop3A_358 = arith.constant 16 : i32
          %parallel_loop3A_359 = arith.muli %parallel_loop3A_159, %parallel_loop3A_358 : i32
          %parallel_loop3A_360 = arith.constant 19 : i32
          %parallel_loop3A_361 = arith.index_cast %parallel_loop3A_360 : i32 to index
          %parallel_loop3A_362 = arith.index_cast %parallel_loop3A_359 : i32 to index
          %parallel_loop3A_363 = tpu.vector_load %arg9[%parallel_loop3A_361, %parallel_loop3A_362] {strides = array<i32>} : memref<20x512xi32, #tpu.memory_space<vmem>>, vector<16xi32>,
          %parallel_loop3A_364 = tpu.vector_load_idx %arg8[%parallel_loop3A_363] : memref<100000xf32, #tpu.memory_space<vmem>>[vector<16xi32>], vector<16xf32>,
          %parallel_loop3A_365 = arith.mulf %parallel_loop3A_364, %gather3A : vector<16xf32>
          %parallel_loop3A_366 = arith.addf %parallel_loop3A_365, %broadcast_in_dim3A_38 : vector<16xf32>
          %parallel_loop3A_367 = arith.addf %parallel_loop3A_327, %parallel_loop3A_366 : vector<16xf32>
          %parallel_loop3A_368 = arith.addf %parallel_loop3A_337, %parallel_loop3A_347 : vector<16xf32>
          %parallel_loop3A_369 = arith.addf %parallel_loop3A_357, %parallel_loop3A_367 : vector<16xf32>
          %parallel_loop3A_370 = arith.addf %parallel_loop3A_368, %parallel_loop3A_369 : vector<16xf32>
          %parallel_loop3A_371 = arith.subf %parallel_loop3A_370, %broadcast_in_dim3A_40 : vector<16xf32>
          %parallel_loop3A_372 = arith.mulf %parallel_loop3A_371, %gather3A_35 : vector<16xf32>
          %parallel_loop3A_373 = arith.addf %parallel_loop3A_372, %gather3A_36 : vector<16xf32>
          %parallel_loop3A_374 = arith.constant 16 : i32
          %parallel_loop3A_375 = arith.muli %parallel_loop3A_159, %parallel_loop3A_374 : i32
          %parallel_loop3A_376 = arith.constant 1024 : i32
          %parallel_loop3A_377 = arith.addi %parallel_loop3A_376, %parallel_loop3A_375 : i32
          %parallel_loop3A_378 = arith.index_cast %parallel_loop3A_377 : i32 to index
          %parallel_loop3A_379 = tpu.vector_load %arg11[%parallel_loop3A_378] {strides = array<i32>} : memref<4096xf32, #tpu.memory_space<vmem>>, vector<16xf32>,
          tpu.vector_store %arg11[%parallel_loop3A_378], %parallel_loop3A_373 {strides = array<i32>} : memref<4096xf32, #tpu.memory_space<vmem>>, vector<16xf32>,
        } {sc.loop_unroll_factor = 1 : i64, sc.parallel_access}
        %dma_wait3A_90 = arith.constant 0 : i32
        %dma_wait3A_91 = arith.constant 0 : i32
        %dma_wait3A_92 = tpu.memref_slice %arg2[%dma_wait3A_90, %dma_wait3A_91] : memref<20x4096xi32, #tpu.memory_space<hbm>> -> memref<20x512xi32, #tpu.memory_space<hbm>>
        %dma_wait3A_93 = arith.constant 0 : i32
        %dma_wait3A_94 = arith.constant 0 : i32
        %dma_wait3A_95 = tpu.memref_slice %arg2[%dma_wait3A_93, %dma_wait3A_94] : memref<20x4096xi32, #tpu.memory_space<hbm>> -> memref<20x512xi32, #tpu.memory_space<hbm>>
        tpu.wait_dma2 semaphore(%arg20 : memref<!tpu.dma_semaphore, #tpu.memory_space<semaphore_mem>>) src(%dma_wait3A_95 : memref<20x512xi32, #tpu.memory_space<hbm>>) dst(%arg10 : memref<20x512xi32, #tpu.memory_space<vmem>>)
        %dma_start3A_96 = arith.constant 0 : i32
        %dma_start3A_97 = arith.constant 2048 : i32
        %dma_start3A_98 = tpu.memref_slice %arg2[%dma_start3A_96, %dma_start3A_97] : memref<20x4096xi32, #tpu.memory_space<hbm>> -> memref<20x512xi32, #tpu.memory_space<hbm>>
        %dma_start3A_99 = arith.constant 0 : i32
        %dma_start3A_100 = arith.constant 2048 : i32
        %dma_start3A_101 = tpu.memref_slice %arg2[%dma_start3A_99, %dma_start3A_100] : memref<20x4096xi32, #tpu.memory_space<hbm>> -> memref<20x512xi32, #tpu.memory_space<hbm>>
        tpu.enqueue_dma source(%dma_start3A_101 : memref<20x512xi32, #tpu.memory_space<hbm>>) target(%arg9 : memref<20x512xi32, #tpu.memory_space<vmem>>) target_semaphore(%arg19 : memref<!tpu.dma_semaphore, #tpu.memory_space<semaphore_mem>>)
        %parallel_loop3A_102 = arith.constant 0 : i32
        %parallel_loop3A_103 = arith.constant 32 : i32
        %parallel_loop3A_104 = arith.constant 1 : i32
        scf.for %parallel_loop3A_159 = %parallel_loop3A_102 to %parallel_loop3A_103 step %parallel_loop3A_104  : i32 {
          %parallel_loop3A_160 = arith.constant 0.000000e+00 : f32
          %parallel_loop3A_161 = vector.broadcast %parallel_loop3A_160 : f32 to vector<16xf32>
          %parallel_loop3A_162 = arith.constant 0.000000e+00 : f32
          %parallel_loop3A_163 = vector.broadcast %parallel_loop3A_162 : f32 to vector<16xf32>
          %parallel_loop3A_164 = arith.constant 0.000000e+00 : f32
          %parallel_loop3A_165 = vector.broadcast %parallel_loop3A_164 : f32 to vector<16xf32>
          %parallel_loop3A_166 = arith.constant 0.000000e+00 : f32
          %parallel_loop3A_167 = vector.broadcast %parallel_loop3A_166 : f32 to vector<16xf32>
          %parallel_loop3A_168 = arith.constant 16 : i32
          %parallel_loop3A_169 = arith.muli %parallel_loop3A_159, %parallel_loop3A_168 : i32
          %parallel_loop3A_170 = arith.constant 0 : i32
          %parallel_loop3A_171 = arith.index_cast %parallel_loop3A_170 : i32 to index
          %parallel_loop3A_172 = arith.index_cast %parallel_loop3A_169 : i32 to index
          %parallel_loop3A_173 = tpu.vector_load %arg10[%parallel_loop3A_171, %parallel_loop3A_172] {strides = array<i32>} : memref<20x512xi32, #tpu.memory_space<vmem>>, vector<16xi32>,
          %parallel_loop3A_174 = tpu.vector_load_idx %arg8[%parallel_loop3A_173] : memref<100000xf32, #tpu.memory_space<vmem>>[vector<16xi32>], vector<16xf32>,
          %parallel_loop3A_175 = arith.mulf %parallel_loop3A_174, %gather3A : vector<16xf32>
          %parallel_loop3A_176 = arith.addf %parallel_loop3A_175, %broadcast_in_dim3A_38 : vector<16xf32>
          %parallel_loop3A_177 = arith.addf %parallel_loop3A_161, %parallel_loop3A_176 : vector<16xf32>
          %parallel_loop3A_178 = arith.constant 16 : i32
          %parallel_loop3A_179 = arith.muli %parallel_loop3A_159, %parallel_loop3A_178 : i32
          %parallel_loop3A_180 = arith.constant 1 : i32
          %parallel_loop3A_181 = arith.index_cast %parallel_loop3A_180 : i32 to index
          %parallel_loop3A_182 = arith.index_cast %parallel_loop3A_179 : i32 to index
          %parallel_loop3A_183 = tpu.vector_load %arg10[%parallel_loop3A_181, %parallel_loop3A_182] {strides = array<i32>} : memref<20x512xi32, #tpu.memory_space<vmem>>, vector<16xi32>,
          %parallel_loop3A_184 = tpu.vector_load_idx %arg8[%parallel_loop3A_183] : memref<100000xf32, #tpu.memory_space<vmem>>[vector<16xi32>], vector<16xf32>,
          %parallel_loop3A_185 = arith.mulf %parallel_loop3A_184, %gather3A : vector<16xf32>
          %parallel_loop3A_186 = arith.addf %parallel_loop3A_185, %broadcast_in_dim3A_38 : vector<16xf32>
          %parallel_loop3A_187 = arith.addf %parallel_loop3A_163, %parallel_loop3A_186 : vector<16xf32>
          %parallel_loop3A_188 = arith.constant 16 : i32
          %parallel_loop3A_189 = arith.muli %parallel_loop3A_159, %parallel_loop3A_188 : i32
          %parallel_loop3A_190 = arith.constant 2 : i32
          %parallel_loop3A_191 = arith.index_cast %parallel_loop3A_190 : i32 to index
          %parallel_loop3A_192 = arith.index_cast %parallel_loop3A_189 : i32 to index
          %parallel_loop3A_193 = tpu.vector_load %arg10[%parallel_loop3A_191, %parallel_loop3A_192] {strides = array<i32>} : memref<20x512xi32, #tpu.memory_space<vmem>>, vector<16xi32>,
          %parallel_loop3A_194 = tpu.vector_load_idx %arg8[%parallel_loop3A_193] : memref<100000xf32, #tpu.memory_space<vmem>>[vector<16xi32>], vector<16xf32>,
          %parallel_loop3A_195 = arith.mulf %parallel_loop3A_194, %gather3A : vector<16xf32>
          %parallel_loop3A_196 = arith.addf %parallel_loop3A_195, %broadcast_in_dim3A_38 : vector<16xf32>
          %parallel_loop3A_197 = arith.addf %parallel_loop3A_165, %parallel_loop3A_196 : vector<16xf32>
          %parallel_loop3A_198 = arith.constant 16 : i32
          %parallel_loop3A_199 = arith.muli %parallel_loop3A_159, %parallel_loop3A_198 : i32
          %parallel_loop3A_200 = arith.constant 3 : i32
          %parallel_loop3A_201 = arith.index_cast %parallel_loop3A_200 : i32 to index
          %parallel_loop3A_202 = arith.index_cast %parallel_loop3A_199 : i32 to index
          %parallel_loop3A_203 = tpu.vector_load %arg10[%parallel_loop3A_201, %parallel_loop3A_202] {strides = array<i32>} : memref<20x512xi32, #tpu.memory_space<vmem>>, vector<16xi32>,
          %parallel_loop3A_204 = tpu.vector_load_idx %arg8[%parallel_loop3A_203] : memref<100000xf32, #tpu.memory_space<vmem>>[vector<16xi32>], vector<16xf32>,
          %parallel_loop3A_205 = arith.mulf %parallel_loop3A_204, %gather3A : vector<16xf32>
          %parallel_loop3A_206 = arith.addf %parallel_loop3A_205, %broadcast_in_dim3A_38 : vector<16xf32>
          %parallel_loop3A_207 = arith.addf %parallel_loop3A_167, %parallel_loop3A_206 : vector<16xf32>
          %parallel_loop3A_208 = arith.constant 16 : i32
          %parallel_loop3A_209 = arith.muli %parallel_loop3A_159, %parallel_loop3A_208 : i32
          %parallel_loop3A_210 = arith.constant 4 : i32
          %parallel_loop3A_211 = arith.index_cast %parallel_loop3A_210 : i32 to index
          %parallel_loop3A_212 = arith.index_cast %parallel_loop3A_209 : i32 to index
          %parallel_loop3A_213 = tpu.vector_load %arg10[%parallel_loop3A_211, %parallel_loop3A_212] {strides = array<i32>} : memref<20x512xi32, #tpu.memory_space<vmem>>, vector<16xi32>,
          %parallel_loop3A_214 = tpu.vector_load_idx %arg8[%parallel_loop3A_213] : memref<100000xf32, #tpu.memory_space<vmem>>[vector<16xi32>], vector<16xf32>,
          %parallel_loop3A_215 = arith.mulf %parallel_loop3A_214, %gather3A : vector<16xf32>
          %parallel_loop3A_216 = arith.addf %parallel_loop3A_215, %broadcast_in_dim3A_38 : vector<16xf32>
          %parallel_loop3A_217 = arith.addf %parallel_loop3A_177, %parallel_loop3A_216 : vector<16xf32>
          %parallel_loop3A_218 = arith.constant 16 : i32
          %parallel_loop3A_219 = arith.muli %parallel_loop3A_159, %parallel_loop3A_218 : i32
          %parallel_loop3A_220 = arith.constant 5 : i32
          %parallel_loop3A_221 = arith.index_cast %parallel_loop3A_220 : i32 to index
          %parallel_loop3A_222 = arith.index_cast %parallel_loop3A_219 : i32 to index
          %parallel_loop3A_223 = tpu.vector_load %arg10[%parallel_loop3A_221, %parallel_loop3A_222] {strides = array<i32>} : memref<20x512xi32, #tpu.memory_space<vmem>>, vector<16xi32>,
          %parallel_loop3A_224 = tpu.vector_load_idx %arg8[%parallel_loop3A_223] : memref<100000xf32, #tpu.memory_space<vmem>>[vector<16xi32>], vector<16xf32>,
          %parallel_loop3A_225 = arith.mulf %parallel_loop3A_224, %gather3A : vector<16xf32>
          %parallel_loop3A_226 = arith.addf %parallel_loop3A_225, %broadcast_in_dim3A_38 : vector<16xf32>
          %parallel_loop3A_227 = arith.addf %parallel_loop3A_187, %parallel_loop3A_226 : vector<16xf32>
          %parallel_loop3A_228 = arith.constant 16 : i32
          %parallel_loop3A_229 = arith.muli %parallel_loop3A_159, %parallel_loop3A_228 : i32
          %parallel_loop3A_230 = arith.constant 6 : i32
          %parallel_loop3A_231 = arith.index_cast %parallel_loop3A_230 : i32 to index
          %parallel_loop3A_232 = arith.index_cast %parallel_loop3A_229 : i32 to index
          %parallel_loop3A_233 = tpu.vector_load %arg10[%parallel_loop3A_231, %parallel_loop3A_232] {strides = array<i32>} : memref<20x512xi32, #tpu.memory_space<vmem>>, vector<16xi32>,
          %parallel_loop3A_234 = tpu.vector_load_idx %arg8[%parallel_loop3A_233] : memref<100000xf32, #tpu.memory_space<vmem>>[vector<16xi32>], vector<16xf32>,
          %parallel_loop3A_235 = arith.mulf %parallel_loop3A_234, %gather3A : vector<16xf32>
          %parallel_loop3A_236 = arith.addf %parallel_loop3A_235, %broadcast_in_dim3A_38 : vector<16xf32>
          %parallel_loop3A_237 = arith.addf %parallel_loop3A_197, %parallel_loop3A_236 : vector<16xf32>
          %parallel_loop3A_238 = arith.constant 16 : i32
          %parallel_loop3A_239 = arith.muli %parallel_loop3A_159, %parallel_loop3A_238 : i32
          %parallel_loop3A_240 = arith.constant 7 : i32
          %parallel_loop3A_241 = arith.index_cast %parallel_loop3A_240 : i32 to index
          %parallel_loop3A_242 = arith.index_cast %parallel_loop3A_239 : i32 to index
          %parallel_loop3A_243 = tpu.vector_load %arg10[%parallel_loop3A_241, %parallel_loop3A_242] {strides = array<i32>} : memref<20x512xi32, #tpu.memory_space<vmem>>, vector<16xi32>,
          %parallel_loop3A_244 = tpu.vector_load_idx %arg8[%parallel_loop3A_243] : memref<100000xf32, #tpu.memory_space<vmem>>[vector<16xi32>], vector<16xf32>,
          %parallel_loop3A_245 = arith.mulf %parallel_loop3A_244, %gather3A : vector<16xf32>
          %parallel_loop3A_246 = arith.addf %parallel_loop3A_245, %broadcast_in_dim3A_38 : vector<16xf32>
          %parallel_loop3A_247 = arith.addf %parallel_loop3A_207, %parallel_loop3A_246 : vector<16xf32>
          %parallel_loop3A_248 = arith.constant 16 : i32
          %parallel_loop3A_249 = arith.muli %parallel_loop3A_159, %parallel_loop3A_248 : i32
          %parallel_loop3A_250 = arith.constant 8 : i32
          %parallel_loop3A_251 = arith.index_cast %parallel_loop3A_250 : i32 to index
          %parallel_loop3A_252 = arith.index_cast %parallel_loop3A_249 : i32 to index
          %parallel_loop3A_253 = tpu.vector_load %arg10[%parallel_loop3A_251, %parallel_loop3A_252] {strides = array<i32>} : memref<20x512xi32, #tpu.memory_space<vmem>>, vector<16xi32>,
          %parallel_loop3A_254 = tpu.vector_load_idx %arg8[%parallel_loop3A_253] : memref<100000xf32, #tpu.memory_space<vmem>>[vector<16xi32>], vector<16xf32>,
          %parallel_loop3A_255 = arith.mulf %parallel_loop3A_254, %gather3A : vector<16xf32>
          %parallel_loop3A_256 = arith.addf %parallel_loop3A_255, %broadcast_in_dim3A_38 : vector<16xf32>
          %parallel_loop3A_257 = arith.addf %parallel_loop3A_217, %parallel_loop3A_256 : vector<16xf32>
          %parallel_loop3A_258 = arith.constant 16 : i32
          %parallel_loop3A_259 = arith.muli %parallel_loop3A_159, %parallel_loop3A_258 : i32
          %parallel_loop3A_260 = arith.constant 9 : i32
          %parallel_loop3A_261 = arith.index_cast %parallel_loop3A_260 : i32 to index
          %parallel_loop3A_262 = arith.index_cast %parallel_loop3A_259 : i32 to index
          %parallel_loop3A_263 = tpu.vector_load %arg10[%parallel_loop3A_261, %parallel_loop3A_262] {strides = array<i32>} : memref<20x512xi32, #tpu.memory_space<vmem>>, vector<16xi32>,
          %parallel_loop3A_264 = tpu.vector_load_idx %arg8[%parallel_loop3A_263] : memref<100000xf32, #tpu.memory_space<vmem>>[vector<16xi32>], vector<16xf32>,
          %parallel_loop3A_265 = arith.mulf %parallel_loop3A_264, %gather3A : vector<16xf32>
          %parallel_loop3A_266 = arith.addf %parallel_loop3A_265, %broadcast_in_dim3A_38 : vector<16xf32>
          %parallel_loop3A_267 = arith.addf %parallel_loop3A_227, %parallel_loop3A_266 : vector<16xf32>
          %parallel_loop3A_268 = arith.constant 16 : i32
          %parallel_loop3A_269 = arith.muli %parallel_loop3A_159, %parallel_loop3A_268 : i32
          %parallel_loop3A_270 = arith.constant 10 : i32
          %parallel_loop3A_271 = arith.index_cast %parallel_loop3A_270 : i32 to index
          %parallel_loop3A_272 = arith.index_cast %parallel_loop3A_269 : i32 to index
          %parallel_loop3A_273 = tpu.vector_load %arg10[%parallel_loop3A_271, %parallel_loop3A_272] {strides = array<i32>} : memref<20x512xi32, #tpu.memory_space<vmem>>, vector<16xi32>,
          %parallel_loop3A_274 = tpu.vector_load_idx %arg8[%parallel_loop3A_273] : memref<100000xf32, #tpu.memory_space<vmem>>[vector<16xi32>], vector<16xf32>,
          %parallel_loop3A_275 = arith.mulf %parallel_loop3A_274, %gather3A : vector<16xf32>
          %parallel_loop3A_276 = arith.addf %parallel_loop3A_275, %broadcast_in_dim3A_38 : vector<16xf32>
          %parallel_loop3A_277 = arith.addf %parallel_loop3A_237, %parallel_loop3A_276 : vector<16xf32>
          %parallel_loop3A_278 = arith.constant 16 : i32
          %parallel_loop3A_279 = arith.muli %parallel_loop3A_159, %parallel_loop3A_278 : i32
          %parallel_loop3A_280 = arith.constant 11 : i32
          %parallel_loop3A_281 = arith.index_cast %parallel_loop3A_280 : i32 to index
          %parallel_loop3A_282 = arith.index_cast %parallel_loop3A_279 : i32 to index
          %parallel_loop3A_283 = tpu.vector_load %arg10[%parallel_loop3A_281, %parallel_loop3A_282] {strides = array<i32>} : memref<20x512xi32, #tpu.memory_space<vmem>>, vector<16xi32>,
          %parallel_loop3A_284 = tpu.vector_load_idx %arg8[%parallel_loop3A_283] : memref<100000xf32, #tpu.memory_space<vmem>>[vector<16xi32>], vector<16xf32>,
          %parallel_loop3A_285 = arith.mulf %parallel_loop3A_284, %gather3A : vector<16xf32>
          %parallel_loop3A_286 = arith.addf %parallel_loop3A_285, %broadcast_in_dim3A_38 : vector<16xf32>
          %parallel_loop3A_287 = arith.addf %parallel_loop3A_247, %parallel_loop3A_286 : vector<16xf32>
          %parallel_loop3A_288 = arith.constant 16 : i32
          %parallel_loop3A_289 = arith.muli %parallel_loop3A_159, %parallel_loop3A_288 : i32
          %parallel_loop3A_290 = arith.constant 12 : i32
          %parallel_loop3A_291 = arith.index_cast %parallel_loop3A_290 : i32 to index
          %parallel_loop3A_292 = arith.index_cast %parallel_loop3A_289 : i32 to index
          %parallel_loop3A_293 = tpu.vector_load %arg10[%parallel_loop3A_291, %parallel_loop3A_292] {strides = array<i32>} : memref<20x512xi32, #tpu.memory_space<vmem>>, vector<16xi32>,
          %parallel_loop3A_294 = tpu.vector_load_idx %arg8[%parallel_loop3A_293] : memref<100000xf32, #tpu.memory_space<vmem>>[vector<16xi32>], vector<16xf32>,
          %parallel_loop3A_295 = arith.mulf %parallel_loop3A_294, %gather3A : vector<16xf32>
          %parallel_loop3A_296 = arith.addf %parallel_loop3A_295, %broadcast_in_dim3A_38 : vector<16xf32>
          %parallel_loop3A_297 = arith.addf %parallel_loop3A_257, %parallel_loop3A_296 : vector<16xf32>
          %parallel_loop3A_298 = arith.constant 16 : i32
          %parallel_loop3A_299 = arith.muli %parallel_loop3A_159, %parallel_loop3A_298 : i32
          %parallel_loop3A_300 = arith.constant 13 : i32
          %parallel_loop3A_301 = arith.index_cast %parallel_loop3A_300 : i32 to index
          %parallel_loop3A_302 = arith.index_cast %parallel_loop3A_299 : i32 to index
          %parallel_loop3A_303 = tpu.vector_load %arg10[%parallel_loop3A_301, %parallel_loop3A_302] {strides = array<i32>} : memref<20x512xi32, #tpu.memory_space<vmem>>, vector<16xi32>,
          %parallel_loop3A_304 = tpu.vector_load_idx %arg8[%parallel_loop3A_303] : memref<100000xf32, #tpu.memory_space<vmem>>[vector<16xi32>], vector<16xf32>,
          %parallel_loop3A_305 = arith.mulf %parallel_loop3A_304, %gather3A : vector<16xf32>
          %parallel_loop3A_306 = arith.addf %parallel_loop3A_305, %broadcast_in_dim3A_38 : vector<16xf32>
          %parallel_loop3A_307 = arith.addf %parallel_loop3A_267, %parallel_loop3A_306 : vector<16xf32>
          %parallel_loop3A_308 = arith.constant 16 : i32
          %parallel_loop3A_309 = arith.muli %parallel_loop3A_159, %parallel_loop3A_308 : i32
          %parallel_loop3A_310 = arith.constant 14 : i32
          %parallel_loop3A_311 = arith.index_cast %parallel_loop3A_310 : i32 to index
          %parallel_loop3A_312 = arith.index_cast %parallel_loop3A_309 : i32 to index
          %parallel_loop3A_313 = tpu.vector_load %arg10[%parallel_loop3A_311, %parallel_loop3A_312] {strides = array<i32>} : memref<20x512xi32, #tpu.memory_space<vmem>>, vector<16xi32>,
          %parallel_loop3A_314 = tpu.vector_load_idx %arg8[%parallel_loop3A_313] : memref<100000xf32, #tpu.memory_space<vmem>>[vector<16xi32>], vector<16xf32>,
          %parallel_loop3A_315 = arith.mulf %parallel_loop3A_314, %gather3A : vector<16xf32>
          %parallel_loop3A_316 = arith.addf %parallel_loop3A_315, %broadcast_in_dim3A_38 : vector<16xf32>
          %parallel_loop3A_317 = arith.addf %parallel_loop3A_277, %parallel_loop3A_316 : vector<16xf32>
          %parallel_loop3A_318 = arith.constant 16 : i32
          %parallel_loop3A_319 = arith.muli %parallel_loop3A_159, %parallel_loop3A_318 : i32
          %parallel_loop3A_320 = arith.constant 15 : i32
          %parallel_loop3A_321 = arith.index_cast %parallel_loop3A_320 : i32 to index
          %parallel_loop3A_322 = arith.index_cast %parallel_loop3A_319 : i32 to index
          %parallel_loop3A_323 = tpu.vector_load %arg10[%parallel_loop3A_321, %parallel_loop3A_322] {strides = array<i32>} : memref<20x512xi32, #tpu.memory_space<vmem>>, vector<16xi32>,
          %parallel_loop3A_324 = tpu.vector_load_idx %arg8[%parallel_loop3A_323] : memref<100000xf32, #tpu.memory_space<vmem>>[vector<16xi32>], vector<16xf32>,
          %parallel_loop3A_325 = arith.mulf %parallel_loop3A_324, %gather3A : vector<16xf32>
          %parallel_loop3A_326 = arith.addf %parallel_loop3A_325, %broadcast_in_dim3A_38 : vector<16xf32>
          %parallel_loop3A_327 = arith.addf %parallel_loop3A_287, %parallel_loop3A_326 : vector<16xf32>
          %parallel_loop3A_328 = arith.constant 16 : i32
          %parallel_loop3A_329 = arith.muli %parallel_loop3A_159, %parallel_loop3A_328 : i32
          %parallel_loop3A_330 = arith.constant 16 : i32
          %parallel_loop3A_331 = arith.index_cast %parallel_loop3A_330 : i32 to index
          %parallel_loop3A_332 = arith.index_cast %parallel_loop3A_329 : i32 to index
          %parallel_loop3A_333 = tpu.vector_load %arg10[%parallel_loop3A_331, %parallel_loop3A_332] {strides = array<i32>} : memref<20x512xi32, #tpu.memory_space<vmem>>, vector<16xi32>,
          %parallel_loop3A_334 = tpu.vector_load_idx %arg8[%parallel_loop3A_333] : memref<100000xf32, #tpu.memory_space<vmem>>[vector<16xi32>], vector<16xf32>,
          %parallel_loop3A_335 = arith.mulf %parallel_loop3A_334, %gather3A : vector<16xf32>
          %parallel_loop3A_336 = arith.addf %parallel_loop3A_335, %broadcast_in_dim3A_38 : vector<16xf32>
          %parallel_loop3A_337 = arith.addf %parallel_loop3A_297, %parallel_loop3A_336 : vector<16xf32>
          %parallel_loop3A_338 = arith.constant 16 : i32
          %parallel_loop3A_339 = arith.muli %parallel_loop3A_159, %parallel_loop3A_338 : i32
          %parallel_loop3A_340 = arith.constant 17 : i32
          %parallel_loop3A_341 = arith.index_cast %parallel_loop3A_340 : i32 to index
          %parallel_loop3A_342 = arith.index_cast %parallel_loop3A_339 : i32 to index
          %parallel_loop3A_343 = tpu.vector_load %arg10[%parallel_loop3A_341, %parallel_loop3A_342] {strides = array<i32>} : memref<20x512xi32, #tpu.memory_space<vmem>>, vector<16xi32>,
          %parallel_loop3A_344 = tpu.vector_load_idx %arg8[%parallel_loop3A_343] : memref<100000xf32, #tpu.memory_space<vmem>>[vector<16xi32>], vector<16xf32>,
          %parallel_loop3A_345 = arith.mulf %parallel_loop3A_344, %gather3A : vector<16xf32>
          %parallel_loop3A_346 = arith.addf %parallel_loop3A_345, %broadcast_in_dim3A_38 : vector<16xf32>
          %parallel_loop3A_347 = arith.addf %parallel_loop3A_307, %parallel_loop3A_346 : vector<16xf32>
          %parallel_loop3A_348 = arith.constant 16 : i32
          %parallel_loop3A_349 = arith.muli %parallel_loop3A_159, %parallel_loop3A_348 : i32
          %parallel_loop3A_350 = arith.constant 18 : i32
          %parallel_loop3A_351 = arith.index_cast %parallel_loop3A_350 : i32 to index
          %parallel_loop3A_352 = arith.index_cast %parallel_loop3A_349 : i32 to index
          %parallel_loop3A_353 = tpu.vector_load %arg10[%parallel_loop3A_351, %parallel_loop3A_352] {strides = array<i32>} : memref<20x512xi32, #tpu.memory_space<vmem>>, vector<16xi32>,
          %parallel_loop3A_354 = tpu.vector_load_idx %arg8[%parallel_loop3A_353] : memref<100000xf32, #tpu.memory_space<vmem>>[vector<16xi32>], vector<16xf32>,
          %parallel_loop3A_355 = arith.mulf %parallel_loop3A_354, %gather3A : vector<16xf32>
          %parallel_loop3A_356 = arith.addf %parallel_loop3A_355, %broadcast_in_dim3A_38 : vector<16xf32>
          %parallel_loop3A_357 = arith.addf %parallel_loop3A_317, %parallel_loop3A_356 : vector<16xf32>
          %parallel_loop3A_358 = arith.constant 16 : i32
          %parallel_loop3A_359 = arith.muli %parallel_loop3A_159, %parallel_loop3A_358 : i32
          %parallel_loop3A_360 = arith.constant 19 : i32
          %parallel_loop3A_361 = arith.index_cast %parallel_loop3A_360 : i32 to index
          %parallel_loop3A_362 = arith.index_cast %parallel_loop3A_359 : i32 to index
          %parallel_loop3A_363 = tpu.vector_load %arg10[%parallel_loop3A_361, %parallel_loop3A_362] {strides = array<i32>} : memref<20x512xi32, #tpu.memory_space<vmem>>, vector<16xi32>,
          %parallel_loop3A_364 = tpu.vector_load_idx %arg8[%parallel_loop3A_363] : memref<100000xf32, #tpu.memory_space<vmem>>[vector<16xi32>], vector<16xf32>,
          %parallel_loop3A_365 = arith.mulf %parallel_loop3A_364, %gather3A : vector<16xf32>
          %parallel_loop3A_366 = arith.addf %parallel_loop3A_365, %broadcast_in_dim3A_38 : vector<16xf32>
          %parallel_loop3A_367 = arith.addf %parallel_loop3A_327, %parallel_loop3A_366 : vector<16xf32>
          %parallel_loop3A_368 = arith.addf %parallel_loop3A_337, %parallel_loop3A_347 : vector<16xf32>
          %parallel_loop3A_369 = arith.addf %parallel_loop3A_357, %parallel_loop3A_367 : vector<16xf32>
          %parallel_loop3A_370 = arith.addf %parallel_loop3A_368, %parallel_loop3A_369 : vector<16xf32>
          %parallel_loop3A_371 = arith.subf %parallel_loop3A_370, %broadcast_in_dim3A_40 : vector<16xf32>
          %parallel_loop3A_372 = arith.mulf %parallel_loop3A_371, %gather3A_35 : vector<16xf32>
          %parallel_loop3A_373 = arith.addf %parallel_loop3A_372, %gather3A_36 : vector<16xf32>
          %parallel_loop3A_374 = arith.constant 16 : i32
          %parallel_loop3A_375 = arith.muli %parallel_loop3A_159, %parallel_loop3A_374 : i32
          %parallel_loop3A_376 = arith.constant 1536 : i32
          %parallel_loop3A_377 = arith.addi %parallel_loop3A_376, %parallel_loop3A_375 : i32
          %parallel_loop3A_378 = arith.index_cast %parallel_loop3A_377 : i32 to index
          %parallel_loop3A_379 = tpu.vector_load %arg11[%parallel_loop3A_378] {strides = array<i32>} : memref<4096xf32, #tpu.memory_space<vmem>>, vector<16xf32>,
          tpu.vector_store %arg11[%parallel_loop3A_378], %parallel_loop3A_373 {strides = array<i32>} : memref<4096xf32, #tpu.memory_space<vmem>>, vector<16xf32>,
        } {sc.loop_unroll_factor = 1 : i64, sc.parallel_access}
        %dma_wait3A_105 = arith.constant 0 : i32
        %dma_wait3A_106 = arith.constant 0 : i32
        %dma_wait3A_107 = tpu.memref_slice %arg2[%dma_wait3A_105, %dma_wait3A_106] : memref<20x4096xi32, #tpu.memory_space<hbm>> -> memref<20x512xi32, #tpu.memory_space<hbm>>
        %dma_wait3A_108 = arith.constant 0 : i32
        %dma_wait3A_109 = arith.constant 0 : i32
        %dma_wait3A_110 = tpu.memref_slice %arg2[%dma_wait3A_108, %dma_wait3A_109] : memref<20x4096xi32, #tpu.memory_space<hbm>> -> memref<20x512xi32, #tpu.memory_space<hbm>>
        tpu.wait_dma2 semaphore(%arg19 : memref<!tpu.dma_semaphore, #tpu.memory_space<semaphore_mem>>) src(%dma_wait3A_110 : memref<20x512xi32, #tpu.memory_space<hbm>>) dst(%arg9 : memref<20x512xi32, #tpu.memory_space<vmem>>)
        %dma_start3A_111 = arith.constant 0 : i32
        %dma_start3A_112 = arith.constant 2560 : i32
        %dma_start3A_113 = tpu.memref_slice %arg2[%dma_start3A_111, %dma_start3A_112] : memref<20x4096xi32, #tpu.memory_space<hbm>> -> memref<20x512xi32, #tpu.memory_space<hbm>>
        %dma_start3A_114 = arith.constant 0 : i32
        %dma_start3A_115 = arith.constant 2560 : i32
        %dma_start3A_116 = tpu.memref_slice %arg2[%dma_start3A_114, %dma_start3A_115] : memref<20x4096xi32, #tpu.memory_space<hbm>> -> memref<20x512xi32, #tpu.memory_space<hbm>>
        tpu.enqueue_dma source(%dma_start3A_116 : memref<20x512xi32, #tpu.memory_space<hbm>>) target(%arg10 : memref<20x512xi32, #tpu.memory_space<vmem>>) target_semaphore(%arg20 : memref<!tpu.dma_semaphore, #tpu.memory_space<semaphore_mem>>)
        %parallel_loop3A_117 = arith.constant 0 : i32
        %parallel_loop3A_118 = arith.constant 32 : i32
        %parallel_loop3A_119 = arith.constant 1 : i32
        scf.for %parallel_loop3A_159 = %parallel_loop3A_117 to %parallel_loop3A_118 step %parallel_loop3A_119  : i32 {
          %parallel_loop3A_160 = arith.constant 0.000000e+00 : f32
          %parallel_loop3A_161 = vector.broadcast %parallel_loop3A_160 : f32 to vector<16xf32>
          %parallel_loop3A_162 = arith.constant 0.000000e+00 : f32
          %parallel_loop3A_163 = vector.broadcast %parallel_loop3A_162 : f32 to vector<16xf32>
          %parallel_loop3A_164 = arith.constant 0.000000e+00 : f32
          %parallel_loop3A_165 = vector.broadcast %parallel_loop3A_164 : f32 to vector<16xf32>
          %parallel_loop3A_166 = arith.constant 0.000000e+00 : f32
          %parallel_loop3A_167 = vector.broadcast %parallel_loop3A_166 : f32 to vector<16xf32>
          %parallel_loop3A_168 = arith.constant 16 : i32
          %parallel_loop3A_169 = arith.muli %parallel_loop3A_159, %parallel_loop3A_168 : i32
          %parallel_loop3A_170 = arith.constant 0 : i32
          %parallel_loop3A_171 = arith.index_cast %parallel_loop3A_170 : i32 to index
          %parallel_loop3A_172 = arith.index_cast %parallel_loop3A_169 : i32 to index
          %parallel_loop3A_173 = tpu.vector_load %arg9[%parallel_loop3A_171, %parallel_loop3A_172] {strides = array<i32>} : memref<20x512xi32, #tpu.memory_space<vmem>>, vector<16xi32>,
          %parallel_loop3A_174 = tpu.vector_load_idx %arg8[%parallel_loop3A_173] : memref<100000xf32, #tpu.memory_space<vmem>>[vector<16xi32>], vector<16xf32>,
          %parallel_loop3A_175 = arith.mulf %parallel_loop3A_174, %gather3A : vector<16xf32>
          %parallel_loop3A_176 = arith.addf %parallel_loop3A_175, %broadcast_in_dim3A_38 : vector<16xf32>
          %parallel_loop3A_177 = arith.addf %parallel_loop3A_161, %parallel_loop3A_176 : vector<16xf32>
          %parallel_loop3A_178 = arith.constant 16 : i32
          %parallel_loop3A_179 = arith.muli %parallel_loop3A_159, %parallel_loop3A_178 : i32
          %parallel_loop3A_180 = arith.constant 1 : i32
          %parallel_loop3A_181 = arith.index_cast %parallel_loop3A_180 : i32 to index
          %parallel_loop3A_182 = arith.index_cast %parallel_loop3A_179 : i32 to index
          %parallel_loop3A_183 = tpu.vector_load %arg9[%parallel_loop3A_181, %parallel_loop3A_182] {strides = array<i32>} : memref<20x512xi32, #tpu.memory_space<vmem>>, vector<16xi32>,
          %parallel_loop3A_184 = tpu.vector_load_idx %arg8[%parallel_loop3A_183] : memref<100000xf32, #tpu.memory_space<vmem>>[vector<16xi32>], vector<16xf32>,
          %parallel_loop3A_185 = arith.mulf %parallel_loop3A_184, %gather3A : vector<16xf32>
          %parallel_loop3A_186 = arith.addf %parallel_loop3A_185, %broadcast_in_dim3A_38 : vector<16xf32>
          %parallel_loop3A_187 = arith.addf %parallel_loop3A_163, %parallel_loop3A_186 : vector<16xf32>
          %parallel_loop3A_188 = arith.constant 16 : i32
          %parallel_loop3A_189 = arith.muli %parallel_loop3A_159, %parallel_loop3A_188 : i32
          %parallel_loop3A_190 = arith.constant 2 : i32
          %parallel_loop3A_191 = arith.index_cast %parallel_loop3A_190 : i32 to index
          %parallel_loop3A_192 = arith.index_cast %parallel_loop3A_189 : i32 to index
          %parallel_loop3A_193 = tpu.vector_load %arg9[%parallel_loop3A_191, %parallel_loop3A_192] {strides = array<i32>} : memref<20x512xi32, #tpu.memory_space<vmem>>, vector<16xi32>,
          %parallel_loop3A_194 = tpu.vector_load_idx %arg8[%parallel_loop3A_193] : memref<100000xf32, #tpu.memory_space<vmem>>[vector<16xi32>], vector<16xf32>,
          %parallel_loop3A_195 = arith.mulf %parallel_loop3A_194, %gather3A : vector<16xf32>
          %parallel_loop3A_196 = arith.addf %parallel_loop3A_195, %broadcast_in_dim3A_38 : vector<16xf32>
          %parallel_loop3A_197 = arith.addf %parallel_loop3A_165, %parallel_loop3A_196 : vector<16xf32>
          %parallel_loop3A_198 = arith.constant 16 : i32
          %parallel_loop3A_199 = arith.muli %parallel_loop3A_159, %parallel_loop3A_198 : i32
          %parallel_loop3A_200 = arith.constant 3 : i32
          %parallel_loop3A_201 = arith.index_cast %parallel_loop3A_200 : i32 to index
          %parallel_loop3A_202 = arith.index_cast %parallel_loop3A_199 : i32 to index
          %parallel_loop3A_203 = tpu.vector_load %arg9[%parallel_loop3A_201, %parallel_loop3A_202] {strides = array<i32>} : memref<20x512xi32, #tpu.memory_space<vmem>>, vector<16xi32>,
          %parallel_loop3A_204 = tpu.vector_load_idx %arg8[%parallel_loop3A_203] : memref<100000xf32, #tpu.memory_space<vmem>>[vector<16xi32>], vector<16xf32>,
          %parallel_loop3A_205 = arith.mulf %parallel_loop3A_204, %gather3A : vector<16xf32>
          %parallel_loop3A_206 = arith.addf %parallel_loop3A_205, %broadcast_in_dim3A_38 : vector<16xf32>
          %parallel_loop3A_207 = arith.addf %parallel_loop3A_167, %parallel_loop3A_206 : vector<16xf32>
          %parallel_loop3A_208 = arith.constant 16 : i32
          %parallel_loop3A_209 = arith.muli %parallel_loop3A_159, %parallel_loop3A_208 : i32
          %parallel_loop3A_210 = arith.constant 4 : i32
          %parallel_loop3A_211 = arith.index_cast %parallel_loop3A_210 : i32 to index
          %parallel_loop3A_212 = arith.index_cast %parallel_loop3A_209 : i32 to index
          %parallel_loop3A_213 = tpu.vector_load %arg9[%parallel_loop3A_211, %parallel_loop3A_212] {strides = array<i32>} : memref<20x512xi32, #tpu.memory_space<vmem>>, vector<16xi32>,
          %parallel_loop3A_214 = tpu.vector_load_idx %arg8[%parallel_loop3A_213] : memref<100000xf32, #tpu.memory_space<vmem>>[vector<16xi32>], vector<16xf32>,
          %parallel_loop3A_215 = arith.mulf %parallel_loop3A_214, %gather3A : vector<16xf32>
          %parallel_loop3A_216 = arith.addf %parallel_loop3A_215, %broadcast_in_dim3A_38 : vector<16xf32>
          %parallel_loop3A_217 = arith.addf %parallel_loop3A_177, %parallel_loop3A_216 : vector<16xf32>
          %parallel_loop3A_218 = arith.constant 16 : i32
          %parallel_loop3A_219 = arith.muli %parallel_loop3A_159, %parallel_loop3A_218 : i32
          %parallel_loop3A_220 = arith.constant 5 : i32
          %parallel_loop3A_221 = arith.index_cast %parallel_loop3A_220 : i32 to index
          %parallel_loop3A_222 = arith.index_cast %parallel_loop3A_219 : i32 to index
          %parallel_loop3A_223 = tpu.vector_load %arg9[%parallel_loop3A_221, %parallel_loop3A_222] {strides = array<i32>} : memref<20x512xi32, #tpu.memory_space<vmem>>, vector<16xi32>,
          %parallel_loop3A_224 = tpu.vector_load_idx %arg8[%parallel_loop3A_223] : memref<100000xf32, #tpu.memory_space<vmem>>[vector<16xi32>], vector<16xf32>,
          %parallel_loop3A_225 = arith.mulf %parallel_loop3A_224, %gather3A : vector<16xf32>
          %parallel_loop3A_226 = arith.addf %parallel_loop3A_225, %broadcast_in_dim3A_38 : vector<16xf32>
          %parallel_loop3A_227 = arith.addf %parallel_loop3A_187, %parallel_loop3A_226 : vector<16xf32>
          %parallel_loop3A_228 = arith.constant 16 : i32
          %parallel_loop3A_229 = arith.muli %parallel_loop3A_159, %parallel_loop3A_228 : i32
          %parallel_loop3A_230 = arith.constant 6 : i32
          %parallel_loop3A_231 = arith.index_cast %parallel_loop3A_230 : i32 to index
          %parallel_loop3A_232 = arith.index_cast %parallel_loop3A_229 : i32 to index
          %parallel_loop3A_233 = tpu.vector_load %arg9[%parallel_loop3A_231, %parallel_loop3A_232] {strides = array<i32>} : memref<20x512xi32, #tpu.memory_space<vmem>>, vector<16xi32>,
          %parallel_loop3A_234 = tpu.vector_load_idx %arg8[%parallel_loop3A_233] : memref<100000xf32, #tpu.memory_space<vmem>>[vector<16xi32>], vector<16xf32>,
          %parallel_loop3A_235 = arith.mulf %parallel_loop3A_234, %gather3A : vector<16xf32>
          %parallel_loop3A_236 = arith.addf %parallel_loop3A_235, %broadcast_in_dim3A_38 : vector<16xf32>
          %parallel_loop3A_237 = arith.addf %parallel_loop3A_197, %parallel_loop3A_236 : vector<16xf32>
          %parallel_loop3A_238 = arith.constant 16 : i32
          %parallel_loop3A_239 = arith.muli %parallel_loop3A_159, %parallel_loop3A_238 : i32
          %parallel_loop3A_240 = arith.constant 7 : i32
          %parallel_loop3A_241 = arith.index_cast %parallel_loop3A_240 : i32 to index
          %parallel_loop3A_242 = arith.index_cast %parallel_loop3A_239 : i32 to index
          %parallel_loop3A_243 = tpu.vector_load %arg9[%parallel_loop3A_241, %parallel_loop3A_242] {strides = array<i32>} : memref<20x512xi32, #tpu.memory_space<vmem>>, vector<16xi32>,
          %parallel_loop3A_244 = tpu.vector_load_idx %arg8[%parallel_loop3A_243] : memref<100000xf32, #tpu.memory_space<vmem>>[vector<16xi32>], vector<16xf32>,
          %parallel_loop3A_245 = arith.mulf %parallel_loop3A_244, %gather3A : vector<16xf32>
          %parallel_loop3A_246 = arith.addf %parallel_loop3A_245, %broadcast_in_dim3A_38 : vector<16xf32>
          %parallel_loop3A_247 = arith.addf %parallel_loop3A_207, %parallel_loop3A_246 : vector<16xf32>
          %parallel_loop3A_248 = arith.constant 16 : i32
          %parallel_loop3A_249 = arith.muli %parallel_loop3A_159, %parallel_loop3A_248 : i32
          %parallel_loop3A_250 = arith.constant 8 : i32
          %parallel_loop3A_251 = arith.index_cast %parallel_loop3A_250 : i32 to index
          %parallel_loop3A_252 = arith.index_cast %parallel_loop3A_249 : i32 to index
          %parallel_loop3A_253 = tpu.vector_load %arg9[%parallel_loop3A_251, %parallel_loop3A_252] {strides = array<i32>} : memref<20x512xi32, #tpu.memory_space<vmem>>, vector<16xi32>,
          %parallel_loop3A_254 = tpu.vector_load_idx %arg8[%parallel_loop3A_253] : memref<100000xf32, #tpu.memory_space<vmem>>[vector<16xi32>], vector<16xf32>,
          %parallel_loop3A_255 = arith.mulf %parallel_loop3A_254, %gather3A : vector<16xf32>
          %parallel_loop3A_256 = arith.addf %parallel_loop3A_255, %broadcast_in_dim3A_38 : vector<16xf32>
          %parallel_loop3A_257 = arith.addf %parallel_loop3A_217, %parallel_loop3A_256 : vector<16xf32>
          %parallel_loop3A_258 = arith.constant 16 : i32
          %parallel_loop3A_259 = arith.muli %parallel_loop3A_159, %parallel_loop3A_258 : i32
          %parallel_loop3A_260 = arith.constant 9 : i32
          %parallel_loop3A_261 = arith.index_cast %parallel_loop3A_260 : i32 to index
          %parallel_loop3A_262 = arith.index_cast %parallel_loop3A_259 : i32 to index
          %parallel_loop3A_263 = tpu.vector_load %arg9[%parallel_loop3A_261, %parallel_loop3A_262] {strides = array<i32>} : memref<20x512xi32, #tpu.memory_space<vmem>>, vector<16xi32>,
          %parallel_loop3A_264 = tpu.vector_load_idx %arg8[%parallel_loop3A_263] : memref<100000xf32, #tpu.memory_space<vmem>>[vector<16xi32>], vector<16xf32>,
          %parallel_loop3A_265 = arith.mulf %parallel_loop3A_264, %gather3A : vector<16xf32>
          %parallel_loop3A_266 = arith.addf %parallel_loop3A_265, %broadcast_in_dim3A_38 : vector<16xf32>
          %parallel_loop3A_267 = arith.addf %parallel_loop3A_227, %parallel_loop3A_266 : vector<16xf32>
          %parallel_loop3A_268 = arith.constant 16 : i32
          %parallel_loop3A_269 = arith.muli %parallel_loop3A_159, %parallel_loop3A_268 : i32
          %parallel_loop3A_270 = arith.constant 10 : i32
          %parallel_loop3A_271 = arith.index_cast %parallel_loop3A_270 : i32 to index
          %parallel_loop3A_272 = arith.index_cast %parallel_loop3A_269 : i32 to index
          %parallel_loop3A_273 = tpu.vector_load %arg9[%parallel_loop3A_271, %parallel_loop3A_272] {strides = array<i32>} : memref<20x512xi32, #tpu.memory_space<vmem>>, vector<16xi32>,
          %parallel_loop3A_274 = tpu.vector_load_idx %arg8[%parallel_loop3A_273] : memref<100000xf32, #tpu.memory_space<vmem>>[vector<16xi32>], vector<16xf32>,
          %parallel_loop3A_275 = arith.mulf %parallel_loop3A_274, %gather3A : vector<16xf32>
          %parallel_loop3A_276 = arith.addf %parallel_loop3A_275, %broadcast_in_dim3A_38 : vector<16xf32>
          %parallel_loop3A_277 = arith.addf %parallel_loop3A_237, %parallel_loop3A_276 : vector<16xf32>
          %parallel_loop3A_278 = arith.constant 16 : i32
          %parallel_loop3A_279 = arith.muli %parallel_loop3A_159, %parallel_loop3A_278 : i32
          %parallel_loop3A_280 = arith.constant 11 : i32
          %parallel_loop3A_281 = arith.index_cast %parallel_loop3A_280 : i32 to index
          %parallel_loop3A_282 = arith.index_cast %parallel_loop3A_279 : i32 to index
          %parallel_loop3A_283 = tpu.vector_load %arg9[%parallel_loop3A_281, %parallel_loop3A_282] {strides = array<i32>} : memref<20x512xi32, #tpu.memory_space<vmem>>, vector<16xi32>,
          %parallel_loop3A_284 = tpu.vector_load_idx %arg8[%parallel_loop3A_283] : memref<100000xf32, #tpu.memory_space<vmem>>[vector<16xi32>], vector<16xf32>,
          %parallel_loop3A_285 = arith.mulf %parallel_loop3A_284, %gather3A : vector<16xf32>
          %parallel_loop3A_286 = arith.addf %parallel_loop3A_285, %broadcast_in_dim3A_38 : vector<16xf32>
          %parallel_loop3A_287 = arith.addf %parallel_loop3A_247, %parallel_loop3A_286 : vector<16xf32>
          %parallel_loop3A_288 = arith.constant 16 : i32
          %parallel_loop3A_289 = arith.muli %parallel_loop3A_159, %parallel_loop3A_288 : i32
          %parallel_loop3A_290 = arith.constant 12 : i32
          %parallel_loop3A_291 = arith.index_cast %parallel_loop3A_290 : i32 to index
          %parallel_loop3A_292 = arith.index_cast %parallel_loop3A_289 : i32 to index
          %parallel_loop3A_293 = tpu.vector_load %arg9[%parallel_loop3A_291, %parallel_loop3A_292] {strides = array<i32>} : memref<20x512xi32, #tpu.memory_space<vmem>>, vector<16xi32>,
          %parallel_loop3A_294 = tpu.vector_load_idx %arg8[%parallel_loop3A_293] : memref<100000xf32, #tpu.memory_space<vmem>>[vector<16xi32>], vector<16xf32>,
          %parallel_loop3A_295 = arith.mulf %parallel_loop3A_294, %gather3A : vector<16xf32>
          %parallel_loop3A_296 = arith.addf %parallel_loop3A_295, %broadcast_in_dim3A_38 : vector<16xf32>
          %parallel_loop3A_297 = arith.addf %parallel_loop3A_257, %parallel_loop3A_296 : vector<16xf32>
          %parallel_loop3A_298 = arith.constant 16 : i32
          %parallel_loop3A_299 = arith.muli %parallel_loop3A_159, %parallel_loop3A_298 : i32
          %parallel_loop3A_300 = arith.constant 13 : i32
          %parallel_loop3A_301 = arith.index_cast %parallel_loop3A_300 : i32 to index
          %parallel_loop3A_302 = arith.index_cast %parallel_loop3A_299 : i32 to index
          %parallel_loop3A_303 = tpu.vector_load %arg9[%parallel_loop3A_301, %parallel_loop3A_302] {strides = array<i32>} : memref<20x512xi32, #tpu.memory_space<vmem>>, vector<16xi32>,
          %parallel_loop3A_304 = tpu.vector_load_idx %arg8[%parallel_loop3A_303] : memref<100000xf32, #tpu.memory_space<vmem>>[vector<16xi32>], vector<16xf32>,
          %parallel_loop3A_305 = arith.mulf %parallel_loop3A_304, %gather3A : vector<16xf32>
          %parallel_loop3A_306 = arith.addf %parallel_loop3A_305, %broadcast_in_dim3A_38 : vector<16xf32>
          %parallel_loop3A_307 = arith.addf %parallel_loop3A_267, %parallel_loop3A_306 : vector<16xf32>
          %parallel_loop3A_308 = arith.constant 16 : i32
          %parallel_loop3A_309 = arith.muli %parallel_loop3A_159, %parallel_loop3A_308 : i32
          %parallel_loop3A_310 = arith.constant 14 : i32
          %parallel_loop3A_311 = arith.index_cast %parallel_loop3A_310 : i32 to index
          %parallel_loop3A_312 = arith.index_cast %parallel_loop3A_309 : i32 to index
          %parallel_loop3A_313 = tpu.vector_load %arg9[%parallel_loop3A_311, %parallel_loop3A_312] {strides = array<i32>} : memref<20x512xi32, #tpu.memory_space<vmem>>, vector<16xi32>,
          %parallel_loop3A_314 = tpu.vector_load_idx %arg8[%parallel_loop3A_313] : memref<100000xf32, #tpu.memory_space<vmem>>[vector<16xi32>], vector<16xf32>,
          %parallel_loop3A_315 = arith.mulf %parallel_loop3A_314, %gather3A : vector<16xf32>
          %parallel_loop3A_316 = arith.addf %parallel_loop3A_315, %broadcast_in_dim3A_38 : vector<16xf32>
          %parallel_loop3A_317 = arith.addf %parallel_loop3A_277, %parallel_loop3A_316 : vector<16xf32>
          %parallel_loop3A_318 = arith.constant 16 : i32
          %parallel_loop3A_319 = arith.muli %parallel_loop3A_159, %parallel_loop3A_318 : i32
          %parallel_loop3A_320 = arith.constant 15 : i32
          %parallel_loop3A_321 = arith.index_cast %parallel_loop3A_320 : i32 to index
          %parallel_loop3A_322 = arith.index_cast %parallel_loop3A_319 : i32 to index
          %parallel_loop3A_323 = tpu.vector_load %arg9[%parallel_loop3A_321, %parallel_loop3A_322] {strides = array<i32>} : memref<20x512xi32, #tpu.memory_space<vmem>>, vector<16xi32>,
          %parallel_loop3A_324 = tpu.vector_load_idx %arg8[%parallel_loop3A_323] : memref<100000xf32, #tpu.memory_space<vmem>>[vector<16xi32>], vector<16xf32>,
          %parallel_loop3A_325 = arith.mulf %parallel_loop3A_324, %gather3A : vector<16xf32>
          %parallel_loop3A_326 = arith.addf %parallel_loop3A_325, %broadcast_in_dim3A_38 : vector<16xf32>
          %parallel_loop3A_327 = arith.addf %parallel_loop3A_287, %parallel_loop3A_326 : vector<16xf32>
          %parallel_loop3A_328 = arith.constant 16 : i32
          %parallel_loop3A_329 = arith.muli %parallel_loop3A_159, %parallel_loop3A_328 : i32
          %parallel_loop3A_330 = arith.constant 16 : i32
          %parallel_loop3A_331 = arith.index_cast %parallel_loop3A_330 : i32 to index
          %parallel_loop3A_332 = arith.index_cast %parallel_loop3A_329 : i32 to index
          %parallel_loop3A_333 = tpu.vector_load %arg9[%parallel_loop3A_331, %parallel_loop3A_332] {strides = array<i32>} : memref<20x512xi32, #tpu.memory_space<vmem>>, vector<16xi32>,
          %parallel_loop3A_334 = tpu.vector_load_idx %arg8[%parallel_loop3A_333] : memref<100000xf32, #tpu.memory_space<vmem>>[vector<16xi32>], vector<16xf32>,
          %parallel_loop3A_335 = arith.mulf %parallel_loop3A_334, %gather3A : vector<16xf32>
          %parallel_loop3A_336 = arith.addf %parallel_loop3A_335, %broadcast_in_dim3A_38 : vector<16xf32>
          %parallel_loop3A_337 = arith.addf %parallel_loop3A_297, %parallel_loop3A_336 : vector<16xf32>
          %parallel_loop3A_338 = arith.constant 16 : i32
          %parallel_loop3A_339 = arith.muli %parallel_loop3A_159, %parallel_loop3A_338 : i32
          %parallel_loop3A_340 = arith.constant 17 : i32
          %parallel_loop3A_341 = arith.index_cast %parallel_loop3A_340 : i32 to index
          %parallel_loop3A_342 = arith.index_cast %parallel_loop3A_339 : i32 to index
          %parallel_loop3A_343 = tpu.vector_load %arg9[%parallel_loop3A_341, %parallel_loop3A_342] {strides = array<i32>} : memref<20x512xi32, #tpu.memory_space<vmem>>, vector<16xi32>,
          %parallel_loop3A_344 = tpu.vector_load_idx %arg8[%parallel_loop3A_343] : memref<100000xf32, #tpu.memory_space<vmem>>[vector<16xi32>], vector<16xf32>,
          %parallel_loop3A_345 = arith.mulf %parallel_loop3A_344, %gather3A : vector<16xf32>
          %parallel_loop3A_346 = arith.addf %parallel_loop3A_345, %broadcast_in_dim3A_38 : vector<16xf32>
          %parallel_loop3A_347 = arith.addf %parallel_loop3A_307, %parallel_loop3A_346 : vector<16xf32>
          %parallel_loop3A_348 = arith.constant 16 : i32
          %parallel_loop3A_349 = arith.muli %parallel_loop3A_159, %parallel_loop3A_348 : i32
          %parallel_loop3A_350 = arith.constant 18 : i32
          %parallel_loop3A_351 = arith.index_cast %parallel_loop3A_350 : i32 to index
          %parallel_loop3A_352 = arith.index_cast %parallel_loop3A_349 : i32 to index
          %parallel_loop3A_353 = tpu.vector_load %arg9[%parallel_loop3A_351, %parallel_loop3A_352] {strides = array<i32>} : memref<20x512xi32, #tpu.memory_space<vmem>>, vector<16xi32>,
          %parallel_loop3A_354 = tpu.vector_load_idx %arg8[%parallel_loop3A_353] : memref<100000xf32, #tpu.memory_space<vmem>>[vector<16xi32>], vector<16xf32>,
          %parallel_loop3A_355 = arith.mulf %parallel_loop3A_354, %gather3A : vector<16xf32>
          %parallel_loop3A_356 = arith.addf %parallel_loop3A_355, %broadcast_in_dim3A_38 : vector<16xf32>
          %parallel_loop3A_357 = arith.addf %parallel_loop3A_317, %parallel_loop3A_356 : vector<16xf32>
          %parallel_loop3A_358 = arith.constant 16 : i32
          %parallel_loop3A_359 = arith.muli %parallel_loop3A_159, %parallel_loop3A_358 : i32
          %parallel_loop3A_360 = arith.constant 19 : i32
          %parallel_loop3A_361 = arith.index_cast %parallel_loop3A_360 : i32 to index
          %parallel_loop3A_362 = arith.index_cast %parallel_loop3A_359 : i32 to index
          %parallel_loop3A_363 = tpu.vector_load %arg9[%parallel_loop3A_361, %parallel_loop3A_362] {strides = array<i32>} : memref<20x512xi32, #tpu.memory_space<vmem>>, vector<16xi32>,
          %parallel_loop3A_364 = tpu.vector_load_idx %arg8[%parallel_loop3A_363] : memref<100000xf32, #tpu.memory_space<vmem>>[vector<16xi32>], vector<16xf32>,
          %parallel_loop3A_365 = arith.mulf %parallel_loop3A_364, %gather3A : vector<16xf32>
          %parallel_loop3A_366 = arith.addf %parallel_loop3A_365, %broadcast_in_dim3A_38 : vector<16xf32>
          %parallel_loop3A_367 = arith.addf %parallel_loop3A_327, %parallel_loop3A_366 : vector<16xf32>
          %parallel_loop3A_368 = arith.addf %parallel_loop3A_337, %parallel_loop3A_347 : vector<16xf32>
          %parallel_loop3A_369 = arith.addf %parallel_loop3A_357, %parallel_loop3A_367 : vector<16xf32>
          %parallel_loop3A_370 = arith.addf %parallel_loop3A_368, %parallel_loop3A_369 : vector<16xf32>
          %parallel_loop3A_371 = arith.subf %parallel_loop3A_370, %broadcast_in_dim3A_40 : vector<16xf32>
          %parallel_loop3A_372 = arith.mulf %parallel_loop3A_371, %gather3A_35 : vector<16xf32>
          %parallel_loop3A_373 = arith.addf %parallel_loop3A_372, %gather3A_36 : vector<16xf32>
          %parallel_loop3A_374 = arith.constant 16 : i32
          %parallel_loop3A_375 = arith.muli %parallel_loop3A_159, %parallel_loop3A_374 : i32
          %parallel_loop3A_376 = arith.constant 2048 : i32
          %parallel_loop3A_377 = arith.addi %parallel_loop3A_376, %parallel_loop3A_375 : i32
          %parallel_loop3A_378 = arith.index_cast %parallel_loop3A_377 : i32 to index
          %parallel_loop3A_379 = tpu.vector_load %arg11[%parallel_loop3A_378] {strides = array<i32>} : memref<4096xf32, #tpu.memory_space<vmem>>, vector<16xf32>,
          tpu.vector_store %arg11[%parallel_loop3A_378], %parallel_loop3A_373 {strides = array<i32>} : memref<4096xf32, #tpu.memory_space<vmem>>, vector<16xf32>,
        } {sc.loop_unroll_factor = 1 : i64, sc.parallel_access}
        %dma_wait3A_120 = arith.constant 0 : i32
        %dma_wait3A_121 = arith.constant 0 : i32
        %dma_wait3A_122 = tpu.memref_slice %arg2[%dma_wait3A_120, %dma_wait3A_121] : memref<20x4096xi32, #tpu.memory_space<hbm>> -> memref<20x512xi32, #tpu.memory_space<hbm>>
        %dma_wait3A_123 = arith.constant 0 : i32
        %dma_wait3A_124 = arith.constant 0 : i32
        %dma_wait3A_125 = tpu.memref_slice %arg2[%dma_wait3A_123, %dma_wait3A_124] : memref<20x4096xi32, #tpu.memory_space<hbm>> -> memref<20x512xi32, #tpu.memory_space<hbm>>
        tpu.wait_dma2 semaphore(%arg20 : memref<!tpu.dma_semaphore, #tpu.memory_space<semaphore_mem>>) src(%dma_wait3A_125 : memref<20x512xi32, #tpu.memory_space<hbm>>) dst(%arg10 : memref<20x512xi32, #tpu.memory_space<vmem>>)
        %dma_start3A_126 = arith.constant 0 : i32
        %dma_start3A_127 = arith.constant 3072 : i32
        %dma_start3A_128 = tpu.memref_slice %arg2[%dma_start3A_126, %dma_start3A_127] : memref<20x4096xi32, #tpu.memory_space<hbm>> -> memref<20x512xi32, #tpu.memory_space<hbm>>
        %dma_start3A_129 = arith.constant 0 : i32
        %dma_start3A_130 = arith.constant 3072 : i32
        %dma_start3A_131 = tpu.memref_slice %arg2[%dma_start3A_129, %dma_start3A_130] : memref<20x4096xi32, #tpu.memory_space<hbm>> -> memref<20x512xi32, #tpu.memory_space<hbm>>
        tpu.enqueue_dma source(%dma_start3A_131 : memref<20x512xi32, #tpu.memory_space<hbm>>) target(%arg9 : memref<20x512xi32, #tpu.memory_space<vmem>>) target_semaphore(%arg19 : memref<!tpu.dma_semaphore, #tpu.memory_space<semaphore_mem>>)
        %parallel_loop3A_132 = arith.constant 0 : i32
        %parallel_loop3A_133 = arith.constant 32 : i32
        %parallel_loop3A_134 = arith.constant 1 : i32
        scf.for %parallel_loop3A_159 = %parallel_loop3A_132 to %parallel_loop3A_133 step %parallel_loop3A_134  : i32 {
          %parallel_loop3A_160 = arith.constant 0.000000e+00 : f32
          %parallel_loop3A_161 = vector.broadcast %parallel_loop3A_160 : f32 to vector<16xf32>
          %parallel_loop3A_162 = arith.constant 0.000000e+00 : f32
          %parallel_loop3A_163 = vector.broadcast %parallel_loop3A_162 : f32 to vector<16xf32>
          %parallel_loop3A_164 = arith.constant 0.000000e+00 : f32
          %parallel_loop3A_165 = vector.broadcast %parallel_loop3A_164 : f32 to vector<16xf32>
          %parallel_loop3A_166 = arith.constant 0.000000e+00 : f32
          %parallel_loop3A_167 = vector.broadcast %parallel_loop3A_166 : f32 to vector<16xf32>
          %parallel_loop3A_168 = arith.constant 16 : i32
          %parallel_loop3A_169 = arith.muli %parallel_loop3A_159, %parallel_loop3A_168 : i32
          %parallel_loop3A_170 = arith.constant 0 : i32
          %parallel_loop3A_171 = arith.index_cast %parallel_loop3A_170 : i32 to index
          %parallel_loop3A_172 = arith.index_cast %parallel_loop3A_169 : i32 to index
          %parallel_loop3A_173 = tpu.vector_load %arg10[%parallel_loop3A_171, %parallel_loop3A_172] {strides = array<i32>} : memref<20x512xi32, #tpu.memory_space<vmem>>, vector<16xi32>,
          %parallel_loop3A_174 = tpu.vector_load_idx %arg8[%parallel_loop3A_173] : memref<100000xf32, #tpu.memory_space<vmem>>[vector<16xi32>], vector<16xf32>,
          %parallel_loop3A_175 = arith.mulf %parallel_loop3A_174, %gather3A : vector<16xf32>
          %parallel_loop3A_176 = arith.addf %parallel_loop3A_175, %broadcast_in_dim3A_38 : vector<16xf32>
          %parallel_loop3A_177 = arith.addf %parallel_loop3A_161, %parallel_loop3A_176 : vector<16xf32>
          %parallel_loop3A_178 = arith.constant 16 : i32
          %parallel_loop3A_179 = arith.muli %parallel_loop3A_159, %parallel_loop3A_178 : i32
          %parallel_loop3A_180 = arith.constant 1 : i32
          %parallel_loop3A_181 = arith.index_cast %parallel_loop3A_180 : i32 to index
          %parallel_loop3A_182 = arith.index_cast %parallel_loop3A_179 : i32 to index
          %parallel_loop3A_183 = tpu.vector_load %arg10[%parallel_loop3A_181, %parallel_loop3A_182] {strides = array<i32>} : memref<20x512xi32, #tpu.memory_space<vmem>>, vector<16xi32>,
          %parallel_loop3A_184 = tpu.vector_load_idx %arg8[%parallel_loop3A_183] : memref<100000xf32, #tpu.memory_space<vmem>>[vector<16xi32>], vector<16xf32>,
          %parallel_loop3A_185 = arith.mulf %parallel_loop3A_184, %gather3A : vector<16xf32>
          %parallel_loop3A_186 = arith.addf %parallel_loop3A_185, %broadcast_in_dim3A_38 : vector<16xf32>
          %parallel_loop3A_187 = arith.addf %parallel_loop3A_163, %parallel_loop3A_186 : vector<16xf32>
          %parallel_loop3A_188 = arith.constant 16 : i32
          %parallel_loop3A_189 = arith.muli %parallel_loop3A_159, %parallel_loop3A_188 : i32
          %parallel_loop3A_190 = arith.constant 2 : i32
          %parallel_loop3A_191 = arith.index_cast %parallel_loop3A_190 : i32 to index
          %parallel_loop3A_192 = arith.index_cast %parallel_loop3A_189 : i32 to index
          %parallel_loop3A_193 = tpu.vector_load %arg10[%parallel_loop3A_191, %parallel_loop3A_192] {strides = array<i32>} : memref<20x512xi32, #tpu.memory_space<vmem>>, vector<16xi32>,
          %parallel_loop3A_194 = tpu.vector_load_idx %arg8[%parallel_loop3A_193] : memref<100000xf32, #tpu.memory_space<vmem>>[vector<16xi32>], vector<16xf32>,
          %parallel_loop3A_195 = arith.mulf %parallel_loop3A_194, %gather3A : vector<16xf32>
          %parallel_loop3A_196 = arith.addf %parallel_loop3A_195, %broadcast_in_dim3A_38 : vector<16xf32>
          %parallel_loop3A_197 = arith.addf %parallel_loop3A_165, %parallel_loop3A_196 : vector<16xf32>
          %parallel_loop3A_198 = arith.constant 16 : i32
          %parallel_loop3A_199 = arith.muli %parallel_loop3A_159, %parallel_loop3A_198 : i32
          %parallel_loop3A_200 = arith.constant 3 : i32
          %parallel_loop3A_201 = arith.index_cast %parallel_loop3A_200 : i32 to index
          %parallel_loop3A_202 = arith.index_cast %parallel_loop3A_199 : i32 to index
          %parallel_loop3A_203 = tpu.vector_load %arg10[%parallel_loop3A_201, %parallel_loop3A_202] {strides = array<i32>} : memref<20x512xi32, #tpu.memory_space<vmem>>, vector<16xi32>,
          %parallel_loop3A_204 = tpu.vector_load_idx %arg8[%parallel_loop3A_203] : memref<100000xf32, #tpu.memory_space<vmem>>[vector<16xi32>], vector<16xf32>,
          %parallel_loop3A_205 = arith.mulf %parallel_loop3A_204, %gather3A : vector<16xf32>
          %parallel_loop3A_206 = arith.addf %parallel_loop3A_205, %broadcast_in_dim3A_38 : vector<16xf32>
          %parallel_loop3A_207 = arith.addf %parallel_loop3A_167, %parallel_loop3A_206 : vector<16xf32>
          %parallel_loop3A_208 = arith.constant 16 : i32
          %parallel_loop3A_209 = arith.muli %parallel_loop3A_159, %parallel_loop3A_208 : i32
          %parallel_loop3A_210 = arith.constant 4 : i32
          %parallel_loop3A_211 = arith.index_cast %parallel_loop3A_210 : i32 to index
          %parallel_loop3A_212 = arith.index_cast %parallel_loop3A_209 : i32 to index
          %parallel_loop3A_213 = tpu.vector_load %arg10[%parallel_loop3A_211, %parallel_loop3A_212] {strides = array<i32>} : memref<20x512xi32, #tpu.memory_space<vmem>>, vector<16xi32>,
          %parallel_loop3A_214 = tpu.vector_load_idx %arg8[%parallel_loop3A_213] : memref<100000xf32, #tpu.memory_space<vmem>>[vector<16xi32>], vector<16xf32>,
          %parallel_loop3A_215 = arith.mulf %parallel_loop3A_214, %gather3A : vector<16xf32>
          %parallel_loop3A_216 = arith.addf %parallel_loop3A_215, %broadcast_in_dim3A_38 : vector<16xf32>
          %parallel_loop3A_217 = arith.addf %parallel_loop3A_177, %parallel_loop3A_216 : vector<16xf32>
          %parallel_loop3A_218 = arith.constant 16 : i32
          %parallel_loop3A_219 = arith.muli %parallel_loop3A_159, %parallel_loop3A_218 : i32
          %parallel_loop3A_220 = arith.constant 5 : i32
          %parallel_loop3A_221 = arith.index_cast %parallel_loop3A_220 : i32 to index
          %parallel_loop3A_222 = arith.index_cast %parallel_loop3A_219 : i32 to index
          %parallel_loop3A_223 = tpu.vector_load %arg10[%parallel_loop3A_221, %parallel_loop3A_222] {strides = array<i32>} : memref<20x512xi32, #tpu.memory_space<vmem>>, vector<16xi32>,
          %parallel_loop3A_224 = tpu.vector_load_idx %arg8[%parallel_loop3A_223] : memref<100000xf32, #tpu.memory_space<vmem>>[vector<16xi32>], vector<16xf32>,
          %parallel_loop3A_225 = arith.mulf %parallel_loop3A_224, %gather3A : vector<16xf32>
          %parallel_loop3A_226 = arith.addf %parallel_loop3A_225, %broadcast_in_dim3A_38 : vector<16xf32>
          %parallel_loop3A_227 = arith.addf %parallel_loop3A_187, %parallel_loop3A_226 : vector<16xf32>
          %parallel_loop3A_228 = arith.constant 16 : i32
          %parallel_loop3A_229 = arith.muli %parallel_loop3A_159, %parallel_loop3A_228 : i32
          %parallel_loop3A_230 = arith.constant 6 : i32
          %parallel_loop3A_231 = arith.index_cast %parallel_loop3A_230 : i32 to index
          %parallel_loop3A_232 = arith.index_cast %parallel_loop3A_229 : i32 to index
          %parallel_loop3A_233 = tpu.vector_load %arg10[%parallel_loop3A_231, %parallel_loop3A_232] {strides = array<i32>} : memref<20x512xi32, #tpu.memory_space<vmem>>, vector<16xi32>,
          %parallel_loop3A_234 = tpu.vector_load_idx %arg8[%parallel_loop3A_233] : memref<100000xf32, #tpu.memory_space<vmem>>[vector<16xi32>], vector<16xf32>,
          %parallel_loop3A_235 = arith.mulf %parallel_loop3A_234, %gather3A : vector<16xf32>
          %parallel_loop3A_236 = arith.addf %parallel_loop3A_235, %broadcast_in_dim3A_38 : vector<16xf32>
          %parallel_loop3A_237 = arith.addf %parallel_loop3A_197, %parallel_loop3A_236 : vector<16xf32>
          %parallel_loop3A_238 = arith.constant 16 : i32
          %parallel_loop3A_239 = arith.muli %parallel_loop3A_159, %parallel_loop3A_238 : i32
          %parallel_loop3A_240 = arith.constant 7 : i32
          %parallel_loop3A_241 = arith.index_cast %parallel_loop3A_240 : i32 to index
          %parallel_loop3A_242 = arith.index_cast %parallel_loop3A_239 : i32 to index
          %parallel_loop3A_243 = tpu.vector_load %arg10[%parallel_loop3A_241, %parallel_loop3A_242] {strides = array<i32>} : memref<20x512xi32, #tpu.memory_space<vmem>>, vector<16xi32>,
          %parallel_loop3A_244 = tpu.vector_load_idx %arg8[%parallel_loop3A_243] : memref<100000xf32, #tpu.memory_space<vmem>>[vector<16xi32>], vector<16xf32>,
          %parallel_loop3A_245 = arith.mulf %parallel_loop3A_244, %gather3A : vector<16xf32>
          %parallel_loop3A_246 = arith.addf %parallel_loop3A_245, %broadcast_in_dim3A_38 : vector<16xf32>
          %parallel_loop3A_247 = arith.addf %parallel_loop3A_207, %parallel_loop3A_246 : vector<16xf32>
          %parallel_loop3A_248 = arith.constant 16 : i32
          %parallel_loop3A_249 = arith.muli %parallel_loop3A_159, %parallel_loop3A_248 : i32
          %parallel_loop3A_250 = arith.constant 8 : i32
          %parallel_loop3A_251 = arith.index_cast %parallel_loop3A_250 : i32 to index
          %parallel_loop3A_252 = arith.index_cast %parallel_loop3A_249 : i32 to index
          %parallel_loop3A_253 = tpu.vector_load %arg10[%parallel_loop3A_251, %parallel_loop3A_252] {strides = array<i32>} : memref<20x512xi32, #tpu.memory_space<vmem>>, vector<16xi32>,
          %parallel_loop3A_254 = tpu.vector_load_idx %arg8[%parallel_loop3A_253] : memref<100000xf32, #tpu.memory_space<vmem>>[vector<16xi32>], vector<16xf32>,
          %parallel_loop3A_255 = arith.mulf %parallel_loop3A_254, %gather3A : vector<16xf32>
          %parallel_loop3A_256 = arith.addf %parallel_loop3A_255, %broadcast_in_dim3A_38 : vector<16xf32>
          %parallel_loop3A_257 = arith.addf %parallel_loop3A_217, %parallel_loop3A_256 : vector<16xf32>
          %parallel_loop3A_258 = arith.constant 16 : i32
          %parallel_loop3A_259 = arith.muli %parallel_loop3A_159, %parallel_loop3A_258 : i32
          %parallel_loop3A_260 = arith.constant 9 : i32
          %parallel_loop3A_261 = arith.index_cast %parallel_loop3A_260 : i32 to index
          %parallel_loop3A_262 = arith.index_cast %parallel_loop3A_259 : i32 to index
          %parallel_loop3A_263 = tpu.vector_load %arg10[%parallel_loop3A_261, %parallel_loop3A_262] {strides = array<i32>} : memref<20x512xi32, #tpu.memory_space<vmem>>, vector<16xi32>,
          %parallel_loop3A_264 = tpu.vector_load_idx %arg8[%parallel_loop3A_263] : memref<100000xf32, #tpu.memory_space<vmem>>[vector<16xi32>], vector<16xf32>,
          %parallel_loop3A_265 = arith.mulf %parallel_loop3A_264, %gather3A : vector<16xf32>
          %parallel_loop3A_266 = arith.addf %parallel_loop3A_265, %broadcast_in_dim3A_38 : vector<16xf32>
          %parallel_loop3A_267 = arith.addf %parallel_loop3A_227, %parallel_loop3A_266 : vector<16xf32>
          %parallel_loop3A_268 = arith.constant 16 : i32
          %parallel_loop3A_269 = arith.muli %parallel_loop3A_159, %parallel_loop3A_268 : i32
          %parallel_loop3A_270 = arith.constant 10 : i32
          %parallel_loop3A_271 = arith.index_cast %parallel_loop3A_270 : i32 to index
          %parallel_loop3A_272 = arith.index_cast %parallel_loop3A_269 : i32 to index
          %parallel_loop3A_273 = tpu.vector_load %arg10[%parallel_loop3A_271, %parallel_loop3A_272] {strides = array<i32>} : memref<20x512xi32, #tpu.memory_space<vmem>>, vector<16xi32>,
          %parallel_loop3A_274 = tpu.vector_load_idx %arg8[%parallel_loop3A_273] : memref<100000xf32, #tpu.memory_space<vmem>>[vector<16xi32>], vector<16xf32>,
          %parallel_loop3A_275 = arith.mulf %parallel_loop3A_274, %gather3A : vector<16xf32>
          %parallel_loop3A_276 = arith.addf %parallel_loop3A_275, %broadcast_in_dim3A_38 : vector<16xf32>
          %parallel_loop3A_277 = arith.addf %parallel_loop3A_237, %parallel_loop3A_276 : vector<16xf32>
          %parallel_loop3A_278 = arith.constant 16 : i32
          %parallel_loop3A_279 = arith.muli %parallel_loop3A_159, %parallel_loop3A_278 : i32
          %parallel_loop3A_280 = arith.constant 11 : i32
          %parallel_loop3A_281 = arith.index_cast %parallel_loop3A_280 : i32 to index
          %parallel_loop3A_282 = arith.index_cast %parallel_loop3A_279 : i32 to index
          %parallel_loop3A_283 = tpu.vector_load %arg10[%parallel_loop3A_281, %parallel_loop3A_282] {strides = array<i32>} : memref<20x512xi32, #tpu.memory_space<vmem>>, vector<16xi32>,
          %parallel_loop3A_284 = tpu.vector_load_idx %arg8[%parallel_loop3A_283] : memref<100000xf32, #tpu.memory_space<vmem>>[vector<16xi32>], vector<16xf32>,
          %parallel_loop3A_285 = arith.mulf %parallel_loop3A_284, %gather3A : vector<16xf32>
          %parallel_loop3A_286 = arith.addf %parallel_loop3A_285, %broadcast_in_dim3A_38 : vector<16xf32>
          %parallel_loop3A_287 = arith.addf %parallel_loop3A_247, %parallel_loop3A_286 : vector<16xf32>
          %parallel_loop3A_288 = arith.constant 16 : i32
          %parallel_loop3A_289 = arith.muli %parallel_loop3A_159, %parallel_loop3A_288 : i32
          %parallel_loop3A_290 = arith.constant 12 : i32
          %parallel_loop3A_291 = arith.index_cast %parallel_loop3A_290 : i32 to index
          %parallel_loop3A_292 = arith.index_cast %parallel_loop3A_289 : i32 to index
          %parallel_loop3A_293 = tpu.vector_load %arg10[%parallel_loop3A_291, %parallel_loop3A_292] {strides = array<i32>} : memref<20x512xi32, #tpu.memory_space<vmem>>, vector<16xi32>,
          %parallel_loop3A_294 = tpu.vector_load_idx %arg8[%parallel_loop3A_293] : memref<100000xf32, #tpu.memory_space<vmem>>[vector<16xi32>], vector<16xf32>,
          %parallel_loop3A_295 = arith.mulf %parallel_loop3A_294, %gather3A : vector<16xf32>
          %parallel_loop3A_296 = arith.addf %parallel_loop3A_295, %broadcast_in_dim3A_38 : vector<16xf32>
          %parallel_loop3A_297 = arith.addf %parallel_loop3A_257, %parallel_loop3A_296 : vector<16xf32>
          %parallel_loop3A_298 = arith.constant 16 : i32
          %parallel_loop3A_299 = arith.muli %parallel_loop3A_159, %parallel_loop3A_298 : i32
          %parallel_loop3A_300 = arith.constant 13 : i32
          %parallel_loop3A_301 = arith.index_cast %parallel_loop3A_300 : i32 to index
          %parallel_loop3A_302 = arith.index_cast %parallel_loop3A_299 : i32 to index
          %parallel_loop3A_303 = tpu.vector_load %arg10[%parallel_loop3A_301, %parallel_loop3A_302] {strides = array<i32>} : memref<20x512xi32, #tpu.memory_space<vmem>>, vector<16xi32>,
          %parallel_loop3A_304 = tpu.vector_load_idx %arg8[%parallel_loop3A_303] : memref<100000xf32, #tpu.memory_space<vmem>>[vector<16xi32>], vector<16xf32>,
          %parallel_loop3A_305 = arith.mulf %parallel_loop3A_304, %gather3A : vector<16xf32>
          %parallel_loop3A_306 = arith.addf %parallel_loop3A_305, %broadcast_in_dim3A_38 : vector<16xf32>
          %parallel_loop3A_307 = arith.addf %parallel_loop3A_267, %parallel_loop3A_306 : vector<16xf32>
          %parallel_loop3A_308 = arith.constant 16 : i32
          %parallel_loop3A_309 = arith.muli %parallel_loop3A_159, %parallel_loop3A_308 : i32
          %parallel_loop3A_310 = arith.constant 14 : i32
          %parallel_loop3A_311 = arith.index_cast %parallel_loop3A_310 : i32 to index
          %parallel_loop3A_312 = arith.index_cast %parallel_loop3A_309 : i32 to index
          %parallel_loop3A_313 = tpu.vector_load %arg10[%parallel_loop3A_311, %parallel_loop3A_312] {strides = array<i32>} : memref<20x512xi32, #tpu.memory_space<vmem>>, vector<16xi32>,
          %parallel_loop3A_314 = tpu.vector_load_idx %arg8[%parallel_loop3A_313] : memref<100000xf32, #tpu.memory_space<vmem>>[vector<16xi32>], vector<16xf32>,
          %parallel_loop3A_315 = arith.mulf %parallel_loop3A_314, %gather3A : vector<16xf32>
          %parallel_loop3A_316 = arith.addf %parallel_loop3A_315, %broadcast_in_dim3A_38 : vector<16xf32>
          %parallel_loop3A_317 = arith.addf %parallel_loop3A_277, %parallel_loop3A_316 : vector<16xf32>
          %parallel_loop3A_318 = arith.constant 16 : i32
          %parallel_loop3A_319 = arith.muli %parallel_loop3A_159, %parallel_loop3A_318 : i32
          %parallel_loop3A_320 = arith.constant 15 : i32
          %parallel_loop3A_321 = arith.index_cast %parallel_loop3A_320 : i32 to index
          %parallel_loop3A_322 = arith.index_cast %parallel_loop3A_319 : i32 to index
          %parallel_loop3A_323 = tpu.vector_load %arg10[%parallel_loop3A_321, %parallel_loop3A_322] {strides = array<i32>} : memref<20x512xi32, #tpu.memory_space<vmem>>, vector<16xi32>,
          %parallel_loop3A_324 = tpu.vector_load_idx %arg8[%parallel_loop3A_323] : memref<100000xf32, #tpu.memory_space<vmem>>[vector<16xi32>], vector<16xf32>,
          %parallel_loop3A_325 = arith.mulf %parallel_loop3A_324, %gather3A : vector<16xf32>
          %parallel_loop3A_326 = arith.addf %parallel_loop3A_325, %broadcast_in_dim3A_38 : vector<16xf32>
          %parallel_loop3A_327 = arith.addf %parallel_loop3A_287, %parallel_loop3A_326 : vector<16xf32>
          %parallel_loop3A_328 = arith.constant 16 : i32
          %parallel_loop3A_329 = arith.muli %parallel_loop3A_159, %parallel_loop3A_328 : i32
          %parallel_loop3A_330 = arith.constant 16 : i32
          %parallel_loop3A_331 = arith.index_cast %parallel_loop3A_330 : i32 to index
          %parallel_loop3A_332 = arith.index_cast %parallel_loop3A_329 : i32 to index
          %parallel_loop3A_333 = tpu.vector_load %arg10[%parallel_loop3A_331, %parallel_loop3A_332] {strides = array<i32>} : memref<20x512xi32, #tpu.memory_space<vmem>>, vector<16xi32>,
          %parallel_loop3A_334 = tpu.vector_load_idx %arg8[%parallel_loop3A_333] : memref<100000xf32, #tpu.memory_space<vmem>>[vector<16xi32>], vector<16xf32>,
          %parallel_loop3A_335 = arith.mulf %parallel_loop3A_334, %gather3A : vector<16xf32>
          %parallel_loop3A_336 = arith.addf %parallel_loop3A_335, %broadcast_in_dim3A_38 : vector<16xf32>
          %parallel_loop3A_337 = arith.addf %parallel_loop3A_297, %parallel_loop3A_336 : vector<16xf32>
          %parallel_loop3A_338 = arith.constant 16 : i32
          %parallel_loop3A_339 = arith.muli %parallel_loop3A_159, %parallel_loop3A_338 : i32
          %parallel_loop3A_340 = arith.constant 17 : i32
          %parallel_loop3A_341 = arith.index_cast %parallel_loop3A_340 : i32 to index
          %parallel_loop3A_342 = arith.index_cast %parallel_loop3A_339 : i32 to index
          %parallel_loop3A_343 = tpu.vector_load %arg10[%parallel_loop3A_341, %parallel_loop3A_342] {strides = array<i32>} : memref<20x512xi32, #tpu.memory_space<vmem>>, vector<16xi32>,
          %parallel_loop3A_344 = tpu.vector_load_idx %arg8[%parallel_loop3A_343] : memref<100000xf32, #tpu.memory_space<vmem>>[vector<16xi32>], vector<16xf32>,
          %parallel_loop3A_345 = arith.mulf %parallel_loop3A_344, %gather3A : vector<16xf32>
          %parallel_loop3A_346 = arith.addf %parallel_loop3A_345, %broadcast_in_dim3A_38 : vector<16xf32>
          %parallel_loop3A_347 = arith.addf %parallel_loop3A_307, %parallel_loop3A_346 : vector<16xf32>
          %parallel_loop3A_348 = arith.constant 16 : i32
          %parallel_loop3A_349 = arith.muli %parallel_loop3A_159, %parallel_loop3A_348 : i32
          %parallel_loop3A_350 = arith.constant 18 : i32
          %parallel_loop3A_351 = arith.index_cast %parallel_loop3A_350 : i32 to index
          %parallel_loop3A_352 = arith.index_cast %parallel_loop3A_349 : i32 to index
          %parallel_loop3A_353 = tpu.vector_load %arg10[%parallel_loop3A_351, %parallel_loop3A_352] {strides = array<i32>} : memref<20x512xi32, #tpu.memory_space<vmem>>, vector<16xi32>,
          %parallel_loop3A_354 = tpu.vector_load_idx %arg8[%parallel_loop3A_353] : memref<100000xf32, #tpu.memory_space<vmem>>[vector<16xi32>], vector<16xf32>,
          %parallel_loop3A_355 = arith.mulf %parallel_loop3A_354, %gather3A : vector<16xf32>
          %parallel_loop3A_356 = arith.addf %parallel_loop3A_355, %broadcast_in_dim3A_38 : vector<16xf32>
          %parallel_loop3A_357 = arith.addf %parallel_loop3A_317, %parallel_loop3A_356 : vector<16xf32>
          %parallel_loop3A_358 = arith.constant 16 : i32
          %parallel_loop3A_359 = arith.muli %parallel_loop3A_159, %parallel_loop3A_358 : i32
          %parallel_loop3A_360 = arith.constant 19 : i32
          %parallel_loop3A_361 = arith.index_cast %parallel_loop3A_360 : i32 to index
          %parallel_loop3A_362 = arith.index_cast %parallel_loop3A_359 : i32 to index
          %parallel_loop3A_363 = tpu.vector_load %arg10[%parallel_loop3A_361, %parallel_loop3A_362] {strides = array<i32>} : memref<20x512xi32, #tpu.memory_space<vmem>>, vector<16xi32>,
          %parallel_loop3A_364 = tpu.vector_load_idx %arg8[%parallel_loop3A_363] : memref<100000xf32, #tpu.memory_space<vmem>>[vector<16xi32>], vector<16xf32>,
          %parallel_loop3A_365 = arith.mulf %parallel_loop3A_364, %gather3A : vector<16xf32>
          %parallel_loop3A_366 = arith.addf %parallel_loop3A_365, %broadcast_in_dim3A_38 : vector<16xf32>
          %parallel_loop3A_367 = arith.addf %parallel_loop3A_327, %parallel_loop3A_366 : vector<16xf32>
          %parallel_loop3A_368 = arith.addf %parallel_loop3A_337, %parallel_loop3A_347 : vector<16xf32>
          %parallel_loop3A_369 = arith.addf %parallel_loop3A_357, %parallel_loop3A_367 : vector<16xf32>
          %parallel_loop3A_370 = arith.addf %parallel_loop3A_368, %parallel_loop3A_369 : vector<16xf32>
          %parallel_loop3A_371 = arith.subf %parallel_loop3A_370, %broadcast_in_dim3A_40 : vector<16xf32>
          %parallel_loop3A_372 = arith.mulf %parallel_loop3A_371, %gather3A_35 : vector<16xf32>
          %parallel_loop3A_373 = arith.addf %parallel_loop3A_372, %gather3A_36 : vector<16xf32>
          %parallel_loop3A_374 = arith.constant 16 : i32
          %parallel_loop3A_375 = arith.muli %parallel_loop3A_159, %parallel_loop3A_374 : i32
          %parallel_loop3A_376 = arith.constant 2560 : i32
          %parallel_loop3A_377 = arith.addi %parallel_loop3A_376, %parallel_loop3A_375 : i32
          %parallel_loop3A_378 = arith.index_cast %parallel_loop3A_377 : i32 to index
          %parallel_loop3A_379 = tpu.vector_load %arg11[%parallel_loop3A_378] {strides = array<i32>} : memref<4096xf32, #tpu.memory_space<vmem>>, vector<16xf32>,
          tpu.vector_store %arg11[%parallel_loop3A_378], %parallel_loop3A_373 {strides = array<i32>} : memref<4096xf32, #tpu.memory_space<vmem>>, vector<16xf32>,
        } {sc.loop_unroll_factor = 1 : i64, sc.parallel_access}
        %dma_wait3A_135 = arith.constant 0 : i32
        %dma_wait3A_136 = arith.constant 0 : i32
        %dma_wait3A_137 = tpu.memref_slice %arg2[%dma_wait3A_135, %dma_wait3A_136] : memref<20x4096xi32, #tpu.memory_space<hbm>> -> memref<20x512xi32, #tpu.memory_space<hbm>>
        %dma_wait3A_138 = arith.constant 0 : i32
        %dma_wait3A_139 = arith.constant 0 : i32
        %dma_wait3A_140 = tpu.memref_slice %arg2[%dma_wait3A_138, %dma_wait3A_139] : memref<20x4096xi32, #tpu.memory_space<hbm>> -> memref<20x512xi32, #tpu.memory_space<hbm>>
        tpu.wait_dma2 semaphore(%arg19 : memref<!tpu.dma_semaphore, #tpu.memory_space<semaphore_mem>>) src(%dma_wait3A_140 : memref<20x512xi32, #tpu.memory_space<hbm>>) dst(%arg9 : memref<20x512xi32, #tpu.memory_space<vmem>>)
        %dma_start3A_141 = arith.constant 0 : i32
        %dma_start3A_142 = arith.constant 3584 : i32
        %dma_start3A_143 = tpu.memref_slice %arg2[%dma_start3A_141, %dma_start3A_142] : memref<20x4096xi32, #tpu.memory_space<hbm>> -> memref<20x512xi32, #tpu.memory_space<hbm>>
        %dma_start3A_144 = arith.constant 0 : i32
        %dma_start3A_145 = arith.constant 3584 : i32
        %dma_start3A_146 = tpu.memref_slice %arg2[%dma_start3A_144, %dma_start3A_145] : memref<20x4096xi32, #tpu.memory_space<hbm>> -> memref<20x512xi32, #tpu.memory_space<hbm>>
        tpu.enqueue_dma source(%dma_start3A_146 : memref<20x512xi32, #tpu.memory_space<hbm>>) target(%arg10 : memref<20x512xi32, #tpu.memory_space<vmem>>) target_semaphore(%arg20 : memref<!tpu.dma_semaphore, #tpu.memory_space<semaphore_mem>>)
        %parallel_loop3A_147 = arith.constant 0 : i32
        %parallel_loop3A_148 = arith.constant 32 : i32
        %parallel_loop3A_149 = arith.constant 1 : i32
        scf.for %parallel_loop3A_159 = %parallel_loop3A_147 to %parallel_loop3A_148 step %parallel_loop3A_149  : i32 {
          %parallel_loop3A_160 = arith.constant 0.000000e+00 : f32
          %parallel_loop3A_161 = vector.broadcast %parallel_loop3A_160 : f32 to vector<16xf32>
          %parallel_loop3A_162 = arith.constant 0.000000e+00 : f32
          %parallel_loop3A_163 = vector.broadcast %parallel_loop3A_162 : f32 to vector<16xf32>
          %parallel_loop3A_164 = arith.constant 0.000000e+00 : f32
          %parallel_loop3A_165 = vector.broadcast %parallel_loop3A_164 : f32 to vector<16xf32>
          %parallel_loop3A_166 = arith.constant 0.000000e+00 : f32
          %parallel_loop3A_167 = vector.broadcast %parallel_loop3A_166 : f32 to vector<16xf32>
          %parallel_loop3A_168 = arith.constant 16 : i32
          %parallel_loop3A_169 = arith.muli %parallel_loop3A_159, %parallel_loop3A_168 : i32
          %parallel_loop3A_170 = arith.constant 0 : i32
          %parallel_loop3A_171 = arith.index_cast %parallel_loop3A_170 : i32 to index
          %parallel_loop3A_172 = arith.index_cast %parallel_loop3A_169 : i32 to index
          %parallel_loop3A_173 = tpu.vector_load %arg9[%parallel_loop3A_171, %parallel_loop3A_172] {strides = array<i32>} : memref<20x512xi32, #tpu.memory_space<vmem>>, vector<16xi32>,
          %parallel_loop3A_174 = tpu.vector_load_idx %arg8[%parallel_loop3A_173] : memref<100000xf32, #tpu.memory_space<vmem>>[vector<16xi32>], vector<16xf32>,
          %parallel_loop3A_175 = arith.mulf %parallel_loop3A_174, %gather3A : vector<16xf32>
          %parallel_loop3A_176 = arith.addf %parallel_loop3A_175, %broadcast_in_dim3A_38 : vector<16xf32>
          %parallel_loop3A_177 = arith.addf %parallel_loop3A_161, %parallel_loop3A_176 : vector<16xf32>
          %parallel_loop3A_178 = arith.constant 16 : i32
          %parallel_loop3A_179 = arith.muli %parallel_loop3A_159, %parallel_loop3A_178 : i32
          %parallel_loop3A_180 = arith.constant 1 : i32
          %parallel_loop3A_181 = arith.index_cast %parallel_loop3A_180 : i32 to index
          %parallel_loop3A_182 = arith.index_cast %parallel_loop3A_179 : i32 to index
          %parallel_loop3A_183 = tpu.vector_load %arg9[%parallel_loop3A_181, %parallel_loop3A_182] {strides = array<i32>} : memref<20x512xi32, #tpu.memory_space<vmem>>, vector<16xi32>,
          %parallel_loop3A_184 = tpu.vector_load_idx %arg8[%parallel_loop3A_183] : memref<100000xf32, #tpu.memory_space<vmem>>[vector<16xi32>], vector<16xf32>,
          %parallel_loop3A_185 = arith.mulf %parallel_loop3A_184, %gather3A : vector<16xf32>
          %parallel_loop3A_186 = arith.addf %parallel_loop3A_185, %broadcast_in_dim3A_38 : vector<16xf32>
          %parallel_loop3A_187 = arith.addf %parallel_loop3A_163, %parallel_loop3A_186 : vector<16xf32>
          %parallel_loop3A_188 = arith.constant 16 : i32
          %parallel_loop3A_189 = arith.muli %parallel_loop3A_159, %parallel_loop3A_188 : i32
          %parallel_loop3A_190 = arith.constant 2 : i32
          %parallel_loop3A_191 = arith.index_cast %parallel_loop3A_190 : i32 to index
          %parallel_loop3A_192 = arith.index_cast %parallel_loop3A_189 : i32 to index
          %parallel_loop3A_193 = tpu.vector_load %arg9[%parallel_loop3A_191, %parallel_loop3A_192] {strides = array<i32>} : memref<20x512xi32, #tpu.memory_space<vmem>>, vector<16xi32>,
          %parallel_loop3A_194 = tpu.vector_load_idx %arg8[%parallel_loop3A_193] : memref<100000xf32, #tpu.memory_space<vmem>>[vector<16xi32>], vector<16xf32>,
          %parallel_loop3A_195 = arith.mulf %parallel_loop3A_194, %gather3A : vector<16xf32>
          %parallel_loop3A_196 = arith.addf %parallel_loop3A_195, %broadcast_in_dim3A_38 : vector<16xf32>
          %parallel_loop3A_197 = arith.addf %parallel_loop3A_165, %parallel_loop3A_196 : vector<16xf32>
          %parallel_loop3A_198 = arith.constant 16 : i32
          %parallel_loop3A_199 = arith.muli %parallel_loop3A_159, %parallel_loop3A_198 : i32
          %parallel_loop3A_200 = arith.constant 3 : i32
          %parallel_loop3A_201 = arith.index_cast %parallel_loop3A_200 : i32 to index
          %parallel_loop3A_202 = arith.index_cast %parallel_loop3A_199 : i32 to index
          %parallel_loop3A_203 = tpu.vector_load %arg9[%parallel_loop3A_201, %parallel_loop3A_202] {strides = array<i32>} : memref<20x512xi32, #tpu.memory_space<vmem>>, vector<16xi32>,
          %parallel_loop3A_204 = tpu.vector_load_idx %arg8[%parallel_loop3A_203] : memref<100000xf32, #tpu.memory_space<vmem>>[vector<16xi32>], vector<16xf32>,
          %parallel_loop3A_205 = arith.mulf %parallel_loop3A_204, %gather3A : vector<16xf32>
          %parallel_loop3A_206 = arith.addf %parallel_loop3A_205, %broadcast_in_dim3A_38 : vector<16xf32>
          %parallel_loop3A_207 = arith.addf %parallel_loop3A_167, %parallel_loop3A_206 : vector<16xf32>
          %parallel_loop3A_208 = arith.constant 16 : i32
          %parallel_loop3A_209 = arith.muli %parallel_loop3A_159, %parallel_loop3A_208 : i32
          %parallel_loop3A_210 = arith.constant 4 : i32
          %parallel_loop3A_211 = arith.index_cast %parallel_loop3A_210 : i32 to index
          %parallel_loop3A_212 = arith.index_cast %parallel_loop3A_209 : i32 to index
          %parallel_loop3A_213 = tpu.vector_load %arg9[%parallel_loop3A_211, %parallel_loop3A_212] {strides = array<i32>} : memref<20x512xi32, #tpu.memory_space<vmem>>, vector<16xi32>,
          %parallel_loop3A_214 = tpu.vector_load_idx %arg8[%parallel_loop3A_213] : memref<100000xf32, #tpu.memory_space<vmem>>[vector<16xi32>], vector<16xf32>,
          %parallel_loop3A_215 = arith.mulf %parallel_loop3A_214, %gather3A : vector<16xf32>
          %parallel_loop3A_216 = arith.addf %parallel_loop3A_215, %broadcast_in_dim3A_38 : vector<16xf32>
          %parallel_loop3A_217 = arith.addf %parallel_loop3A_177, %parallel_loop3A_216 : vector<16xf32>
          %parallel_loop3A_218 = arith.constant 16 : i32
          %parallel_loop3A_219 = arith.muli %parallel_loop3A_159, %parallel_loop3A_218 : i32
          %parallel_loop3A_220 = arith.constant 5 : i32
          %parallel_loop3A_221 = arith.index_cast %parallel_loop3A_220 : i32 to index
          %parallel_loop3A_222 = arith.index_cast %parallel_loop3A_219 : i32 to index
          %parallel_loop3A_223 = tpu.vector_load %arg9[%parallel_loop3A_221, %parallel_loop3A_222] {strides = array<i32>} : memref<20x512xi32, #tpu.memory_space<vmem>>, vector<16xi32>,
          %parallel_loop3A_224 = tpu.vector_load_idx %arg8[%parallel_loop3A_223] : memref<100000xf32, #tpu.memory_space<vmem>>[vector<16xi32>], vector<16xf32>,
          %parallel_loop3A_225 = arith.mulf %parallel_loop3A_224, %gather3A : vector<16xf32>
          %parallel_loop3A_226 = arith.addf %parallel_loop3A_225, %broadcast_in_dim3A_38 : vector<16xf32>
          %parallel_loop3A_227 = arith.addf %parallel_loop3A_187, %parallel_loop3A_226 : vector<16xf32>
          %parallel_loop3A_228 = arith.constant 16 : i32
          %parallel_loop3A_229 = arith.muli %parallel_loop3A_159, %parallel_loop3A_228 : i32
          %parallel_loop3A_230 = arith.constant 6 : i32
          %parallel_loop3A_231 = arith.index_cast %parallel_loop3A_230 : i32 to index
          %parallel_loop3A_232 = arith.index_cast %parallel_loop3A_229 : i32 to index
          %parallel_loop3A_233 = tpu.vector_load %arg9[%parallel_loop3A_231, %parallel_loop3A_232] {strides = array<i32>} : memref<20x512xi32, #tpu.memory_space<vmem>>, vector<16xi32>,
          %parallel_loop3A_234 = tpu.vector_load_idx %arg8[%parallel_loop3A_233] : memref<100000xf32, #tpu.memory_space<vmem>>[vector<16xi32>], vector<16xf32>,
          %parallel_loop3A_235 = arith.mulf %parallel_loop3A_234, %gather3A : vector<16xf32>
          %parallel_loop3A_236 = arith.addf %parallel_loop3A_235, %broadcast_in_dim3A_38 : vector<16xf32>
          %parallel_loop3A_237 = arith.addf %parallel_loop3A_197, %parallel_loop3A_236 : vector<16xf32>
          %parallel_loop3A_238 = arith.constant 16 : i32
          %parallel_loop3A_239 = arith.muli %parallel_loop3A_159, %parallel_loop3A_238 : i32
          %parallel_loop3A_240 = arith.constant 7 : i32
          %parallel_loop3A_241 = arith.index_cast %parallel_loop3A_240 : i32 to index
          %parallel_loop3A_242 = arith.index_cast %parallel_loop3A_239 : i32 to index
          %parallel_loop3A_243 = tpu.vector_load %arg9[%parallel_loop3A_241, %parallel_loop3A_242] {strides = array<i32>} : memref<20x512xi32, #tpu.memory_space<vmem>>, vector<16xi32>,
          %parallel_loop3A_244 = tpu.vector_load_idx %arg8[%parallel_loop3A_243] : memref<100000xf32, #tpu.memory_space<vmem>>[vector<16xi32>], vector<16xf32>,
          %parallel_loop3A_245 = arith.mulf %parallel_loop3A_244, %gather3A : vector<16xf32>
          %parallel_loop3A_246 = arith.addf %parallel_loop3A_245, %broadcast_in_dim3A_38 : vector<16xf32>
          %parallel_loop3A_247 = arith.addf %parallel_loop3A_207, %parallel_loop3A_246 : vector<16xf32>
          %parallel_loop3A_248 = arith.constant 16 : i32
          %parallel_loop3A_249 = arith.muli %parallel_loop3A_159, %parallel_loop3A_248 : i32
          %parallel_loop3A_250 = arith.constant 8 : i32
          %parallel_loop3A_251 = arith.index_cast %parallel_loop3A_250 : i32 to index
          %parallel_loop3A_252 = arith.index_cast %parallel_loop3A_249 : i32 to index
          %parallel_loop3A_253 = tpu.vector_load %arg9[%parallel_loop3A_251, %parallel_loop3A_252] {strides = array<i32>} : memref<20x512xi32, #tpu.memory_space<vmem>>, vector<16xi32>,
          %parallel_loop3A_254 = tpu.vector_load_idx %arg8[%parallel_loop3A_253] : memref<100000xf32, #tpu.memory_space<vmem>>[vector<16xi32>], vector<16xf32>,
          %parallel_loop3A_255 = arith.mulf %parallel_loop3A_254, %gather3A : vector<16xf32>
          %parallel_loop3A_256 = arith.addf %parallel_loop3A_255, %broadcast_in_dim3A_38 : vector<16xf32>
          %parallel_loop3A_257 = arith.addf %parallel_loop3A_217, %parallel_loop3A_256 : vector<16xf32>
          %parallel_loop3A_258 = arith.constant 16 : i32
          %parallel_loop3A_259 = arith.muli %parallel_loop3A_159, %parallel_loop3A_258 : i32
          %parallel_loop3A_260 = arith.constant 9 : i32
          %parallel_loop3A_261 = arith.index_cast %parallel_loop3A_260 : i32 to index
          %parallel_loop3A_262 = arith.index_cast %parallel_loop3A_259 : i32 to index
          %parallel_loop3A_263 = tpu.vector_load %arg9[%parallel_loop3A_261, %parallel_loop3A_262] {strides = array<i32>} : memref<20x512xi32, #tpu.memory_space<vmem>>, vector<16xi32>,
          %parallel_loop3A_264 = tpu.vector_load_idx %arg8[%parallel_loop3A_263] : memref<100000xf32, #tpu.memory_space<vmem>>[vector<16xi32>], vector<16xf32>,
          %parallel_loop3A_265 = arith.mulf %parallel_loop3A_264, %gather3A : vector<16xf32>
          %parallel_loop3A_266 = arith.addf %parallel_loop3A_265, %broadcast_in_dim3A_38 : vector<16xf32>
          %parallel_loop3A_267 = arith.addf %parallel_loop3A_227, %parallel_loop3A_266 : vector<16xf32>
          %parallel_loop3A_268 = arith.constant 16 : i32
          %parallel_loop3A_269 = arith.muli %parallel_loop3A_159, %parallel_loop3A_268 : i32
          %parallel_loop3A_270 = arith.constant 10 : i32
          %parallel_loop3A_271 = arith.index_cast %parallel_loop3A_270 : i32 to index
          %parallel_loop3A_272 = arith.index_cast %parallel_loop3A_269 : i32 to index
          %parallel_loop3A_273 = tpu.vector_load %arg9[%parallel_loop3A_271, %parallel_loop3A_272] {strides = array<i32>} : memref<20x512xi32, #tpu.memory_space<vmem>>, vector<16xi32>,
          %parallel_loop3A_274 = tpu.vector_load_idx %arg8[%parallel_loop3A_273] : memref<100000xf32, #tpu.memory_space<vmem>>[vector<16xi32>], vector<16xf32>,
          %parallel_loop3A_275 = arith.mulf %parallel_loop3A_274, %gather3A : vector<16xf32>
          %parallel_loop3A_276 = arith.addf %parallel_loop3A_275, %broadcast_in_dim3A_38 : vector<16xf32>
          %parallel_loop3A_277 = arith.addf %parallel_loop3A_237, %parallel_loop3A_276 : vector<16xf32>
          %parallel_loop3A_278 = arith.constant 16 : i32
          %parallel_loop3A_279 = arith.muli %parallel_loop3A_159, %parallel_loop3A_278 : i32
          %parallel_loop3A_280 = arith.constant 11 : i32
          %parallel_loop3A_281 = arith.index_cast %parallel_loop3A_280 : i32 to index
          %parallel_loop3A_282 = arith.index_cast %parallel_loop3A_279 : i32 to index
          %parallel_loop3A_283 = tpu.vector_load %arg9[%parallel_loop3A_281, %parallel_loop3A_282] {strides = array<i32>} : memref<20x512xi32, #tpu.memory_space<vmem>>, vector<16xi32>,
          %parallel_loop3A_284 = tpu.vector_load_idx %arg8[%parallel_loop3A_283] : memref<100000xf32, #tpu.memory_space<vmem>>[vector<16xi32>], vector<16xf32>,
          %parallel_loop3A_285 = arith.mulf %parallel_loop3A_284, %gather3A : vector<16xf32>
          %parallel_loop3A_286 = arith.addf %parallel_loop3A_285, %broadcast_in_dim3A_38 : vector<16xf32>
          %parallel_loop3A_287 = arith.addf %parallel_loop3A_247, %parallel_loop3A_286 : vector<16xf32>
          %parallel_loop3A_288 = arith.constant 16 : i32
          %parallel_loop3A_289 = arith.muli %parallel_loop3A_159, %parallel_loop3A_288 : i32
          %parallel_loop3A_290 = arith.constant 12 : i32
          %parallel_loop3A_291 = arith.index_cast %parallel_loop3A_290 : i32 to index
          %parallel_loop3A_292 = arith.index_cast %parallel_loop3A_289 : i32 to index
          %parallel_loop3A_293 = tpu.vector_load %arg9[%parallel_loop3A_291, %parallel_loop3A_292] {strides = array<i32>} : memref<20x512xi32, #tpu.memory_space<vmem>>, vector<16xi32>,
          %parallel_loop3A_294 = tpu.vector_load_idx %arg8[%parallel_loop3A_293] : memref<100000xf32, #tpu.memory_space<vmem>>[vector<16xi32>], vector<16xf32>,
          %parallel_loop3A_295 = arith.mulf %parallel_loop3A_294, %gather3A : vector<16xf32>
          %parallel_loop3A_296 = arith.addf %parallel_loop3A_295, %broadcast_in_dim3A_38 : vector<16xf32>
          %parallel_loop3A_297 = arith.addf %parallel_loop3A_257, %parallel_loop3A_296 : vector<16xf32>
          %parallel_loop3A_298 = arith.constant 16 : i32
          %parallel_loop3A_299 = arith.muli %parallel_loop3A_159, %parallel_loop3A_298 : i32
          %parallel_loop3A_300 = arith.constant 13 : i32
          %parallel_loop3A_301 = arith.index_cast %parallel_loop3A_300 : i32 to index
          %parallel_loop3A_302 = arith.index_cast %parallel_loop3A_299 : i32 to index
          %parallel_loop3A_303 = tpu.vector_load %arg9[%parallel_loop3A_301, %parallel_loop3A_302] {strides = array<i32>} : memref<20x512xi32, #tpu.memory_space<vmem>>, vector<16xi32>,
          %parallel_loop3A_304 = tpu.vector_load_idx %arg8[%parallel_loop3A_303] : memref<100000xf32, #tpu.memory_space<vmem>>[vector<16xi32>], vector<16xf32>,
          %parallel_loop3A_305 = arith.mulf %parallel_loop3A_304, %gather3A : vector<16xf32>
          %parallel_loop3A_306 = arith.addf %parallel_loop3A_305, %broadcast_in_dim3A_38 : vector<16xf32>
          %parallel_loop3A_307 = arith.addf %parallel_loop3A_267, %parallel_loop3A_306 : vector<16xf32>
          %parallel_loop3A_308 = arith.constant 16 : i32
          %parallel_loop3A_309 = arith.muli %parallel_loop3A_159, %parallel_loop3A_308 : i32
          %parallel_loop3A_310 = arith.constant 14 : i32
          %parallel_loop3A_311 = arith.index_cast %parallel_loop3A_310 : i32 to index
          %parallel_loop3A_312 = arith.index_cast %parallel_loop3A_309 : i32 to index
          %parallel_loop3A_313 = tpu.vector_load %arg9[%parallel_loop3A_311, %parallel_loop3A_312] {strides = array<i32>} : memref<20x512xi32, #tpu.memory_space<vmem>>, vector<16xi32>,
          %parallel_loop3A_314 = tpu.vector_load_idx %arg8[%parallel_loop3A_313] : memref<100000xf32, #tpu.memory_space<vmem>>[vector<16xi32>], vector<16xf32>,
          %parallel_loop3A_315 = arith.mulf %parallel_loop3A_314, %gather3A : vector<16xf32>
          %parallel_loop3A_316 = arith.addf %parallel_loop3A_315, %broadcast_in_dim3A_38 : vector<16xf32>
          %parallel_loop3A_317 = arith.addf %parallel_loop3A_277, %parallel_loop3A_316 : vector<16xf32>
          %parallel_loop3A_318 = arith.constant 16 : i32
          %parallel_loop3A_319 = arith.muli %parallel_loop3A_159, %parallel_loop3A_318 : i32
          %parallel_loop3A_320 = arith.constant 15 : i32
          %parallel_loop3A_321 = arith.index_cast %parallel_loop3A_320 : i32 to index
          %parallel_loop3A_322 = arith.index_cast %parallel_loop3A_319 : i32 to index
          %parallel_loop3A_323 = tpu.vector_load %arg9[%parallel_loop3A_321, %parallel_loop3A_322] {strides = array<i32>} : memref<20x512xi32, #tpu.memory_space<vmem>>, vector<16xi32>,
          %parallel_loop3A_324 = tpu.vector_load_idx %arg8[%parallel_loop3A_323] : memref<100000xf32, #tpu.memory_space<vmem>>[vector<16xi32>], vector<16xf32>,
          %parallel_loop3A_325 = arith.mulf %parallel_loop3A_324, %gather3A : vector<16xf32>
          %parallel_loop3A_326 = arith.addf %parallel_loop3A_325, %broadcast_in_dim3A_38 : vector<16xf32>
          %parallel_loop3A_327 = arith.addf %parallel_loop3A_287, %parallel_loop3A_326 : vector<16xf32>
          %parallel_loop3A_328 = arith.constant 16 : i32
          %parallel_loop3A_329 = arith.muli %parallel_loop3A_159, %parallel_loop3A_328 : i32
          %parallel_loop3A_330 = arith.constant 16 : i32
          %parallel_loop3A_331 = arith.index_cast %parallel_loop3A_330 : i32 to index
          %parallel_loop3A_332 = arith.index_cast %parallel_loop3A_329 : i32 to index
          %parallel_loop3A_333 = tpu.vector_load %arg9[%parallel_loop3A_331, %parallel_loop3A_332] {strides = array<i32>} : memref<20x512xi32, #tpu.memory_space<vmem>>, vector<16xi32>,
          %parallel_loop3A_334 = tpu.vector_load_idx %arg8[%parallel_loop3A_333] : memref<100000xf32, #tpu.memory_space<vmem>>[vector<16xi32>], vector<16xf32>,
          %parallel_loop3A_335 = arith.mulf %parallel_loop3A_334, %gather3A : vector<16xf32>
          %parallel_loop3A_336 = arith.addf %parallel_loop3A_335, %broadcast_in_dim3A_38 : vector<16xf32>
          %parallel_loop3A_337 = arith.addf %parallel_loop3A_297, %parallel_loop3A_336 : vector<16xf32>
          %parallel_loop3A_338 = arith.constant 16 : i32
          %parallel_loop3A_339 = arith.muli %parallel_loop3A_159, %parallel_loop3A_338 : i32
          %parallel_loop3A_340 = arith.constant 17 : i32
          %parallel_loop3A_341 = arith.index_cast %parallel_loop3A_340 : i32 to index
          %parallel_loop3A_342 = arith.index_cast %parallel_loop3A_339 : i32 to index
          %parallel_loop3A_343 = tpu.vector_load %arg9[%parallel_loop3A_341, %parallel_loop3A_342] {strides = array<i32>} : memref<20x512xi32, #tpu.memory_space<vmem>>, vector<16xi32>,
          %parallel_loop3A_344 = tpu.vector_load_idx %arg8[%parallel_loop3A_343] : memref<100000xf32, #tpu.memory_space<vmem>>[vector<16xi32>], vector<16xf32>,
          %parallel_loop3A_345 = arith.mulf %parallel_loop3A_344, %gather3A : vector<16xf32>
          %parallel_loop3A_346 = arith.addf %parallel_loop3A_345, %broadcast_in_dim3A_38 : vector<16xf32>
          %parallel_loop3A_347 = arith.addf %parallel_loop3A_307, %parallel_loop3A_346 : vector<16xf32>
          %parallel_loop3A_348 = arith.constant 16 : i32
          %parallel_loop3A_349 = arith.muli %parallel_loop3A_159, %parallel_loop3A_348 : i32
          %parallel_loop3A_350 = arith.constant 18 : i32
          %parallel_loop3A_351 = arith.index_cast %parallel_loop3A_350 : i32 to index
          %parallel_loop3A_352 = arith.index_cast %parallel_loop3A_349 : i32 to index
          %parallel_loop3A_353 = tpu.vector_load %arg9[%parallel_loop3A_351, %parallel_loop3A_352] {strides = array<i32>} : memref<20x512xi32, #tpu.memory_space<vmem>>, vector<16xi32>,
          %parallel_loop3A_354 = tpu.vector_load_idx %arg8[%parallel_loop3A_353] : memref<100000xf32, #tpu.memory_space<vmem>>[vector<16xi32>], vector<16xf32>,
          %parallel_loop3A_355 = arith.mulf %parallel_loop3A_354, %gather3A : vector<16xf32>
          %parallel_loop3A_356 = arith.addf %parallel_loop3A_355, %broadcast_in_dim3A_38 : vector<16xf32>
          %parallel_loop3A_357 = arith.addf %parallel_loop3A_317, %parallel_loop3A_356 : vector<16xf32>
          %parallel_loop3A_358 = arith.constant 16 : i32
          %parallel_loop3A_359 = arith.muli %parallel_loop3A_159, %parallel_loop3A_358 : i32
          %parallel_loop3A_360 = arith.constant 19 : i32
          %parallel_loop3A_361 = arith.index_cast %parallel_loop3A_360 : i32 to index
          %parallel_loop3A_362 = arith.index_cast %parallel_loop3A_359 : i32 to index
          %parallel_loop3A_363 = tpu.vector_load %arg9[%parallel_loop3A_361, %parallel_loop3A_362] {strides = array<i32>} : memref<20x512xi32, #tpu.memory_space<vmem>>, vector<16xi32>,
          %parallel_loop3A_364 = tpu.vector_load_idx %arg8[%parallel_loop3A_363] : memref<100000xf32, #tpu.memory_space<vmem>>[vector<16xi32>], vector<16xf32>,
          %parallel_loop3A_365 = arith.mulf %parallel_loop3A_364, %gather3A : vector<16xf32>
          %parallel_loop3A_366 = arith.addf %parallel_loop3A_365, %broadcast_in_dim3A_38 : vector<16xf32>
          %parallel_loop3A_367 = arith.addf %parallel_loop3A_327, %parallel_loop3A_366 : vector<16xf32>
          %parallel_loop3A_368 = arith.addf %parallel_loop3A_337, %parallel_loop3A_347 : vector<16xf32>
          %parallel_loop3A_369 = arith.addf %parallel_loop3A_357, %parallel_loop3A_367 : vector<16xf32>
          %parallel_loop3A_370 = arith.addf %parallel_loop3A_368, %parallel_loop3A_369 : vector<16xf32>
          %parallel_loop3A_371 = arith.subf %parallel_loop3A_370, %broadcast_in_dim3A_40 : vector<16xf32>
          %parallel_loop3A_372 = arith.mulf %parallel_loop3A_371, %gather3A_35 : vector<16xf32>
          %parallel_loop3A_373 = arith.addf %parallel_loop3A_372, %gather3A_36 : vector<16xf32>
          %parallel_loop3A_374 = arith.constant 16 : i32
          %parallel_loop3A_375 = arith.muli %parallel_loop3A_159, %parallel_loop3A_374 : i32
          %parallel_loop3A_376 = arith.constant 3072 : i32
          %parallel_loop3A_377 = arith.addi %parallel_loop3A_376, %parallel_loop3A_375 : i32
          %parallel_loop3A_378 = arith.index_cast %parallel_loop3A_377 : i32 to index
          %parallel_loop3A_379 = tpu.vector_load %arg11[%parallel_loop3A_378] {strides = array<i32>} : memref<4096xf32, #tpu.memory_space<vmem>>, vector<16xf32>,
          tpu.vector_store %arg11[%parallel_loop3A_378], %parallel_loop3A_373 {strides = array<i32>} : memref<4096xf32, #tpu.memory_space<vmem>>, vector<16xf32>,
        } {sc.loop_unroll_factor = 1 : i64, sc.parallel_access}
        %dma_wait3A_150 = arith.constant 0 : i32
        %dma_wait3A_151 = arith.constant 0 : i32
        %dma_wait3A_152 = tpu.memref_slice %arg2[%dma_wait3A_150, %dma_wait3A_151] : memref<20x4096xi32, #tpu.memory_space<hbm>> -> memref<20x512xi32, #tpu.memory_space<hbm>>
        %dma_wait3A_153 = arith.constant 0 : i32
        %dma_wait3A_154 = arith.constant 0 : i32
        %dma_wait3A_155 = tpu.memref_slice %arg2[%dma_wait3A_153, %dma_wait3A_154] : memref<20x4096xi32, #tpu.memory_space<hbm>> -> memref<20x512xi32, #tpu.memory_space<hbm>>
        tpu.wait_dma2 semaphore(%arg20 : memref<!tpu.dma_semaphore, #tpu.memory_space<semaphore_mem>>) src(%dma_wait3A_155 : memref<20x512xi32, #tpu.memory_space<hbm>>) dst(%arg10 : memref<20x512xi32, #tpu.memory_space<vmem>>)
        %parallel_loop3A_156 = arith.constant 0 : i32
        %parallel_loop3A_157 = arith.constant 32 : i32
        %parallel_loop3A_158 = arith.constant 1 : i32
        scf.for %parallel_loop3A_159 = %parallel_loop3A_156 to %parallel_loop3A_157 step %parallel_loop3A_158  : i32 {
          %parallel_loop3A_160 = arith.constant 0.000000e+00 : f32
          %parallel_loop3A_161 = vector.broadcast %parallel_loop3A_160 : f32 to vector<16xf32>
          %parallel_loop3A_162 = arith.constant 0.000000e+00 : f32
          %parallel_loop3A_163 = vector.broadcast %parallel_loop3A_162 : f32 to vector<16xf32>
          %parallel_loop3A_164 = arith.constant 0.000000e+00 : f32
          %parallel_loop3A_165 = vector.broadcast %parallel_loop3A_164 : f32 to vector<16xf32>
          %parallel_loop3A_166 = arith.constant 0.000000e+00 : f32
          %parallel_loop3A_167 = vector.broadcast %parallel_loop3A_166 : f32 to vector<16xf32>
          %parallel_loop3A_168 = arith.constant 16 : i32
          %parallel_loop3A_169 = arith.muli %parallel_loop3A_159, %parallel_loop3A_168 : i32
          %parallel_loop3A_170 = arith.constant 0 : i32
          %parallel_loop3A_171 = arith.index_cast %parallel_loop3A_170 : i32 to index
          %parallel_loop3A_172 = arith.index_cast %parallel_loop3A_169 : i32 to index
          %parallel_loop3A_173 = tpu.vector_load %arg10[%parallel_loop3A_171, %parallel_loop3A_172] {strides = array<i32>} : memref<20x512xi32, #tpu.memory_space<vmem>>, vector<16xi32>,
          %parallel_loop3A_174 = tpu.vector_load_idx %arg8[%parallel_loop3A_173] : memref<100000xf32, #tpu.memory_space<vmem>>[vector<16xi32>], vector<16xf32>,
          %parallel_loop3A_175 = arith.mulf %parallel_loop3A_174, %gather3A : vector<16xf32>
          %parallel_loop3A_176 = arith.addf %parallel_loop3A_175, %broadcast_in_dim3A_38 : vector<16xf32>
          %parallel_loop3A_177 = arith.addf %parallel_loop3A_161, %parallel_loop3A_176 : vector<16xf32>
          %parallel_loop3A_178 = arith.constant 16 : i32
          %parallel_loop3A_179 = arith.muli %parallel_loop3A_159, %parallel_loop3A_178 : i32
          %parallel_loop3A_180 = arith.constant 1 : i32
          %parallel_loop3A_181 = arith.index_cast %parallel_loop3A_180 : i32 to index
          %parallel_loop3A_182 = arith.index_cast %parallel_loop3A_179 : i32 to index
          %parallel_loop3A_183 = tpu.vector_load %arg10[%parallel_loop3A_181, %parallel_loop3A_182] {strides = array<i32>} : memref<20x512xi32, #tpu.memory_space<vmem>>, vector<16xi32>,
          %parallel_loop3A_184 = tpu.vector_load_idx %arg8[%parallel_loop3A_183] : memref<100000xf32, #tpu.memory_space<vmem>>[vector<16xi32>], vector<16xf32>,
          %parallel_loop3A_185 = arith.mulf %parallel_loop3A_184, %gather3A : vector<16xf32>
          %parallel_loop3A_186 = arith.addf %parallel_loop3A_185, %broadcast_in_dim3A_38 : vector<16xf32>
          %parallel_loop3A_187 = arith.addf %parallel_loop3A_163, %parallel_loop3A_186 : vector<16xf32>
          %parallel_loop3A_188 = arith.constant 16 : i32
          %parallel_loop3A_189 = arith.muli %parallel_loop3A_159, %parallel_loop3A_188 : i32
          %parallel_loop3A_190 = arith.constant 2 : i32
          %parallel_loop3A_191 = arith.index_cast %parallel_loop3A_190 : i32 to index
          %parallel_loop3A_192 = arith.index_cast %parallel_loop3A_189 : i32 to index
          %parallel_loop3A_193 = tpu.vector_load %arg10[%parallel_loop3A_191, %parallel_loop3A_192] {strides = array<i32>} : memref<20x512xi32, #tpu.memory_space<vmem>>, vector<16xi32>,
          %parallel_loop3A_194 = tpu.vector_load_idx %arg8[%parallel_loop3A_193] : memref<100000xf32, #tpu.memory_space<vmem>>[vector<16xi32>], vector<16xf32>,
          %parallel_loop3A_195 = arith.mulf %parallel_loop3A_194, %gather3A : vector<16xf32>
          %parallel_loop3A_196 = arith.addf %parallel_loop3A_195, %broadcast_in_dim3A_38 : vector<16xf32>
          %parallel_loop3A_197 = arith.addf %parallel_loop3A_165, %parallel_loop3A_196 : vector<16xf32>
          %parallel_loop3A_198 = arith.constant 16 : i32
          %parallel_loop3A_199 = arith.muli %parallel_loop3A_159, %parallel_loop3A_198 : i32
          %parallel_loop3A_200 = arith.constant 3 : i32
          %parallel_loop3A_201 = arith.index_cast %parallel_loop3A_200 : i32 to index
          %parallel_loop3A_202 = arith.index_cast %parallel_loop3A_199 : i32 to index
          %parallel_loop3A_203 = tpu.vector_load %arg10[%parallel_loop3A_201, %parallel_loop3A_202] {strides = array<i32>} : memref<20x512xi32, #tpu.memory_space<vmem>>, vector<16xi32>,
          %parallel_loop3A_204 = tpu.vector_load_idx %arg8[%parallel_loop3A_203] : memref<100000xf32, #tpu.memory_space<vmem>>[vector<16xi32>], vector<16xf32>,
          %parallel_loop3A_205 = arith.mulf %parallel_loop3A_204, %gather3A : vector<16xf32>
          %parallel_loop3A_206 = arith.addf %parallel_loop3A_205, %broadcast_in_dim3A_38 : vector<16xf32>
          %parallel_loop3A_207 = arith.addf %parallel_loop3A_167, %parallel_loop3A_206 : vector<16xf32>
          %parallel_loop3A_208 = arith.constant 16 : i32
          %parallel_loop3A_209 = arith.muli %parallel_loop3A_159, %parallel_loop3A_208 : i32
          %parallel_loop3A_210 = arith.constant 4 : i32
          %parallel_loop3A_211 = arith.index_cast %parallel_loop3A_210 : i32 to index
          %parallel_loop3A_212 = arith.index_cast %parallel_loop3A_209 : i32 to index
          %parallel_loop3A_213 = tpu.vector_load %arg10[%parallel_loop3A_211, %parallel_loop3A_212] {strides = array<i32>} : memref<20x512xi32, #tpu.memory_space<vmem>>, vector<16xi32>,
          %parallel_loop3A_214 = tpu.vector_load_idx %arg8[%parallel_loop3A_213] : memref<100000xf32, #tpu.memory_space<vmem>>[vector<16xi32>], vector<16xf32>,
          %parallel_loop3A_215 = arith.mulf %parallel_loop3A_214, %gather3A : vector<16xf32>
          %parallel_loop3A_216 = arith.addf %parallel_loop3A_215, %broadcast_in_dim3A_38 : vector<16xf32>
          %parallel_loop3A_217 = arith.addf %parallel_loop3A_177, %parallel_loop3A_216 : vector<16xf32>
          %parallel_loop3A_218 = arith.constant 16 : i32
          %parallel_loop3A_219 = arith.muli %parallel_loop3A_159, %parallel_loop3A_218 : i32
          %parallel_loop3A_220 = arith.constant 5 : i32
          %parallel_loop3A_221 = arith.index_cast %parallel_loop3A_220 : i32 to index
          %parallel_loop3A_222 = arith.index_cast %parallel_loop3A_219 : i32 to index
          %parallel_loop3A_223 = tpu.vector_load %arg10[%parallel_loop3A_221, %parallel_loop3A_222] {strides = array<i32>} : memref<20x512xi32, #tpu.memory_space<vmem>>, vector<16xi32>,
          %parallel_loop3A_224 = tpu.vector_load_idx %arg8[%parallel_loop3A_223] : memref<100000xf32, #tpu.memory_space<vmem>>[vector<16xi32>], vector<16xf32>,
          %parallel_loop3A_225 = arith.mulf %parallel_loop3A_224, %gather3A : vector<16xf32>
          %parallel_loop3A_226 = arith.addf %parallel_loop3A_225, %broadcast_in_dim3A_38 : vector<16xf32>
          %parallel_loop3A_227 = arith.addf %parallel_loop3A_187, %parallel_loop3A_226 : vector<16xf32>
          %parallel_loop3A_228 = arith.constant 16 : i32
          %parallel_loop3A_229 = arith.muli %parallel_loop3A_159, %parallel_loop3A_228 : i32
          %parallel_loop3A_230 = arith.constant 6 : i32
          %parallel_loop3A_231 = arith.index_cast %parallel_loop3A_230 : i32 to index
          %parallel_loop3A_232 = arith.index_cast %parallel_loop3A_229 : i32 to index
          %parallel_loop3A_233 = tpu.vector_load %arg10[%parallel_loop3A_231, %parallel_loop3A_232] {strides = array<i32>} : memref<20x512xi32, #tpu.memory_space<vmem>>, vector<16xi32>,
          %parallel_loop3A_234 = tpu.vector_load_idx %arg8[%parallel_loop3A_233] : memref<100000xf32, #tpu.memory_space<vmem>>[vector<16xi32>], vector<16xf32>,
          %parallel_loop3A_235 = arith.mulf %parallel_loop3A_234, %gather3A : vector<16xf32>
          %parallel_loop3A_236 = arith.addf %parallel_loop3A_235, %broadcast_in_dim3A_38 : vector<16xf32>
          %parallel_loop3A_237 = arith.addf %parallel_loop3A_197, %parallel_loop3A_236 : vector<16xf32>
          %parallel_loop3A_238 = arith.constant 16 : i32
          %parallel_loop3A_239 = arith.muli %parallel_loop3A_159, %parallel_loop3A_238 : i32
          %parallel_loop3A_240 = arith.constant 7 : i32
          %parallel_loop3A_241 = arith.index_cast %parallel_loop3A_240 : i32 to index
          %parallel_loop3A_242 = arith.index_cast %parallel_loop3A_239 : i32 to index
          %parallel_loop3A_243 = tpu.vector_load %arg10[%parallel_loop3A_241, %parallel_loop3A_242] {strides = array<i32>} : memref<20x512xi32, #tpu.memory_space<vmem>>, vector<16xi32>,
          %parallel_loop3A_244 = tpu.vector_load_idx %arg8[%parallel_loop3A_243] : memref<100000xf32, #tpu.memory_space<vmem>>[vector<16xi32>], vector<16xf32>,
          %parallel_loop3A_245 = arith.mulf %parallel_loop3A_244, %gather3A : vector<16xf32>
          %parallel_loop3A_246 = arith.addf %parallel_loop3A_245, %broadcast_in_dim3A_38 : vector<16xf32>
          %parallel_loop3A_247 = arith.addf %parallel_loop3A_207, %parallel_loop3A_246 : vector<16xf32>
          %parallel_loop3A_248 = arith.constant 16 : i32
          %parallel_loop3A_249 = arith.muli %parallel_loop3A_159, %parallel_loop3A_248 : i32
          %parallel_loop3A_250 = arith.constant 8 : i32
          %parallel_loop3A_251 = arith.index_cast %parallel_loop3A_250 : i32 to index
          %parallel_loop3A_252 = arith.index_cast %parallel_loop3A_249 : i32 to index
          %parallel_loop3A_253 = tpu.vector_load %arg10[%parallel_loop3A_251, %parallel_loop3A_252] {strides = array<i32>} : memref<20x512xi32, #tpu.memory_space<vmem>>, vector<16xi32>,
          %parallel_loop3A_254 = tpu.vector_load_idx %arg8[%parallel_loop3A_253] : memref<100000xf32, #tpu.memory_space<vmem>>[vector<16xi32>], vector<16xf32>,
          %parallel_loop3A_255 = arith.mulf %parallel_loop3A_254, %gather3A : vector<16xf32>
          %parallel_loop3A_256 = arith.addf %parallel_loop3A_255, %broadcast_in_dim3A_38 : vector<16xf32>
          %parallel_loop3A_257 = arith.addf %parallel_loop3A_217, %parallel_loop3A_256 : vector<16xf32>
          %parallel_loop3A_258 = arith.constant 16 : i32
          %parallel_loop3A_259 = arith.muli %parallel_loop3A_159, %parallel_loop3A_258 : i32
          %parallel_loop3A_260 = arith.constant 9 : i32
          %parallel_loop3A_261 = arith.index_cast %parallel_loop3A_260 : i32 to index
          %parallel_loop3A_262 = arith.index_cast %parallel_loop3A_259 : i32 to index
          %parallel_loop3A_263 = tpu.vector_load %arg10[%parallel_loop3A_261, %parallel_loop3A_262] {strides = array<i32>} : memref<20x512xi32, #tpu.memory_space<vmem>>, vector<16xi32>,
          %parallel_loop3A_264 = tpu.vector_load_idx %arg8[%parallel_loop3A_263] : memref<100000xf32, #tpu.memory_space<vmem>>[vector<16xi32>], vector<16xf32>,
          %parallel_loop3A_265 = arith.mulf %parallel_loop3A_264, %gather3A : vector<16xf32>
          %parallel_loop3A_266 = arith.addf %parallel_loop3A_265, %broadcast_in_dim3A_38 : vector<16xf32>
          %parallel_loop3A_267 = arith.addf %parallel_loop3A_227, %parallel_loop3A_266 : vector<16xf32>
          %parallel_loop3A_268 = arith.constant 16 : i32
          %parallel_loop3A_269 = arith.muli %parallel_loop3A_159, %parallel_loop3A_268 : i32
          %parallel_loop3A_270 = arith.constant 10 : i32
          %parallel_loop3A_271 = arith.index_cast %parallel_loop3A_270 : i32 to index
          %parallel_loop3A_272 = arith.index_cast %parallel_loop3A_269 : i32 to index
          %parallel_loop3A_273 = tpu.vector_load %arg10[%parallel_loop3A_271, %parallel_loop3A_272] {strides = array<i32>} : memref<20x512xi32, #tpu.memory_space<vmem>>, vector<16xi32>,
          %parallel_loop3A_274 = tpu.vector_load_idx %arg8[%parallel_loop3A_273] : memref<100000xf32, #tpu.memory_space<vmem>>[vector<16xi32>], vector<16xf32>,
          %parallel_loop3A_275 = arith.mulf %parallel_loop3A_274, %gather3A : vector<16xf32>
          %parallel_loop3A_276 = arith.addf %parallel_loop3A_275, %broadcast_in_dim3A_38 : vector<16xf32>
          %parallel_loop3A_277 = arith.addf %parallel_loop3A_237, %parallel_loop3A_276 : vector<16xf32>
          %parallel_loop3A_278 = arith.constant 16 : i32
          %parallel_loop3A_279 = arith.muli %parallel_loop3A_159, %parallel_loop3A_278 : i32
          %parallel_loop3A_280 = arith.constant 11 : i32
          %parallel_loop3A_281 = arith.index_cast %parallel_loop3A_280 : i32 to index
          %parallel_loop3A_282 = arith.index_cast %parallel_loop3A_279 : i32 to index
          %parallel_loop3A_283 = tpu.vector_load %arg10[%parallel_loop3A_281, %parallel_loop3A_282] {strides = array<i32>} : memref<20x512xi32, #tpu.memory_space<vmem>>, vector<16xi32>,
          %parallel_loop3A_284 = tpu.vector_load_idx %arg8[%parallel_loop3A_283] : memref<100000xf32, #tpu.memory_space<vmem>>[vector<16xi32>], vector<16xf32>,
          %parallel_loop3A_285 = arith.mulf %parallel_loop3A_284, %gather3A : vector<16xf32>
          %parallel_loop3A_286 = arith.addf %parallel_loop3A_285, %broadcast_in_dim3A_38 : vector<16xf32>
          %parallel_loop3A_287 = arith.addf %parallel_loop3A_247, %parallel_loop3A_286 : vector<16xf32>
          %parallel_loop3A_288 = arith.constant 16 : i32
          %parallel_loop3A_289 = arith.muli %parallel_loop3A_159, %parallel_loop3A_288 : i32
          %parallel_loop3A_290 = arith.constant 12 : i32
          %parallel_loop3A_291 = arith.index_cast %parallel_loop3A_290 : i32 to index
          %parallel_loop3A_292 = arith.index_cast %parallel_loop3A_289 : i32 to index
          %parallel_loop3A_293 = tpu.vector_load %arg10[%parallel_loop3A_291, %parallel_loop3A_292] {strides = array<i32>} : memref<20x512xi32, #tpu.memory_space<vmem>>, vector<16xi32>,
          %parallel_loop3A_294 = tpu.vector_load_idx %arg8[%parallel_loop3A_293] : memref<100000xf32, #tpu.memory_space<vmem>>[vector<16xi32>], vector<16xf32>,
          %parallel_loop3A_295 = arith.mulf %parallel_loop3A_294, %gather3A : vector<16xf32>
          %parallel_loop3A_296 = arith.addf %parallel_loop3A_295, %broadcast_in_dim3A_38 : vector<16xf32>
          %parallel_loop3A_297 = arith.addf %parallel_loop3A_257, %parallel_loop3A_296 : vector<16xf32>
          %parallel_loop3A_298 = arith.constant 16 : i32
          %parallel_loop3A_299 = arith.muli %parallel_loop3A_159, %parallel_loop3A_298 : i32
          %parallel_loop3A_300 = arith.constant 13 : i32
          %parallel_loop3A_301 = arith.index_cast %parallel_loop3A_300 : i32 to index
          %parallel_loop3A_302 = arith.index_cast %parallel_loop3A_299 : i32 to index
          %parallel_loop3A_303 = tpu.vector_load %arg10[%parallel_loop3A_301, %parallel_loop3A_302] {strides = array<i32>} : memref<20x512xi32, #tpu.memory_space<vmem>>, vector<16xi32>,
          %parallel_loop3A_304 = tpu.vector_load_idx %arg8[%parallel_loop3A_303] : memref<100000xf32, #tpu.memory_space<vmem>>[vector<16xi32>], vector<16xf32>,
          %parallel_loop3A_305 = arith.mulf %parallel_loop3A_304, %gather3A : vector<16xf32>
          %parallel_loop3A_306 = arith.addf %parallel_loop3A_305, %broadcast_in_dim3A_38 : vector<16xf32>
          %parallel_loop3A_307 = arith.addf %parallel_loop3A_267, %parallel_loop3A_306 : vector<16xf32>
          %parallel_loop3A_308 = arith.constant 16 : i32
          %parallel_loop3A_309 = arith.muli %parallel_loop3A_159, %parallel_loop3A_308 : i32
          %parallel_loop3A_310 = arith.constant 14 : i32
          %parallel_loop3A_311 = arith.index_cast %parallel_loop3A_310 : i32 to index
          %parallel_loop3A_312 = arith.index_cast %parallel_loop3A_309 : i32 to index
          %parallel_loop3A_313 = tpu.vector_load %arg10[%parallel_loop3A_311, %parallel_loop3A_312] {strides = array<i32>} : memref<20x512xi32, #tpu.memory_space<vmem>>, vector<16xi32>,
          %parallel_loop3A_314 = tpu.vector_load_idx %arg8[%parallel_loop3A_313] : memref<100000xf32, #tpu.memory_space<vmem>>[vector<16xi32>], vector<16xf32>,
          %parallel_loop3A_315 = arith.mulf %parallel_loop3A_314, %gather3A : vector<16xf32>
          %parallel_loop3A_316 = arith.addf %parallel_loop3A_315, %broadcast_in_dim3A_38 : vector<16xf32>
          %parallel_loop3A_317 = arith.addf %parallel_loop3A_277, %parallel_loop3A_316 : vector<16xf32>
          %parallel_loop3A_318 = arith.constant 16 : i32
          %parallel_loop3A_319 = arith.muli %parallel_loop3A_159, %parallel_loop3A_318 : i32
          %parallel_loop3A_320 = arith.constant 15 : i32
          %parallel_loop3A_321 = arith.index_cast %parallel_loop3A_320 : i32 to index
          %parallel_loop3A_322 = arith.index_cast %parallel_loop3A_319 : i32 to index
          %parallel_loop3A_323 = tpu.vector_load %arg10[%parallel_loop3A_321, %parallel_loop3A_322] {strides = array<i32>} : memref<20x512xi32, #tpu.memory_space<vmem>>, vector<16xi32>,
          %parallel_loop3A_324 = tpu.vector_load_idx %arg8[%parallel_loop3A_323] : memref<100000xf32, #tpu.memory_space<vmem>>[vector<16xi32>], vector<16xf32>,
          %parallel_loop3A_325 = arith.mulf %parallel_loop3A_324, %gather3A : vector<16xf32>
          %parallel_loop3A_326 = arith.addf %parallel_loop3A_325, %broadcast_in_dim3A_38 : vector<16xf32>
          %parallel_loop3A_327 = arith.addf %parallel_loop3A_287, %parallel_loop3A_326 : vector<16xf32>
          %parallel_loop3A_328 = arith.constant 16 : i32
          %parallel_loop3A_329 = arith.muli %parallel_loop3A_159, %parallel_loop3A_328 : i32
          %parallel_loop3A_330 = arith.constant 16 : i32
          %parallel_loop3A_331 = arith.index_cast %parallel_loop3A_330 : i32 to index
          %parallel_loop3A_332 = arith.index_cast %parallel_loop3A_329 : i32 to index
          %parallel_loop3A_333 = tpu.vector_load %arg10[%parallel_loop3A_331, %parallel_loop3A_332] {strides = array<i32>} : memref<20x512xi32, #tpu.memory_space<vmem>>, vector<16xi32>,
          %parallel_loop3A_334 = tpu.vector_load_idx %arg8[%parallel_loop3A_333] : memref<100000xf32, #tpu.memory_space<vmem>>[vector<16xi32>], vector<16xf32>,
          %parallel_loop3A_335 = arith.mulf %parallel_loop3A_334, %gather3A : vector<16xf32>
          %parallel_loop3A_336 = arith.addf %parallel_loop3A_335, %broadcast_in_dim3A_38 : vector<16xf32>
          %parallel_loop3A_337 = arith.addf %parallel_loop3A_297, %parallel_loop3A_336 : vector<16xf32>
          %parallel_loop3A_338 = arith.constant 16 : i32
          %parallel_loop3A_339 = arith.muli %parallel_loop3A_159, %parallel_loop3A_338 : i32
          %parallel_loop3A_340 = arith.constant 17 : i32
          %parallel_loop3A_341 = arith.index_cast %parallel_loop3A_340 : i32 to index
          %parallel_loop3A_342 = arith.index_cast %parallel_loop3A_339 : i32 to index
          %parallel_loop3A_343 = tpu.vector_load %arg10[%parallel_loop3A_341, %parallel_loop3A_342] {strides = array<i32>} : memref<20x512xi32, #tpu.memory_space<vmem>>, vector<16xi32>,
          %parallel_loop3A_344 = tpu.vector_load_idx %arg8[%parallel_loop3A_343] : memref<100000xf32, #tpu.memory_space<vmem>>[vector<16xi32>], vector<16xf32>,
          %parallel_loop3A_345 = arith.mulf %parallel_loop3A_344, %gather3A : vector<16xf32>
          %parallel_loop3A_346 = arith.addf %parallel_loop3A_345, %broadcast_in_dim3A_38 : vector<16xf32>
          %parallel_loop3A_347 = arith.addf %parallel_loop3A_307, %parallel_loop3A_346 : vector<16xf32>
          %parallel_loop3A_348 = arith.constant 16 : i32
          %parallel_loop3A_349 = arith.muli %parallel_loop3A_159, %parallel_loop3A_348 : i32
          %parallel_loop3A_350 = arith.constant 18 : i32
          %parallel_loop3A_351 = arith.index_cast %parallel_loop3A_350 : i32 to index
          %parallel_loop3A_352 = arith.index_cast %parallel_loop3A_349 : i32 to index
          %parallel_loop3A_353 = tpu.vector_load %arg10[%parallel_loop3A_351, %parallel_loop3A_352] {strides = array<i32>} : memref<20x512xi32, #tpu.memory_space<vmem>>, vector<16xi32>,
          %parallel_loop3A_354 = tpu.vector_load_idx %arg8[%parallel_loop3A_353] : memref<100000xf32, #tpu.memory_space<vmem>>[vector<16xi32>], vector<16xf32>,
          %parallel_loop3A_355 = arith.mulf %parallel_loop3A_354, %gather3A : vector<16xf32>
          %parallel_loop3A_356 = arith.addf %parallel_loop3A_355, %broadcast_in_dim3A_38 : vector<16xf32>
          %parallel_loop3A_357 = arith.addf %parallel_loop3A_317, %parallel_loop3A_356 : vector<16xf32>
          %parallel_loop3A_358 = arith.constant 16 : i32
          %parallel_loop3A_359 = arith.muli %parallel_loop3A_159, %parallel_loop3A_358 : i32
          %parallel_loop3A_360 = arith.constant 19 : i32
          %parallel_loop3A_361 = arith.index_cast %parallel_loop3A_360 : i32 to index
          %parallel_loop3A_362 = arith.index_cast %parallel_loop3A_359 : i32 to index
          %parallel_loop3A_363 = tpu.vector_load %arg10[%parallel_loop3A_361, %parallel_loop3A_362] {strides = array<i32>} : memref<20x512xi32, #tpu.memory_space<vmem>>, vector<16xi32>,
          %parallel_loop3A_364 = tpu.vector_load_idx %arg8[%parallel_loop3A_363] : memref<100000xf32, #tpu.memory_space<vmem>>[vector<16xi32>], vector<16xf32>,
          %parallel_loop3A_365 = arith.mulf %parallel_loop3A_364, %gather3A : vector<16xf32>
          %parallel_loop3A_366 = arith.addf %parallel_loop3A_365, %broadcast_in_dim3A_38 : vector<16xf32>
          %parallel_loop3A_367 = arith.addf %parallel_loop3A_327, %parallel_loop3A_366 : vector<16xf32>
          %parallel_loop3A_368 = arith.addf %parallel_loop3A_337, %parallel_loop3A_347 : vector<16xf32>
          %parallel_loop3A_369 = arith.addf %parallel_loop3A_357, %parallel_loop3A_367 : vector<16xf32>
          %parallel_loop3A_370 = arith.addf %parallel_loop3A_368, %parallel_loop3A_369 : vector<16xf32>
          %parallel_loop3A_371 = arith.subf %parallel_loop3A_370, %broadcast_in_dim3A_40 : vector<16xf32>
          %parallel_loop3A_372 = arith.mulf %parallel_loop3A_371, %gather3A_35 : vector<16xf32>
          %parallel_loop3A_373 = arith.addf %parallel_loop3A_372, %gather3A_36 : vector<16xf32>
          %parallel_loop3A_374 = arith.constant 16 : i32
          %parallel_loop3A_375 = arith.muli %parallel_loop3A_159, %parallel_loop3A_374 : i32
          %parallel_loop3A_376 = arith.constant 3584 : i32
          %parallel_loop3A_377 = arith.addi %parallel_loop3A_376, %parallel_loop3A_375 : i32
          %parallel_loop3A_378 = arith.index_cast %parallel_loop3A_377 : i32 to index
          %parallel_loop3A_379 = tpu.vector_load %arg11[%parallel_loop3A_378] {strides = array<i32>} : memref<4096xf32, #tpu.memory_space<vmem>>, vector<16xf32>,
          tpu.vector_store %arg11[%parallel_loop3A_378], %parallel_loop3A_373 {strides = array<i32>} : memref<4096xf32, #tpu.memory_space<vmem>>, vector<16xf32>,
        } {sc.loop_unroll_factor = 1 : i64, sc.parallel_access}
        "tpu.region"() ({
          %run_scoped3A = tpu.sem_alloc : memref<!tpu.dma_semaphore, #tpu.memory_space<semaphore_mem>>
          %dma_start3A_159 = arith.constant 0 : i32
          %dma_start3A_160 = tpu.memref_slice %arg7[%add3A_23, %dma_start3A_159] : memref<520x4096xf32, #tpu.memory_space<hbm>> -> memref<1x4096xf32, #tpu.memory_space<hbm>>
          %dma_start3A_161 = tpu.memref_squeeze %dma_start3A_160 : memref<1x4096xf32, #tpu.memory_space<hbm>> -> memref<4096xf32, #tpu.memory_space<hbm>>
          %dma_start3A_162 = arith.constant 0 : i32
          %dma_start3A_163 = tpu.memref_slice %arg7[%add3A_23, %dma_start3A_162] : memref<520x4096xf32, #tpu.memory_space<hbm>> -> memref<1x4096xf32, #tpu.memory_space<hbm>>
          %dma_start3A_164 = tpu.memref_squeeze %dma_start3A_163 : memref<1x4096xf32, #tpu.memory_space<hbm>> -> memref<4096xf32, #tpu.memory_space<hbm>>
          tpu.enqueue_dma source(%arg11 : memref<4096xf32, #tpu.memory_space<vmem>>) target(%dma_start3A_164 : memref<4096xf32, #tpu.memory_space<hbm>>) target_semaphore(%run_scoped3A : memref<!tpu.dma_semaphore, #tpu.memory_space<semaphore_mem>>)
          %dma_wait3A_165 = arith.constant 0 : i32
          %dma_wait3A_166 = tpu.memref_slice %arg7[%add3A_23, %dma_wait3A_165] : memref<520x4096xf32, #tpu.memory_space<hbm>> -> memref<1x4096xf32, #tpu.memory_space<hbm>>
          %dma_wait3A_167 = tpu.memref_squeeze %dma_wait3A_166 : memref<1x4096xf32, #tpu.memory_space<hbm>> -> memref<4096xf32, #tpu.memory_space<hbm>>
          %dma_wait3A_168 = arith.constant 0 : i32
          %dma_wait3A_169 = tpu.memref_slice %arg7[%add3A_23, %dma_wait3A_168] : memref<520x4096xf32, #tpu.memory_space<hbm>> -> memref<1x4096xf32, #tpu.memory_space<hbm>>
          %dma_wait3A_170 = tpu.memref_squeeze %dma_wait3A_169 : memref<1x4096xf32, #tpu.memory_space<hbm>> -> memref<4096xf32, #tpu.memory_space<hbm>>
          tpu.wait_dma2 semaphore(%run_scoped3A : memref<!tpu.dma_semaphore, #tpu.memory_space<semaphore_mem>>) src(%arg11 : memref<4096xf32, #tpu.memory_space<vmem>>) dst(%dma_wait3A_170 : memref<4096xf32, #tpu.memory_space<hbm>>)
          tpu.yield
        }) : () -> ()
      } else {
      }
    }
    %scan3A_15 = arith.constant 17 : i32
    return
  }
}

</mosaic_0001>

<sc_bundles>
// kernel: kernel.3.cloned.1.call-start
scs
__scs_entry_jumppad:
0x0: {  	(pc) =	sbr.rel $0x88, $3  }
0x1: {  	(tag) =	ssettag $0x0;
	lr =	simm.s32 $0x1  }
0x2: {  	[smem:$0x3F9C] =	sst lr;
	_ =	strace $0xD0000000  }
0x3: {  	_ = 	snop  }
0x4: {  	_ = 	snop  }
0x5: {  	_ = 	snop  }
0x6: {  	_ = 	snop  }
0x7: {  	_ = 	snop  }
__scs_overlays_trampoline_lowered:
0x8: {  	[smem:$0x3FAB] =	sst s0  }
0x9: {  	[smem:$0x3FAC] =	sst s1  }
0xa: {  	[smem:$0x3FAD] =	sst s2  }
0xb: {  	[smem:$0x3FAE] =	sst s3  }
0xc: {  	[smem:$0x3FAF] =	sst s4  }
0xd: {  	[smem:$0x3FB0] =	sst s5  }
0xe: {  	[smem:$0x3FB1] =	sst s6  }
0xf: {  	[smem:$0x3FB2] =	sst s7  }
0x10: {  	[smem:$0x3FB3] =	sst s8  }
0x11: {  	[smem:$0x3FB4] =	sst s9;
	s0 =	simm.s32 @!p0 $0x0  }
0x12: {  	s1 =	sld [smem:$0x3F9A];
	s0 =	simm.s32 @p0 $0x1  }
0x13: {  	[smem:$0x3FB5] =	sst s0;
	s0 =	simm.s32 @!p1 $0x0  }
0x14: {  	s2 =	sld [smem:$0x3F99];
	s0 =	simm.s32 @p1 $0x1  }
0x15: {  	[smem:$0x3FB6] =	sst s0;
	s0 =	simm.s32 @!p2 $0x0  }
0x16: {  	s3 =	sld [smem:$0x3FDB];
	s0 =	simm.s32 @p2 $0x1  }
0x17: {  	s4 =	simm.s32 $0x1BF5;
	[smem:$0x3FB8] =	sst s0  }
0x18: {  	s0 =	sld [smem:$0x3F9B];
	_ =	swait.ge [sflag:s4], $0x0  }
0x19: {  	s7 =	sld [smem:$0x3F9C]  }
0x1a: {  	s8 =	sadd.s32 $0xFFFFE003, lr  }
0x1b: {  	s9 =	sadd.s32 $0xFFFFFEF7, lr;
	s5 =	simm.s32 $0xFFFFFFFF;
	p2 =	slt.u32 s8, $0xFFFFF086  }
0x1c: {  	p1 =	slt.u32 s9, $0xF7A;
	s5 =	simm.s32 @!p2 $0x0  }
0x1d: {  	s5 =	simm.s32 @p1 $0x1;
	p0 =	seq.s32 s7, s2  }
0x1e: {  	s7 =	smul.u32 @!p0 $0xF7A, s2;
	p2 =	seq.s32 @!p0 s5, $0x0  }
0x1f: {  	s9 =	smul.u32 $0xF7A, s1;
	s8 =	simm.s32 @!p0 $0x1BF5;
	p2 =	por !p2, p0  }
0x20: {  	[sflag:s8] =	ssyncset.s32 @!p0 $0xFFFFF086;
	s6 =	sadd.s32 @!p0 s3, s7;
	s7 =	simm.s32 @!p0 $0x108  }
0x21: {  	s3 =	sadd.s32 s3, s9;
	s6 =	sadd.s32 @!p0 $0x88, s6;
	s7 =	simm.s32 @p2 $0x1082  }
0x22: {  	[simem:s7], [sflag:s8] =	dma.local @!p0 [hbm:s6], $0xF7A  }
0x23: {  	s9 =	sor.u32 $0xD0000000, s2;
	s6 =	simm.s32 $0x108;
	_ =	swait.ge @!p0 [sflag:s8], $0x0  }
0x24: {  	s3 =	sadd.s32 $0x88, s3;
	s6 =	simm.s32 @!p1 $0x1082;
	[sflag:s4] =	ssyncset.s32 $0xFFFFF086  }
0x25: {  	[simem:s6], [sflag:s4] =	dma.local [hbm:s3], $0xF7A  }
0x26: {  	[smem:$0x3F9C] =	sst s1;
	(tag) =	ssettag s2;
	_ =	strace s9  }
0x27: {  	s1 =	sld [smem:$0x3FAC]  }
0x28: {  	s2 =	sld [smem:$0x3FAD]  }
0x29: {  	s4 =	sld [smem:$0x3FAF]  }
0x2a: {  	p0 =	seq.s32 s5, $0x0;
	s5 =	sld [smem:$0x3FB0]  }
0x2b: {  	s6 =	sld [smem:$0x3FB1]  }
0x2c: {  	s7 =	sld [smem:$0x3FB2]  }
0x2d: {  	s3 =	simm.s32 $0x108;
	s8 =	sld [smem:$0x3FB3]  }
0x2e: {  	s3 =	simm.s32 @!p0 $0x1082;
	s9 =	sld [smem:$0x3FB4]  }
0x2f: {  	lr =	sadd.s32 s0, s3;
	s0 =	sld [smem:$0x3FAB]  }
0x30: {  	s3 =	sld [smem:$0x3FAE]  }
0x31: {  	[smem:$0x3FB7] =	sst s10  }
0x32: {  	s10 =	sld [smem:$0x3FB5];
	_ =	sdelay $0x3  }
0x33: {  	p0 =	seq.s32 s10, $0x1;
	s10 =	sld [smem:$0x3FB7];
	_ =	sdelay $0x3  }
0x34: {  	[smem:$0x3FB7] =	sst s10  }
0x35: {  	s10 =	sld [smem:$0x3FB6];
	_ =	sdelay $0x3  }
0x36: {  	p1 =	seq.s32 s10, $0x1;
	s10 =	sld [smem:$0x3FB7];
	_ =	sdelay $0x3  }
0x37: {  	[smem:$0x3FB7] =	sst s10  }
0x38: {  	s10 =	sld [smem:$0x3FB8]  }
0x39: {  	_ = 	snop;
	(pc) =	sbr.ind lr, $3  }
0x3a: {  	_ = 	snop  }
0x3b: {  	_ = 	snop  }
0x3c: {  	p2 =	seq.s32 s10, $0x1;
	s10 =	sld [smem:$0x3FB7]  }
0x3d: {  	_ =	shalt  }
0x3e: {  	_ =	shalt  }
0x3f: {  	_ =	shalt  }
0x40: {  	_ =	shalt  }
0x41: {  	_ =	shalt  }
0x42: {  	_ =	shalt  }
0x43: {  	_ =	shalt  }
0x44: {  	_ =	shalt  }
0x45: {  	_ =	shalt  }
0x46: {  	_ =	shalt  }
0x47: {  	_ =	shalt  }
0x48: {  	_ =	shalt  }
0x49: {  	_ =	shalt  }
0x4a: {  	_ =	shalt  }
0x4b: {  	_ =	shalt  }
0x4c: {  	_ =	shalt  }
0x4d: {  	_ =	shalt  }
0x4e: {  	_ =	shalt  }
0x4f: {  	_ =	shalt  }
0x50: {  	_ =	shalt  }
0x51: {  	_ =	shalt  }
0x52: {  	_ =	shalt  }
0x53: {  	_ =	shalt  }
0x54: {  	_ =	shalt  }
0x55: {  	_ =	shalt  }
0x56: {  	_ =	shalt  }
0x57: {  	_ =	shalt  }
0x58: {  	_ =	shalt  }
0x59: {  	_ =	shalt  }
0x5a: {  	_ =	shalt  }
0x5b: {  	_ =	shalt  }
0x5c: {  	_ =	shalt  }
0x5d: {  	_ =	shalt  }
0x5e: {  	_ =	shalt  }
0x5f: {  	_ =	shalt  }
0x60: {  	_ =	shalt  }
0x61: {  	_ =	shalt  }
0x62: {  	_ =	shalt  }
0x63: {  	_ =	shalt  }
0x64: {  	_ =	shalt  }
0x65: {  	_ =	shalt  }
0x66: {  	_ =	shalt  }
0x67: {  	_ =	shalt  }
0x68: {  	_ =	shalt  }
0x69: {  	_ =	shalt  }
0x6a: {  	_ =	shalt  }
0x6b: {  	_ =	shalt  }
0x6c: {  	_ =	shalt  }
0x6d: {  	_ =	shalt  }
0x6e: {  	_ =	shalt  }
0x6f: {  	_ =	shalt  }
0x70: {  	_ =	shalt  }
0x71: {  	_ =	shalt  }
0x72: {  	_ =	shalt  }
0x73: {  	_ =	shalt  }
0x74: {  	_ =	shalt  }
0x75: {  	_ =	shalt  }
0x76: {  	_ =	shalt  }
0x77: {  	_ =	shalt  }
0x78: {  	_ =	shalt  }
0x79: {  	_ =	shalt  }
0x7a: {  	_ =	shalt  }
0x7b: {  	_ =	shalt  }
0x7c: {  	_ =	shalt  }
0x7d: {  	_ =	shalt  }
0x7e: {  	_ =	shalt  }
0x7f: {  	_ =	shalt  }
0x80: {  	_ =	shalt  }
0x81: {  	_ =	shalt  }
0x82: {  	_ =	shalt  }
0x83: {  	_ =	shalt  }
0x84: {  	_ =	shalt  }
0x85: {  	_ =	shalt  }
0x86: {  	_ =	shalt  }
0x87: {  	_ =	shalt  }
.Lfunc_end0:
.L_simem_size_0:
called_computation_lowered:
.L_overlay_start_0:
0x88: {  	s2 =	sld [smem:$0x3FD9]  }
0x89: {  	s3 =	sld [smem:$0x3FFE];
	_ =	sdelay $0x1  }
0x8a: {  	s1 =	srdreg.scid  }
0x8b: {  	s0 =	sand.u32 $0x1, s1  }
0x8c: {  	s17 =	sshll.u32 s0, $0xA;
	s2 =	sadd.s32 s3, s2  }
0x8d: {  	s2 =	sadd.s32 s2, s17  }
0x8e: {  	[smem:$0x3FC3] =	sst s2  }
0x8f: {  	_ = 	snop  }
0x90: {  	s2 =	sld [smem:$0x3FC9]  }
0x91: {  	s18 =	sld [smem:$0x3FC8]  }
0x92: {  	s4 =	sld [smem:$0x3FC7]  }
0x93: {  	s5 =	sld [smem:$0x3FD0];
	(tm) =	ssettm $0x1  }
0x94: {  	s6 =	sld [smem:$0x3FFB];
	_ =	sdelay $0x3  }
0x95: {  	_ =	strace s6  }
0x96: {  	s6 =	sld [smem:$0x3FFC];
	_ =	sdelay $0x3  }
0x97: {  	_ =	strace s6  }
0x98: {  	s6 =	sld [smem:$0x3FFD];
	_ =	sdelay $0x3  }
0x99: {  	_ =	strace s6  }
0x9a: {  	_ =	strace $0x8FFFFFFF  }
0x9b: {  	s19 =	sld [smem:$0x3FDB];
	_ =	sdelay $0x1  }
0x9c: {  	s7 =	simm.s32 $_scs_section_size  }
0x9d: {  	s8 =	simm.s32 $_size__tile_overlayer_lowered;
	s9 =	simm.s32 $_tile_overlayer_lowered  }
0x9e: {  	s22 =	simm.s32 $0x1BFF;
	s21 =	sshll.u32 s9, $0x1;
	s6 =	sadd.s32 s7, s19  }
0x9f: {  	s10 =	simm.s32 $0x0;
	s20 =	sshll.u32 s8, $0x1;
	s8 =	sadd.s32 s21, s6  }
0xa0: {  	[timem:s10], [sflag:s22] =	dma.local [hbm:s8], s20  }
0xa1: {  	_ =	swait.ge [sflag:s22], s20  }
0xa2: {  	s7 =	ssub.s32 $0x0, s20;
	[sflag:s22] =	ssyncset.done $0x0  }
0xa3: {  	[sflag:s22] =	ssyncadd.s32 s7;
	_ =	sdelay $0x1  }
0xa4: {  	s23 =	simm.s32 $0x1B8B  }
0xa5: {  	_ =	swait.ge [sflag:s23], $0x1  }
0xa6: {  	[sflag:s23] =	ssyncset.done $0x0  }
0xa7: {  	s25 =	simm.s32 $0x1B8E;
	s24 =	sld [smem:$0x3FFE];
	[sflag:s23] =	ssyncadd.s32 $0xFFFFFFFF  }
0xa8: {  	s26 =	simm.s32 $execute0_lowered;
	[smem:$0x3FD2] =	sst s25  }
0xa9: {  	s8 =	sshll.u32 s26, $0x1;
	_ =	strace $0x80000046;
	[dreg:$0x1] =	wrdreg $0xFFFFFFFF  }
0xaa: {  	s28 =	simm.s32 $_size_execute0_lowered;
	s6 =	sadd.s32 s6, s8;
	[dreg:$0x0] =	wrdreg $0x0  }
0xab: {  	s8 =	sshll.u32 s28, $0x1;
	[dreg:$0x2] =	wrdreg s6  }
0xac: {  	[dreg:$0x3] =	wrdreg s8  }
0xad: {  	[dreg:$0x4] =	wrdreg $0xC0  }
0xae: {  	_ =	task [dreg:s10], $0x5FFFF  }
0xaf: {  	[dreg:$0x1] =	wrdreg $0xFFFFFFFF  }
0xb0: {  	[dreg:$0x0] =	wrdreg $0x60  }
0xb1: {  	[dreg:$0x2] =	wrdreg s2  }
0xb2: {  	[dreg:$0x3] =	wrdreg s18  }
0xb3: {  	[dreg:$0x4] =	wrdreg s24  }
0xb4: {  	[dreg:$0x5] =	wrdreg s4  }
0xb5: {  	[dreg:$0x6] =	wrdreg s5  }
0xb6: {  	[dreg:$0x7] =	wrdreg $0x9  }
0xb7: {  	_ =	task.clear_ibuf [dreg:s10], $0x8FFFF;
	_ =	strace $0x90000046  }
0xb8: {  	s29 =	simm.s32 $0x9;
	_ =	strace $0x80000048  }
0xb9: {  	_ =	swait.ge [sflag:s29], $0x1  }
0xba: {  	[sflag:s29] =	ssyncadd.s32 $0xFFFFFFFF  }
0xbb: {  	_ =	strace $0x90000048  }
0xbc: {  	_ =	sfence  }
0xbd: {  	s30 =	sld [smem:$0x0];
	_ =	sdelay $0x2  }
0xbe: {  	s31 =	sshll.u32 s1, $0xD;
	s1 =	sshrl.u32 s1, $0x2  }
0xbf: {  	s3 =	sand.u32 $0x4000, s31;
	s1 =	sadd.s32 s1, s30  }
0xc0: {  	s0 =	sor.u32 s3, s0;
	s1 =	sshll.u32 s1, $0x11  }
0xc1: {  	s0 =	sor.u32 s1, s0  }
0xc2: {  	s0 =	sadd.s32 $0x8F2B, s0  }
0xc3: {  	[sflag:s0] =	ssyncadd.remote.s32 $0x1  }
0xc4: {  	_ =	sfence.sel $0xFFFF  }
0xc5: {  	[dreg:$0x0] =	wrdreg $0xFFFFFFFF;
	(pc) =	sbr.abs _section_cstart, $3  }
0xc6: {  	[dreg:$0x1] =	wrdreg $0xFFFFFFFF  }
0xc7: {  	_ =	task.clear_ibuf [dreg:s10], $0x2FFFF;
	_ =	strace $0x9FFFFFFF  }
0xc8: {  	(tm) =	ssettm $0x7FFFFFFF  }
0xc9: {  	_ =	shalt  }
tec
execute0_lowered:
.L_overlay_start_1:
0x0: {  	(tag) =	ssettag $0x1  }
0x1: {  	s4 =	rddreg [dreg:$0x0]  }
0x2: {  	s0 =	rddreg [dreg:$0x2];
	s5 =	simm.s32 $0x0  }
0x3: {  	s1 =	srdreg.scid;
	s6 =	stileid.u32;
	s9 =	simm.s32 $0x11  }
0x4: {  	s19 =	simm.s32 $0x1F700;
	s20 =	simm.s32 $0x4;
	s21 =	simm.s32 $0x1F980  }
0x5: {  	s22 =	simm.s32 $0x1FC00;
	s23 =	simm.s32 $0x80;
	s24 =	simm.s32 $0x400  }
0x6: {  	s28 =	simm.s32 $0x18700;
	s29 =	simm.s32 $0x1;
	s30 =	simm.s32 $0x2  }
0x7: {  	s31 =	simm.s32 $0x1B700;
	[smem:$0x7FF] =	sst s5;
	s2 =	sadd.s32 $0x800, s0  }
0x8: {  	s1 =	sand.u32 $0x1, s1;
	s0 =	sadd.s32 $0x600, s0;
	s26 =	sshll.u32 s6, $0x1  }
0x9: {  	p0 =	slt.u32 s6, $0x4;
	s11 =	sadd.s32 $0x200, s4;
	s12 =	sadd.s32 $0x400, s4  }
0xa: {  	s13 =	sadd.s32 $0x600, s4;
	s14 =	sadd.s32 $0x800, s4;
	s15 =	sadd.s32 $0xA00, s4  }
0xb: {  	s16 =	sadd.s32 $0xC00, s4;
	_ =	strace $0x80000047;
	[dreg:$0x6] =	wrdreg s2  }
0xc: {  	s17 =	sadd.s32 $0xE00, s4;
	[dreg:$0x7] =	wrdreg s0;
	s25 =	ssub.s32 $0x2, s1  }
.Ltmp0:
0xd: {  	s1 =	sor.u32 s1, s26;
	s9 =	simm.s32 @!p0 $0x10;
	(pc) =	sbr.rel .LBB2_1-.Ltmp0, $4  }
0xe: {  	s3 =	sshrl.u32 s25, $0x1;
	s2 =	smul.u32 $0x11, s1;
	s1 =	sshll.u32 s1, $0x4  }
0xf: {  	s26 =	simm.s32 $0x8000;
	s0 =	ssub.s32 s25, s3;
	s10 =	sor.u32 $0x8, s1  }
0x10: {  	s25 =	simm.s32 $0x1000;
	s10 =	smov.u32 @p0 s2;
	s0 =	smax.u32 s0, $0x1  }
0x11: {  	s2 =	simm.s32 $0x0;
	[dreg:$0x8] =	wrdreg s0;
	s0 =	simm.s32 $0x3  }
.LBB2_21:
0x12: {  	s2 =	rddreg [dreg:$0x9]  }
0x13: {  	s1 =	rddreg [dreg:$0x8];
	s2 =	sadd.s32 $0x1, s2  }
0x14: {  	p0 =	sne.s32 s2, s1  }
.Ltmp1:
0x15: {  	_ = 	snop;
	(pc) =	sbr.rel @!p0 .LBB2_22-.Ltmp1, $1  }
0x16: {  	_ =	sdelay $0x3  }
.LBB2_1:
0x17: {  	[dreg:$0x9] =	wrdreg s2  }
0x18: {  	s1 =	rddreg [dreg:$0x6]  }
0x19: {  	[tilespmem:s19], [sflag:$0x4] =	stream.linear.gather [hbm4b:s1+s5], $0x280, $0x38;
	[tilespmem:$0x1FE80] =	vst v63  }
0x1a: {  	_ =	swait.ge [sflag:s20], $0x280  }
0x1b: {  	[sflag:s20] =	ssyncset.done $0x0  }
0x1c: {  	s8 =	rddreg [dreg:$0x7];
	[sflag:s20] =	ssyncadd.s32 $0xFFFFFD80  }
0x1d: {  	[tilespmem:s21], [sflag:$0x4] =	stream.linear.gather [hbm4b:s8+s5], $0x280, $0x38;
	[tilespmem:$0x1FE80] =	vst v63  }
0x1e: {  	_ =	swait.ge [sflag:s20], $0x280  }
0x1f: {  	[sflag:s20] =	ssyncset.done $0x0  }
0x20: {  	[sflag:s20] =	ssyncadd.s32 $0xFFFFFD80  }
.Ltmp2:
0x21: {  	s18 =	rddreg [dreg:$0x3];
	(pc) =	sbr.rel .LBB2_2-.Ltmp2, $4  }
0x22: {  	[tilespmem:s22], [sflag:$0x4] =	stream.linear.gather [hbm4b:s18+s5], $0x280, $0x38;
	[tilespmem:$0x1FE80] =	vst v63  }
0x23: {  	_ =	swait.ge [sflag:s20], $0x280  }
0x24: {  	[sflag:s20] =	ssyncset.done $0x0  }
0x25: {  	s7 =	simm.s32 $0x0;
	[sflag:s20] =	ssyncadd.s32 $0xFFFFFD80  }
.LBB2_20:
0x26: {  	s7 =	sadd.s32 $0x1, s7  }
0x27: {  	p0 =	sne.s32 s7, $0x11  }
.Ltmp3:
0x28: {  	_ = 	snop;
	(pc) =	sbr.rel @!p0 .LBB2_21-.Ltmp3, $1  }
0x29: {  	_ =	sdelay $0x3  }
.LBB2_2:
0x2a: {  	p0 =	sge.u32 s7, s9  }
.Ltmp4:
0x2b: {  	_ = 	snop;
	(pc) =	sbr.rel @p0 .LBB2_20-.Ltmp4, $1  }
0x2c: {  	_ =	sdelay $0x3  }
0x2d: {  	s1 =	sadd.s32 s10, s7  }
0x2e: {  	s8 =	sshrl.u32 s1, $0x3  }
0x2f: {  	s2 =	sshll.u32 s1, $0x7;
	s3 =	smul.u32 $0xC3800, s8  }
0x30: {  	s18 =	sand.u32 $0x380, s2  }
0x31: {  	s2 =	sor.u32 s18, s3  }
0x32: {  	v0 =	vmov s1;
	s3 =	rddreg [dreg:$0x1];
	s2 =	sshrl.u32 s2, $0x3  }
0x33: {  	s4 =	simm.s32 $0x0;
	s1 =	sadd.s32 s3, s2  }
0x34: {  	[tilespmem:s4], [sflag:$0x1] =	stream.strided.gather [hbm4b:s1+s23], $0x18700, s24, s23, $0x38;
	[tilespmem:$0x1FE80] =	vst v63  }
0x35: {  	s6 =	rddreg [dreg:$0x0]  }
0x36: {  	[tilespmem:s28], [sflag:$0x2] =	stream.strided.gather [hbm4b:s6+s25], $0x3000, s26, s25, $0x38;
	[tilespmem:$0x1FE80] =	vst v63  }
0x37: {  	v2 =	vld.idx.msk [tilespmem:v0+s19+$0x0], $0xffff  }
0x38: {  	v1 =	vld.idx.msk [tilespmem:v0+s21+$0x0], $0xffff  }
0x39: {  	v0 =	vld.idx.msk [tilespmem:v0+s22+$0x0], $0xffff;
	_ =	swait.ge [sflag:s29], $0x18700  }
0x3a: {  	[sflag:s29] =	ssyncset.done $0x0  }
0x3b: {  	[sflag:s29] =	ssyncadd.s32 $0xFFFE7900  }
0x3c: {  	_ =	swait.ge [sflag:s30], $0x3000  }
0x3d: {  	s3 =	sand.u32 $0x70, s4;
	s2 =	sand.u32 $0xC00, s4;
	[sflag:s30] =	ssyncset.done $0x0  }
0x3e: {  	s1 =	sor.u32 s3, s2;
	[sflag:s30] =	ssyncadd.s32 $0xFFFFD000  }
0x3f: {  	[tilespmem:s31], [sflag:$0x3] =	stream.strided.gather [hbm4b:s11+s25], $0x3000, s26, s25, $0x38;
	[tilespmem:$0x1FE80] =	vst v63  }
0x40: {  	v3 =	vld [tilespmem:s1+$0x1A700]  }
0x41: {  	v4 =	vld [tilespmem:s1+$0x1A780]  }
0x42: {  	v5 =	vld [tilespmem:s1+$0x1A800]  }
0x43: {  	v6 =	vld [tilespmem:s1+$0x1A880]  }
0x44: {  	v7 =	vld [tilespmem:s1+$0x19900]  }
0x45: {  	v8 =	vld [tilespmem:s1+$0x19980]  }
0x46: {  	v9 =	vld [tilespmem:s1+$0x19A00]  }
0x47: {  	v10 =	vld [tilespmem:s1+$0x19A80]  }
0x48: {  	v11 =	vld [tilespmem:s1+$0x19700]  }
0x49: {  	v12 =	vld [tilespmem:s1+$0x19780]  }
0x4a: {  	v13 =	vld [tilespmem:s1+$0x19800]  }
0x4b: {  	v14 =	vld [tilespmem:s1+$0x19880]  }
0x4c: {  	s2 =	sadd.s32 $0x18700, s1;
	v15 =	vld [tilespmem:s1+$0x18700]  }
0x4d: {  	v16 =	vld [tilespmem:s2+$0x80]  }
0x4e: {  	v17 =	vld [tilespmem:s2+$0x100]  }
0x4f: {  	v18 =	vld [tilespmem:s2+$0x180]  }
0x50: {  	v19 =	vld [tilespmem:s2+$0x200]  }
0x51: {  	s4 =	simm.s32 $0x10;
	s3 =	simm.s32 $0x80;
	v20 =	vld [tilespmem:s2+$0x280]  }
0x52: {  	s6 =	sand.u32 $0xC00, s3;
	v21 =	vld [tilespmem:s2+$0x300];
	s1 =	sand.u32 $0x70, s4  }
0x53: {  	v22 =	vld [tilespmem:s2+$0x380];
	s1 =	sor.u32 s1, s6  }
0x54: {  	v24 =	vld [tilespmem:s1+$0x1A700]  }
0x55: {  	v3 =	vld.idx.msk [tilespmem:v3+s5+$0x0], $0xffff  }
0x56: {  	v4 =	vld.idx.msk [tilespmem:v4+s5+$0x0], $0xffff  }
0x57: {  	v6 =	vld.idx.msk [tilespmem:v6+s5+$0x0], $0xffff  }
0x58: {  	v7 =	vld.idx.msk [tilespmem:v7+s5+$0x0], $0xffff  }
0x59: {  	v8 =	vld.idx.msk [tilespmem:v8+s5+$0x0], $0xffff  }
0x5a: {  	v9 =	vld.idx.msk [tilespmem:v9+s5+$0x0], $0xffff  }
0x5b: {  	v10 =	vld.idx.msk [tilespmem:v10+s5+$0x0], $0xffff  }
0x5c: {  	v11 =	vld.idx.msk [tilespmem:v11+s5+$0x0], $0xffff  }
0x5d: {  	v12 =	vld.idx.msk [tilespmem:v12+s5+$0x0], $0xffff  }
0x5e: {  	v13 =	vld.idx.msk [tilespmem:v13+s5+$0x0], $0xffff  }
0x5f: {  	v14 =	vld.idx.msk [tilespmem:v14+s5+$0x0], $0xffff  }
0x60: {  	v15 =	vld.idx.msk [tilespmem:v15+s5+$0x0], $0xffff  }
0x61: {  	v16 =	vld.idx.msk [tilespmem:v16+s5+$0x0], $0xffff;
	v3 =	vmul.f32 v3, v2;
	v4 =	vmul.f32 v4, v2  }
0x62: {  	v17 =	vld.idx.msk [tilespmem:v17+s5+$0x0], $0xffff;
	v6 =	vmul.f32 v6, v2;
	v7 =	vmul.f32 v7, v2  }
0x63: {  	v18 =	vld.idx.msk [tilespmem:v18+s5+$0x0], $0xffff;
	v8 =	vmul.f32 v8, v2;
	v9 =	vmul.f32 v9, v2  }
0x64: {  	v19 =	vld.idx.msk [tilespmem:v19+s5+$0x0], $0xffff;
	v10 =	vmul.f32 v10, v2;
	v11 =	vmul.f32 v11, v2  }
0x65: {  	v21 =	vld.idx.msk [tilespmem:v21+s5+$0x0], $0xffff;
	v12 =	vmul.f32 v12, v2;
	v13 =	vmul.f32 v13, v2  }
0x66: {  	v20 =	vld.idx.msk [tilespmem:v20+s5+$0x0], $0xffff;
	v14 =	vmul.f32 v14, v2;
	v15 =	vmul.f32 v15, v2;
	v3 =	vadd.f32 $1.258291200e+07, v3  }
0x67: {  	v16 =	vmul.f32 v16, v2;
	v23 =	vadd.f32 $1.258291200e+07, v4;
	v4 =	vld.idx.msk [tilespmem:v22+s5+$0x0], $0xffff;
	v22 =	vadd.f32 $1.258291200e+07, v6  }
0x68: {  	v25 =	vld [tilespmem:s1+$0x1A780];
	v6 =	vmul.f32 v17, v2;
	v17 =	vadd.f32 $1.258291200e+07, v7;
	v8 =	vadd.f32 $1.258291200e+07, v8  }
0x69: {  	v27 =	vld [tilespmem:s1+$0x1A800];
	v7 =	vmul.f32 v18, v2;
	v18 =	vadd.f32 $1.258291200e+07, v9;
	v26 =	vadd.f32 $1.258291200e+07, v10  }
0x6a: {  	v28 =	vld [tilespmem:s1+$0x19980];
	v21 =	vmul.f32 v21, v2;
	v10 =	vadd.f32 $1.258291200e+07, v11;
	v11 =	vadd.f32 $1.258291200e+07, v12  }
0x6b: {  	v29 =	vld [tilespmem:s1+$0x19A00];
	v9 =	vmul.f32 v19, v2;
	v13 =	vadd.f32 $1.258291200e+07, v13;
	v14 =	vadd.f32 $1.258291200e+07, v14  }
0x6c: {  	v5 =	vld.idx.msk [tilespmem:v5+s5+$0x0], $0xffff;
	v12 =	vmul.f32 v20, v2;
	v15 =	vadd.f32 $1.258291200e+07, v15;
	v16 =	vadd.f32 $1.258291200e+07, v16  }
0x6d: {  	v30 =	vld [tilespmem:s1+$0x19A80];
	v21 =	vadd.f32 $1.258291200e+07, v21;
	v9 =	vadd.f32 $1.258291200e+07, v9  }
0x6e: {  	v32 =	vld [tilespmem:s1+$0x19700];
	v6 =	vadd.f32 $1.258291200e+07, v6;
	v12 =	vadd.f32 $1.258291200e+07, v12;
	v4 =	vmul.f32 v4, v2  }
0x6f: {  	v19 =	vld [tilespmem:s1+$0x1A880];
	v7 =	vadd.f32 $1.258291200e+07, v7;
	v9 =	vadd.f32 v9, v15  }
0x70: {  	v20 =	vld [tilespmem:s1+$0x19900];
	v12 =	vadd.f32 v12, v16;
	v31 =	vadd.f32 $1.258291200e+07, v4  }
0x71: {  	v5 =	vmul.f32 v5, v2;
	v15 =	vadd.f32 v21, v6;
	v6 =	vld [tilespmem:s1+$0x19800];
	v10 =	vadd.f32 v10, v9  }
0x72: {  	v11 =	vadd.f32 v11, v12;
	v9 =	vld [tilespmem:s1+$0x18700];
	v16 =	vadd.f32 v31, v7  }
0x73: {  	s2 =	sadd.s32 $0x18700, s1;
	v5 =	vadd.f32 $1.258291200e+07, v5;
	v12 =	vadd.f32 v13, v15;
	v4 =	vld [tilespmem:s1+$0x19780]  }
0x74: {  	v8 =	vadd.f32 v8, v11;
	v11 =	vld [tilespmem:s2+$0x100];
	v13 =	vadd.f32 v14, v16  }
0x75: {  	v15 =	vadd.f32 v18, v12;
	v12 =	vld [tilespmem:s2+$0x180];
	v14 =	vadd.f32 v17, v10  }
0x76: {  	v7 =	vld [tilespmem:s1+$0x19880];
	v13 =	vadd.f32 v26, v13  }
0x77: {  	v5 =	vadd.f32 v5, v15;
	v10 =	vld [tilespmem:s2+$0x80];
	v3 =	vadd.f32 v3, v14  }
0x78: {  	v17 =	vld.idx.msk [tilespmem:v19+s5+$0x0], $0xffff;
	v14 =	vadd.f32 v23, v8;
	v15 =	vadd.f32 v22, v13  }
0x79: {  	v19 =	vld.idx.msk [tilespmem:v28+s5+$0x0], $0xffff  }
0x7a: {  	v8 =	vld [tilespmem:s2+$0x280];
	v14 =	vadd.f32 v14, v3;
	v15 =	vadd.f32 v15, v5  }
0x7b: {  	v13 =	vld [tilespmem:s2+$0x200]  }
0x7c: {  	v3 =	vld [tilespmem:s2+$0x380];
	v16 =	vadd.f32 v15, v14  }
0x7d: {  	v5 =	vld [tilespmem:s2+$0x300]  }
0x7e: {  	v14 =	vld.idx.msk [tilespmem:v24+s5+$0x0], $0xffff;
	v18 =	vadd.f32 $-2.516582400e+08, v16  }
0x7f: {  	v15 =	vld.idx.msk [tilespmem:v25+s5+$0x0], $0xffff  }
0x80: {  	v16 =	vld.idx.msk [tilespmem:v27+s5+$0x0], $0xffff;
	v21 =	vmul.f32 v18, v1  }
0x81: {  	v18 =	vld.idx.msk [tilespmem:v20+s5+$0x0], $0xffff  }
0x82: {  	v20 =	vld.idx.msk [tilespmem:v29+s5+$0x0], $0xffff;
	v22 =	vadd.f32 v21, v0  }
0x83: {  	s2 =	simm.s32 $0x1E700;
	v21 =	vld.idx.msk [tilespmem:v30+s5+$0x0], $0xffff  }
0x84: {  	s4 =	simm.s32 $0x20;
	[tilespmem:s2+$0x0] =	vst v22;
	v22 =	vld.idx.msk [tilespmem:v32+s5+$0x0], $0xffff  }
.LBB2_4:
0x85: {  	p0 =	sne.s32 s4, $0x1F0;
	v4 =	vld.idx.msk [tilespmem:v4+s5+$0x0], $0xffff  }
0x86: {  	v6 =	vld.idx.msk [tilespmem:v6+s5+$0x0], $0xffff  }
0x87: {  	v7 =	vld.idx.msk [tilespmem:v7+s5+$0x0], $0xffff  }
0x88: {  	v14 =	vmul.f32 v14, v2;
	v15 =	vmul.f32 v15, v2;
	v9 =	vld.idx.msk [tilespmem:v9+s5+$0x0], $0xffff  }
0x89: {  	v16 =	vmul.f32 v16, v2;
	v17 =	vmul.f32 v17, v2;
	v10 =	vld.idx.msk [tilespmem:v10+s5+$0x0], $0xffff  }
0x8a: {  	v18 =	vmul.f32 v18, v2;
	v19 =	vmul.f32 v19, v2;
	v11 =	vld.idx.msk [tilespmem:v11+s5+$0x0], $0xffff  }
0x8b: {  	v20 =	vmul.f32 v20, v2;
	v21 =	vmul.f32 v21, v2;
	v12 =	vld.idx.msk [tilespmem:v12+s5+$0x0], $0xffff  }
0x8c: {  	v22 =	vmul.f32 v22, v2;
	v4 =	vmul.f32 v4, v2;
	v13 =	vld.idx.msk [tilespmem:v13+s5+$0x0], $0xffff  }
0x8d: {  	s3 =	sadd.s32 $0x80, s3;
	v6 =	vmul.f32 v6, v2;
	v7 =	vmul.f32 v7, v2;
	v8 =	vld.idx.msk [tilespmem:v8+s5+$0x0], $0xffff  }
0x8e: {  	s1 =	sand.u32 $0x70, s4;
	s6 =	sand.u32 $0xC00, s3;
	v14 =	vadd.f32 $1.258291200e+07, v14;
	v15 =	vadd.f32 $1.258291200e+07, v15;
	v9 =	vmul.f32 v9, v2;
	v5 =	vld.idx.msk [tilespmem:v5+s5+$0x0], $0xffff  }
0x8f: {  	s1 =	sor.u32 s1, s6;
	v16 =	vadd.f32 $1.258291200e+07, v16;
	v17 =	vadd.f32 $1.258291200e+07, v17;
	v10 =	vmul.f32 v10, v2;
	v3 =	vld.idx.msk [tilespmem:v3+s5+$0x0], $0xffff  }
0x90: {  	v18 =	vadd.f32 $1.258291200e+07, v18;
	v19 =	vadd.f32 $1.258291200e+07, v19;
	v11 =	vmul.f32 v11, v2;
	v23 =	vld [tilespmem:s1+$0x1A700]  }
0x91: {  	v20 =	vadd.f32 $1.258291200e+07, v20;
	v21 =	vadd.f32 $1.258291200e+07, v21;
	v12 =	vmul.f32 v12, v2;
	v24 =	vld [tilespmem:s1+$0x1A780]  }
0x92: {  	v22 =	vadd.f32 $1.258291200e+07, v22;
	v26 =	vadd.f32 $1.258291200e+07, v4;
	v13 =	vmul.f32 v13, v2;
	v25 =	vld [tilespmem:s1+$0x1A800]  }
0x93: {  	v28 =	vadd.f32 $1.258291200e+07, v7;
	v4 =	vmul.f32 v8, v2;
	v8 =	vadd.f32 $1.258291200e+07, v6;
	v27 =	vld [tilespmem:s1+$0x1A880]  }
0x94: {  	v7 =	vadd.f32 $1.258291200e+07, v10;
	v6 =	vadd.f32 $1.258291200e+07, v9;
	v5 =	vmul.f32 v5, v2;
	v29 =	vld [tilespmem:s1+$0x19900]  }
0x95: {  	v9 =	vadd.f32 $1.258291200e+07, v11;
	v10 =	vadd.f32 $1.258291200e+07, v12;
	v3 =	vmul.f32 v3, v2;
	v30 =	vld [tilespmem:s1+$0x19980]  }
0x96: {  	v11 =	vadd.f32 $1.258291200e+07, v13;
	v4 =	vadd.f32 $1.258291200e+07, v4;
	v31 =	vld [tilespmem:s1+$0x19A00]  }
0x97: {  	v5 =	vadd.f32 $1.258291200e+07, v5;
	v3 =	vadd.f32 $1.258291200e+07, v3;
	v32 =	vld [tilespmem:s1+$0x19A80]  }
0x98: {  	v11 =	vadd.f32 v11, v6;
	v7 =	vadd.f32 v4, v7;
	v33 =	vld [tilespmem:s1+$0x19700]  }
0x99: {  	v5 =	vadd.f32 v5, v9;
	v3 =	vadd.f32 v3, v10;
	v4 =	vld [tilespmem:s1+$0x19780]  }
0x9a: {  	v10 =	vadd.f32 v22, v11;
	v11 =	vadd.f32 v26, v7;
	v6 =	vld [tilespmem:s1+$0x19800]  }
0x9b: {  	v5 =	vadd.f32 v8, v5;
	v3 =	vadd.f32 v28, v3;
	v7 =	vld [tilespmem:s1+$0x19880]  }
0x9c: {  	s6 =	sadd.s32 $0x18700, s1;
	v8 =	vadd.f32 v18, v10;
	v12 =	vadd.f32 v19, v11;
	v9 =	vld [tilespmem:s1+$0x18700]  }
0x9d: {  	v5 =	vadd.f32 v20, v5;
	v3 =	vadd.f32 v21, v3;
	v10 =	vld [tilespmem:s6+$0x80]  }
0x9e: {  	v14 =	vadd.f32 v14, v8;
	v15 =	vadd.f32 v15, v12;
	v11 =	vld [tilespmem:s6+$0x100]  }
0x9f: {  	v5 =	vadd.f32 v16, v5;
	v3 =	vadd.f32 v17, v3;
	v12 =	vld [tilespmem:s6+$0x180]  }
0xa0: {  	v13 =	vld [tilespmem:s6+$0x200]  }
0xa1: {  	v14 =	vadd.f32 v15, v14;
	v15 =	vadd.f32 v3, v5;
	v8 =	vld [tilespmem:s6+$0x280]  }
0xa2: {  	v5 =	vld [tilespmem:s6+$0x300]  }
0xa3: {  	v16 =	vadd.f32 v15, v14;
	v3 =	vld [tilespmem:s6+$0x380]  }
0xa4: {  	v14 =	vld.idx.msk [tilespmem:v23+s5+$0x0], $0xffff  }
0xa5: {  	v18 =	vadd.f32 $-2.516582400e+08, v16;
	v15 =	vld.idx.msk [tilespmem:v24+s5+$0x0], $0xffff  }
0xa6: {  	v16 =	vld.idx.msk [tilespmem:v25+s5+$0x0], $0xffff  }
0xa7: {  	v20 =	vmul.f32 v18, v1;
	v17 =	vld.idx.msk [tilespmem:v27+s5+$0x0], $0xffff  }
.Ltmp5:
0xa8: {  	v18 =	vld.idx.msk [tilespmem:v29+s5+$0x0], $0xffff;
	(pc) =	sbr.rel @p0 .LBB2_4-.Ltmp5, $4  }
0xa9: {  	v22 =	vadd.f32 v20, v0;
	v19 =	vld.idx.msk [tilespmem:v30+s5+$0x0], $0xffff  }
0xaa: {  	s2 =	sadd.s32 $0x10, s2;
	v20 =	vld.idx.msk [tilespmem:v31+s5+$0x0], $0xffff  }
0xab: {  	v21 =	vld.idx.msk [tilespmem:v32+s5+$0x0], $0xffff;
	[tilespmem:s2+$0x0] =	vst v22  }
0xac: {  	s4 =	sadd.s32 $0x10, s4;
	v22 =	vld.idx.msk [tilespmem:v33+s5+$0x0], $0xffff  }
0xad: {  	_ =	sdelay $0x3  }
0xae: {  	v4 =	vld.idx.msk [tilespmem:v4+s5+$0x0], $0xffff  }
0xaf: {  	v6 =	vld.idx.msk [tilespmem:v6+s5+$0x0], $0xffff  }
0xb0: {  	v7 =	vld.idx.msk [tilespmem:v7+s5+$0x0], $0xffff  }
0xb1: {  	v14 =	vmul.f32 v14, v2;
	v15 =	vmul.f32 v15, v2;
	v9 =	vld.idx.msk [tilespmem:v9+s5+$0x0], $0xffff  }
0xb2: {  	v16 =	vmul.f32 v16, v2;
	v17 =	vmul.f32 v17, v2;
	v10 =	vld.idx.msk [tilespmem:v10+s5+$0x0], $0xffff  }
0xb3: {  	v18 =	vmul.f32 v18, v2;
	v11 =	vld.idx.msk [tilespmem:v11+s5+$0x0], $0xffff;
	v19 =	vmul.f32 v19, v2  }
0xb4: {  	v12 =	vld.idx.msk [tilespmem:v12+s5+$0x0], $0xffff;
	v20 =	vmul.f32 v20, v2;
	v14 =	vadd.f32 $1.258291200e+07, v14;
	v15 =	vadd.f32 $1.258291200e+07, v15  }
0xb5: {  	v13 =	vld.idx.msk [tilespmem:v13+s5+$0x0], $0xffff;
	v16 =	vadd.f32 $1.258291200e+07, v16;
	v17 =	vadd.f32 $1.258291200e+07, v17;
	v21 =	vmul.f32 v21, v2  }
0xb6: {  	v8 =	vld.idx.msk [tilespmem:v8+s5+$0x0], $0xffff;
	v18 =	vadd.f32 $1.258291200e+07, v18;
	v22 =	vmul.f32 v22, v2;
	v4 =	vmul.f32 v4, v2  }
0xb7: {  	v5 =	vld.idx.msk [tilespmem:v5+s5+$0x0], $0xffff;
	v19 =	vadd.f32 $1.258291200e+07, v19;
	v6 =	vmul.f32 v6, v2;
	v7 =	vmul.f32 v7, v2  }
0xb8: {  	v3 =	vld.idx.msk [tilespmem:v3+s5+$0x0], $0xffff;
	v20 =	vadd.f32 $1.258291200e+07, v20;
	v9 =	vmul.f32 v9, v2;
	v10 =	vmul.f32 v10, v2  }
0xb9: {  	v11 =	vmul.f32 v11, v2;
	v12 =	vmul.f32 v12, v2;
	v21 =	vadd.f32 $1.258291200e+07, v21  }
0xba: {  	v13 =	vmul.f32 v13, v2;
	v22 =	vadd.f32 $1.258291200e+07, v22;
	v4 =	vadd.f32 $1.258291200e+07, v4  }
0xbb: {  	v8 =	vmul.f32 v8, v2;
	v6 =	vadd.f32 $1.258291200e+07, v6;
	v7 =	vadd.f32 $1.258291200e+07, v7  }
0xbc: {  	v5 =	vmul.f32 v5, v2;
	v9 =	vadd.f32 $1.258291200e+07, v9;
	v10 =	vadd.f32 $1.258291200e+07, v10  }
0xbd: {  	v3 =	vmul.f32 v3, v2;
	v11 =	vadd.f32 $1.258291200e+07, v11;
	v12 =	vadd.f32 $1.258291200e+07, v12  }
0xbe: {  	v13 =	vadd.f32 $1.258291200e+07, v13;
	v8 =	vadd.f32 $1.258291200e+07, v8  }
0xbf: {  	v5 =	vadd.f32 $1.258291200e+07, v5;
	v3 =	vadd.f32 $1.258291200e+07, v3  }
0xc0: {  	v9 =	vadd.f32 v13, v9;
	v8 =	vadd.f32 v8, v10  }
0xc1: {  	v5 =	vadd.f32 v5, v11;
	v3 =	vadd.f32 v3, v12  }
0xc2: {  	v9 =	vadd.f32 v22, v9;
	v4 =	vadd.f32 v4, v8  }
0xc3: {  	v5 =	vadd.f32 v6, v5;
	v3 =	vadd.f32 v7, v3  }
0xc4: {  	v6 =	vadd.f32 v18, v9;
	v4 =	vadd.f32 v19, v4  }
0xc5: {  	v5 =	vadd.f32 v20, v5;
	v3 =	vadd.f32 v21, v3  }
0xc6: {  	v6 =	vadd.f32 v14, v6;
	v4 =	vadd.f32 v15, v4  }
0xc7: {  	v5 =	vadd.f32 v16, v5;
	v3 =	vadd.f32 v17, v3;
	_ =	sdelay $0x1  }
0xc8: {  	v4 =	vadd.f32 v4, v6;
	v3 =	vadd.f32 v3, v5;
	_ =	sdelay $0x1  }
0xc9: {  	v3 =	vadd.f32 v3, v4;
	_ =	sdelay $0x1  }
0xca: {  	v3 =	vadd.f32 $-2.516582400e+08, v3;
	_ =	sdelay $0x1  }
0xcb: {  	v3 =	vmul.f32 v3, v1;
	_ =	sdelay $0x1  }
0xcc: {  	v3 =	vadd.f32 v3, v0  }
0xcd: {  	s1 =	sadd.s32 $0x10, s2  }
0xce: {  	[tilespmem:s1+$0x0] =	vst v3  }
0xcf: {  	s3 =	simm.s32 $0x0;
	_ =	swait.ge [sflag:s0], $0x3000  }
0xd0: {  	s2 =	sand.u32 $0x70, s3;
	s4 =	sand.u32 $0xC00, s3;
	[sflag:s0] =	ssyncset.done $0x0  }
0xd1: {  	s1 =	sor.u32 s2, s4;
	[sflag:s0] =	ssyncadd.s32 $0xFFFFD000  }
0xd2: {  	[tilespmem:s28], [sflag:$0x2] =	stream.strided.gather [hbm4b:s12+s25], $0x3000, s26, s25, $0x38;
	[tilespmem:$0x1FE80] =	vst v63  }
0xd3: {  	v14 =	vld [tilespmem:s1+$0x1D700]  }
0xd4: {  	v15 =	vld [tilespmem:s1+$0x1D780]  }
0xd5: {  	v16 =	vld [tilespmem:s1+$0x1D800]  }
0xd6: {  	v17 =	vld [tilespmem:s1+$0x1D880]  }
0xd7: {  	v20 =	vld [tilespmem:s1+$0x1C900]  }
0xd8: {  	v21 =	vld [tilespmem:s1+$0x1C980]  }
0xd9: {  	v22 =	vld [tilespmem:s1+$0x1CA00]  }
0xda: {  	v23 =	vld [tilespmem:s1+$0x1CA80]  }
0xdb: {  	v24 =	vld [tilespmem:s1+$0x1C700]  }
0xdc: {  	v6 =	vld [tilespmem:s1+$0x1C780]  }
0xdd: {  	v7 =	vld [tilespmem:s1+$0x1C800]  }
0xde: {  	s6 =	sor.u32 s3, s3;
	v10 =	vld [tilespmem:s1+$0x1C880]  }
0xdf: {  	s2 =	sor.u32 $0x380, s6;
	v11 =	vld [tilespmem:s1+$0x1B700]  }
0xe0: {  	s1 =	sadd.s32 $0x1B700, s1;
	v13 =	vld [tilespmem:s2+$0x1B700]  }
0xe1: {  	v12 =	vld [tilespmem:s1+$0x80]  }
0xe2: {  	v9 =	vld [tilespmem:s1+$0x100]  }
0xe3: {  	v8 =	vld [tilespmem:s1+$0x180]  }
0xe4: {  	v5 =	vld [tilespmem:s1+$0x200]  }
0xe5: {  	v4 =	vld [tilespmem:s1+$0x280]  }
0xe6: {  	v3 =	vld [tilespmem:s1+$0x300]  }
0xe7: {  	v14 =	vld.idx.msk [tilespmem:v14+s5+$0x0], $0xffff  }
0xe8: {  	v18 =	vld.idx.msk [tilespmem:v15+s5+$0x0], $0xffff  }
0xe9: {  	v15 =	vld.idx.msk [tilespmem:v16+s5+$0x0], $0xffff  }
0xea: {  	v19 =	vld.idx.msk [tilespmem:v17+s5+$0x0], $0xffff  }
0xeb: {  	v16 =	vld.idx.msk [tilespmem:v20+s5+$0x0], $0xffff  }
0xec: {  	v20 =	vld.idx.msk [tilespmem:v21+s5+$0x0], $0xffff  }
0xed: {  	v17 =	vld.idx.msk [tilespmem:v22+s5+$0x0], $0xffff  }
0xee: {  	v22 =	vld.idx.msk [tilespmem:v23+s5+$0x0], $0xffff  }
0xef: {  	s4 =	simm.s32 $0x10;
	s2 =	simm.s32 $0x0;
	v21 =	vld.idx.msk [tilespmem:v24+s5+$0x0], $0xffff  }
.LBB2_6:
0xf0: {  	p0 =	sne.s32 s4, $0x1F0;
	v6 =	vld.idx.msk [tilespmem:v6+s5+$0x0], $0xffff  }
0xf1: {  	v7 =	vld.idx.msk [tilespmem:v7+s5+$0x0], $0xffff  }
0xf2: {  	v10 =	vld.idx.msk [tilespmem:v10+s5+$0x0], $0xffff  }
0xf3: {  	v14 =	vmul.f32 v14, v2;
	v18 =	vmul.f32 v18, v2;
	v11 =	vld.idx.msk [tilespmem:v11+s5+$0x0], $0xffff  }
0xf4: {  	v15 =	vmul.f32 v15, v2;
	v19 =	vmul.f32 v19, v2;
	v13 =	vld.idx.msk [tilespmem:v13+s5+$0x0], $0xffff  }
0xf5: {  	v16 =	vmul.f32 v16, v2;
	v20 =	vmul.f32 v20, v2;
	v12 =	vld.idx.msk [tilespmem:v12+s5+$0x0], $0xffff  }
0xf6: {  	v17 =	vmul.f32 v17, v2;
	v22 =	vmul.f32 v22, v2;
	v9 =	vld.idx.msk [tilespmem:v9+s5+$0x0], $0xffff  }
0xf7: {  	v21 =	vmul.f32 v21, v2;
	v6 =	vmul.f32 v6, v2;
	v8 =	vld.idx.msk [tilespmem:v8+s5+$0x0], $0xffff  }
0xf8: {  	s3 =	sadd.s32 $0x80, s3;
	v7 =	vmul.f32 v7, v2;
	v10 =	vmul.f32 v10, v2;
	v5 =	vld.idx.msk [tilespmem:v5+s5+$0x0], $0xffff  }
0xf9: {  	s1 =	sand.u32 $0x70, s4;
	s6 =	sand.u32 $0xC00, s3;
	v14 =	vadd.f32 $1.258291200e+07, v14;
	v18 =	vadd.f32 $1.258291200e+07, v18;
	v11 =	vmul.f32 v11, v2;
	v4 =	vld.idx.msk [tilespmem:v4+s5+$0x0], $0xffff  }
0xfa: {  	s1 =	sor.u32 s1, s6;
	v15 =	vadd.f32 $1.258291200e+07, v15;
	v19 =	vadd.f32 $1.258291200e+07, v19;
	v13 =	vmul.f32 v13, v2;
	v3 =	vld.idx.msk [tilespmem:v3+s5+$0x0], $0xffff  }
0xfb: {  	v16 =	vadd.f32 $1.258291200e+07, v16;
	v20 =	vadd.f32 $1.258291200e+07, v20;
	v12 =	vmul.f32 v12, v2;
	v23 =	vld [tilespmem:s1+$0x1D700]  }
0xfc: {  	v17 =	vadd.f32 $1.258291200e+07, v17;
	v22 =	vadd.f32 $1.258291200e+07, v22;
	v9 =	vmul.f32 v9, v2;
	v24 =	vld [tilespmem:s1+$0x1D780]  }
0xfd: {  	v21 =	vadd.f32 $1.258291200e+07, v21;
	v26 =	vadd.f32 $1.258291200e+07, v6;
	v8 =	vmul.f32 v8, v2;
	v25 =	vld [tilespmem:s1+$0x1D800]  }
0xfe: {  	v28 =	vadd.f32 $1.258291200e+07, v7;
	v29 =	vadd.f32 $1.258291200e+07, v10;
	v5 =	vmul.f32 v5, v2;
	v27 =	vld [tilespmem:s1+$0x1D880]  }
0xff: {  	v6 =	vadd.f32 $1.258291200e+07, v11;
	v7 =	vadd.f32 $1.258291200e+07, v13;
	v4 =	vmul.f32 v4, v2;
	v30 =	vld [tilespmem:s1+$0x1C900]  }
0x100: {  	v10 =	vadd.f32 $1.258291200e+07, v12;
	v9 =	vadd.f32 $1.258291200e+07, v9;
	v3 =	vmul.f32 v3, v2;
	v31 =	vld [tilespmem:s1+$0x1C980]  }
0x101: {  	v5 =	vadd.f32 $1.258291200e+07, v5;
	v4 =	vadd.f32 $1.258291200e+07, v4;
	v32 =	vld [tilespmem:s1+$0x1CA00]  }
0x102: {  	v8 =	vadd.f32 $1.258291200e+07, v8;
	v3 =	vadd.f32 $1.258291200e+07, v3;
	v33 =	vld [tilespmem:s1+$0x1CA80]  }
0x103: {  	v5 =	vadd.f32 v5, v6;
	v4 =	vadd.f32 v4, v10;
	v34 =	vld [tilespmem:s1+$0x1C700]  }
0x104: {  	v8 =	vadd.f32 v7, v8;
	v3 =	vadd.f32 v3, v9;
	v6 =	vld [tilespmem:s1+$0x1C780]  }
0x105: {  	v5 =	vadd.f32 v21, v5;
	v4 =	vadd.f32 v26, v4;
	v7 =	vld [tilespmem:s1+$0x1C800]  }
0x106: {  	s6 =	sor.u32 s3, s4;
	v8 =	vadd.f32 v29, v8;
	v3 =	vadd.f32 v28, v3;
	v10 =	vld [tilespmem:s1+$0x1C880]  }
0x107: {  	s6 =	sor.u32 $0x380, s6;
	v5 =	vadd.f32 v16, v5;
	v4 =	vadd.f32 v20, v4;
	v11 =	vld [tilespmem:s1+$0x1B700]  }
0x108: {  	v8 =	vadd.f32 v22, v8;
	s1 =	sadd.s32 $0x1B700, s1;
	v3 =	vadd.f32 v17, v3;
	v13 =	vld [tilespmem:s6+$0x1B700]  }
0x109: {  	v14 =	vadd.f32 v14, v5;
	v4 =	vadd.f32 v18, v4;
	v12 =	vld [tilespmem:s1+$0x80]  }
0x10a: {  	v3 =	vadd.f32 v15, v3;
	v15 =	vadd.f32 v19, v8;
	v9 =	vld [tilespmem:s1+$0x100]  }
0x10b: {  	v8 =	vld [tilespmem:s1+$0x180]  }
0x10c: {  	v14 =	vadd.f32 v4, v14;
	v15 =	vadd.f32 v15, v3;
	v5 =	vld [tilespmem:s1+$0x200]  }
0x10d: {  	v4 =	vld [tilespmem:s1+$0x280]  }
0x10e: {  	v15 =	vadd.f32 v15, v14;
	v3 =	vld [tilespmem:s1+$0x300]  }
0x10f: {  	v14 =	vld.idx.msk [tilespmem:v23+s5+$0x0], $0xffff  }
0x110: {  	v16 =	vadd.f32 $-2.516582400e+08, v15;
	v18 =	vld.idx.msk [tilespmem:v24+s5+$0x0], $0xffff  }
0x111: {  	v15 =	vld.idx.msk [tilespmem:v25+s5+$0x0], $0xffff  }
0x112: {  	v17 =	vmul.f32 v16, v1;
	v19 =	vld.idx.msk [tilespmem:v27+s5+$0x0], $0xffff  }
.Ltmp6:
0x113: {  	v16 =	vld.idx.msk [tilespmem:v30+s5+$0x0], $0xffff;
	(pc) =	sbr.rel @p0 .LBB2_6-.Ltmp6, $4  }
0x114: {  	v21 =	vadd.f32 v17, v0;
	v20 =	vld.idx.msk [tilespmem:v31+s5+$0x0], $0xffff  }
0x115: {  	s1 =	sand.u32 $0x1F0, s2;
	s2 =	smov.u32 s4;
	v17 =	vld.idx.msk [tilespmem:v32+s5+$0x0], $0xffff  }
0x116: {  	v22 =	vld.idx.msk [tilespmem:v33+s5+$0x0], $0xffff;
	[tilespmem:s1+$0x1E900] =	vst v21  }
0x117: {  	s4 =	sadd.s32 $0x10, s4;
	v21 =	vld.idx.msk [tilespmem:v34+s5+$0x0], $0xffff  }
0x118: {  	_ =	sdelay $0x3  }
0x119: {  	v6 =	vld.idx.msk [tilespmem:v6+s5+$0x0], $0xffff  }
0x11a: {  	v7 =	vld.idx.msk [tilespmem:v7+s5+$0x0], $0xffff  }
0x11b: {  	v10 =	vld.idx.msk [tilespmem:v10+s5+$0x0], $0xffff  }
0x11c: {  	v14 =	vmul.f32 v14, v2;
	v18 =	vmul.f32 v18, v2;
	v11 =	vld.idx.msk [tilespmem:v11+s5+$0x0], $0xffff  }
0x11d: {  	v15 =	vmul.f32 v15, v2;
	v19 =	vmul.f32 v19, v2;
	v13 =	vld.idx.msk [tilespmem:v13+s5+$0x0], $0xffff  }
0x11e: {  	v16 =	vmul.f32 v16, v2;
	v12 =	vld.idx.msk [tilespmem:v12+s5+$0x0], $0xffff;
	v20 =	vmul.f32 v20, v2  }
0x11f: {  	v9 =	vld.idx.msk [tilespmem:v9+s5+$0x0], $0xffff;
	v17 =	vmul.f32 v17, v2;
	v14 =	vadd.f32 $1.258291200e+07, v14;
	v18 =	vadd.f32 $1.258291200e+07, v18  }
0x120: {  	v8 =	vld.idx.msk [tilespmem:v8+s5+$0x0], $0xffff;
	v15 =	vadd.f32 $1.258291200e+07, v15;
	v19 =	vadd.f32 $1.258291200e+07, v19;
	v22 =	vmul.f32 v22, v2  }
0x121: {  	v5 =	vld.idx.msk [tilespmem:v5+s5+$0x0], $0xffff;
	v16 =	vadd.f32 $1.258291200e+07, v16;
	v21 =	vmul.f32 v21, v2;
	v6 =	vmul.f32 v6, v2  }
0x122: {  	v4 =	vld.idx.msk [tilespmem:v4+s5+$0x0], $0xffff;
	v20 =	vadd.f32 $1.258291200e+07, v20;
	v7 =	vmul.f32 v7, v2;
	v10 =	vmul.f32 v10, v2  }
0x123: {  	v3 =	vld.idx.msk [tilespmem:v3+s5+$0x0], $0xffff;
	v17 =	vadd.f32 $1.258291200e+07, v17;
	v11 =	vmul.f32 v11, v2;
	v13 =	vmul.f32 v13, v2  }
0x124: {  	v12 =	vmul.f32 v12, v2;
	v9 =	vmul.f32 v9, v2;
	v22 =	vadd.f32 $1.258291200e+07, v22  }
0x125: {  	v8 =	vmul.f32 v8, v2;
	v21 =	vadd.f32 $1.258291200e+07, v21;
	v6 =	vadd.f32 $1.258291200e+07, v6  }
0x126: {  	v5 =	vmul.f32 v5, v2;
	v7 =	vadd.f32 $1.258291200e+07, v7;
	v10 =	vadd.f32 $1.258291200e+07, v10  }
0x127: {  	v4 =	vmul.f32 v4, v2;
	v11 =	vadd.f32 $1.258291200e+07, v11;
	v13 =	vadd.f32 $1.258291200e+07, v13  }
0x128: {  	v3 =	vmul.f32 v3, v2;
	v12 =	vadd.f32 $1.258291200e+07, v12;
	v9 =	vadd.f32 $1.258291200e+07, v9  }
0x129: {  	v5 =	vadd.f32 $1.258291200e+07, v5;
	v4 =	vadd.f32 $1.258291200e+07, v4  }
0x12a: {  	v8 =	vadd.f32 $1.258291200e+07, v8;
	v3 =	vadd.f32 $1.258291200e+07, v3  }
0x12b: {  	v5 =	vadd.f32 v5, v11;
	v4 =	vadd.f32 v4, v12  }
0x12c: {  	v3 =	vadd.f32 v3, v9;
	v8 =	vadd.f32 v13, v8  }
0x12d: {  	v5 =	vadd.f32 v21, v5;
	v4 =	vadd.f32 v6, v4  }
0x12e: {  	v3 =	vadd.f32 v7, v3;
	v6 =	vadd.f32 v10, v8  }
0x12f: {  	v5 =	vadd.f32 v16, v5;
	v4 =	vadd.f32 v20, v4  }
0x130: {  	v3 =	vadd.f32 v17, v3;
	v6 =	vadd.f32 v22, v6  }
0x131: {  	v5 =	vadd.f32 v14, v5;
	v4 =	vadd.f32 v18, v4  }
0x132: {  	v3 =	vadd.f32 v15, v3;
	v6 =	vadd.f32 v19, v6;
	_ =	sdelay $0x1  }
0x133: {  	v4 =	vadd.f32 v4, v5;
	v3 =	vadd.f32 v6, v3;
	_ =	sdelay $0x1  }
0x134: {  	v3 =	vadd.f32 v3, v4;
	_ =	sdelay $0x1  }
0x135: {  	v3 =	vadd.f32 $-2.516582400e+08, v3;
	_ =	sdelay $0x1  }
0x136: {  	v3 =	vmul.f32 v3, v1;
	_ =	sdelay $0x1  }
0x137: {  	v3 =	vadd.f32 v3, v0  }
0x138: {  	s1 =	sand.u32 $0x1F0, s2  }
0x139: {  	[tilespmem:s1+$0x1E900] =	vst v3  }
0x13a: {  	s3 =	simm.s32 $0x0;
	_ =	swait.ge [sflag:s30], $0x3000  }
0x13b: {  	s2 =	sand.u32 $0x70, s3;
	s4 =	sand.u32 $0xC00, s3;
	[sflag:s30] =	ssyncset.done $0x0  }
0x13c: {  	s1 =	sor.u32 s2, s4;
	[sflag:s30] =	ssyncadd.s32 $0xFFFFD000  }
0x13d: {  	[tilespmem:s31], [sflag:$0x3] =	stream.strided.gather [hbm4b:s13+s25], $0x3000, s26, s25, $0x38;
	[tilespmem:$0x1FE80] =	vst v63  }
0x13e: {  	v14 =	vld [tilespmem:s1+$0x1A700]  }
0x13f: {  	v15 =	vld [tilespmem:s1+$0x1A780]  }
0x140: {  	v16 =	vld [tilespmem:s1+$0x1A800]  }
0x141: {  	v17 =	vld [tilespmem:s1+$0x1A880]  }
0x142: {  	v20 =	vld [tilespmem:s1+$0x19900]  }
0x143: {  	v21 =	vld [tilespmem:s1+$0x19980]  }
0x144: {  	v22 =	vld [tilespmem:s1+$0x19A00]  }
0x145: {  	v23 =	vld [tilespmem:s1+$0x19A80]  }
0x146: {  	v24 =	vld [tilespmem:s1+$0x19700]  }
0x147: {  	v6 =	vld [tilespmem:s1+$0x19780]  }
0x148: {  	v7 =	vld [tilespmem:s1+$0x19800]  }
0x149: {  	s6 =	sor.u32 s3, s3;
	v10 =	vld [tilespmem:s1+$0x19880]  }
0x14a: {  	s2 =	sor.u32 $0x380, s6;
	v11 =	vld [tilespmem:s1+$0x18700]  }
0x14b: {  	s1 =	sadd.s32 $0x18700, s1;
	v13 =	vld [tilespmem:s2+$0x18700]  }
0x14c: {  	v12 =	vld [tilespmem:s1+$0x80]  }
0x14d: {  	v9 =	vld [tilespmem:s1+$0x100]  }
0x14e: {  	v8 =	vld [tilespmem:s1+$0x180]  }
0x14f: {  	v5 =	vld [tilespmem:s1+$0x200]  }
0x150: {  	v4 =	vld [tilespmem:s1+$0x280]  }
0x151: {  	v3 =	vld [tilespmem:s1+$0x300]  }
0x152: {  	v14 =	vld.idx.msk [tilespmem:v14+s5+$0x0], $0xffff  }
0x153: {  	v18 =	vld.idx.msk [tilespmem:v15+s5+$0x0], $0xffff  }
0x154: {  	v15 =	vld.idx.msk [tilespmem:v16+s5+$0x0], $0xffff  }
0x155: {  	v19 =	vld.idx.msk [tilespmem:v17+s5+$0x0], $0xffff  }
0x156: {  	v16 =	vld.idx.msk [tilespmem:v20+s5+$0x0], $0xffff  }
0x157: {  	v20 =	vld.idx.msk [tilespmem:v21+s5+$0x0], $0xffff  }
0x158: {  	v17 =	vld.idx.msk [tilespmem:v22+s5+$0x0], $0xffff  }
0x159: {  	v22 =	vld.idx.msk [tilespmem:v23+s5+$0x0], $0xffff  }
0x15a: {  	s4 =	simm.s32 $0x10;
	s2 =	simm.s32 $0x0;
	v21 =	vld.idx.msk [tilespmem:v24+s5+$0x0], $0xffff  }
.LBB2_8:
0x15b: {  	p0 =	sne.s32 s4, $0x1F0;
	v6 =	vld.idx.msk [tilespmem:v6+s5+$0x0], $0xffff  }
0x15c: {  	v7 =	vld.idx.msk [tilespmem:v7+s5+$0x0], $0xffff  }
0x15d: {  	v10 =	vld.idx.msk [tilespmem:v10+s5+$0x0], $0xffff  }
0x15e: {  	v14 =	vmul.f32 v14, v2;
	v18 =	vmul.f32 v18, v2;
	v11 =	vld.idx.msk [tilespmem:v11+s5+$0x0], $0xffff  }
0x15f: {  	v15 =	vmul.f32 v15, v2;
	v19 =	vmul.f32 v19, v2;
	v13 =	vld.idx.msk [tilespmem:v13+s5+$0x0], $0xffff  }
0x160: {  	v16 =	vmul.f32 v16, v2;
	v20 =	vmul.f32 v20, v2;
	v12 =	vld.idx.msk [tilespmem:v12+s5+$0x0], $0xffff  }
0x161: {  	v17 =	vmul.f32 v17, v2;
	v22 =	vmul.f32 v22, v2;
	v9 =	vld.idx.msk [tilespmem:v9+s5+$0x0], $0xffff  }
0x162: {  	v21 =	vmul.f32 v21, v2;
	v6 =	vmul.f32 v6, v2;
	v8 =	vld.idx.msk [tilespmem:v8+s5+$0x0], $0xffff  }
0x163: {  	s3 =	sadd.s32 $0x80, s3;
	v7 =	vmul.f32 v7, v2;
	v10 =	vmul.f32 v10, v2;
	v5 =	vld.idx.msk [tilespmem:v5+s5+$0x0], $0xffff  }
0x164: {  	s1 =	sand.u32 $0x70, s4;
	s6 =	sand.u32 $0xC00, s3;
	v14 =	vadd.f32 $1.258291200e+07, v14;
	v18 =	vadd.f32 $1.258291200e+07, v18;
	v11 =	vmul.f32 v11, v2;
	v4 =	vld.idx.msk [tilespmem:v4+s5+$0x0], $0xffff  }
0x165: {  	s1 =	sor.u32 s1, s6;
	v15 =	vadd.f32 $1.258291200e+07, v15;
	v19 =	vadd.f32 $1.258291200e+07, v19;
	v13 =	vmul.f32 v13, v2;
	v3 =	vld.idx.msk [tilespmem:v3+s5+$0x0], $0xffff  }
0x166: {  	v16 =	vadd.f32 $1.258291200e+07, v16;
	v20 =	vadd.f32 $1.258291200e+07, v20;
	v12 =	vmul.f32 v12, v2;
	v23 =	vld [tilespmem:s1+$0x1A700]  }
0x167: {  	v17 =	vadd.f32 $1.258291200e+07, v17;
	v22 =	vadd.f32 $1.258291200e+07, v22;
	v9 =	vmul.f32 v9, v2;
	v24 =	vld [tilespmem:s1+$0x1A780]  }
0x168: {  	v21 =	vadd.f32 $1.258291200e+07, v21;
	v26 =	vadd.f32 $1.258291200e+07, v6;
	v8 =	vmul.f32 v8, v2;
	v25 =	vld [tilespmem:s1+$0x1A800]  }
0x169: {  	v28 =	vadd.f32 $1.258291200e+07, v7;
	v29 =	vadd.f32 $1.258291200e+07, v10;
	v5 =	vmul.f32 v5, v2;
	v27 =	vld [tilespmem:s1+$0x1A880]  }
0x16a: {  	v6 =	vadd.f32 $1.258291200e+07, v11;
	v7 =	vadd.f32 $1.258291200e+07, v13;
	v4 =	vmul.f32 v4, v2;
	v30 =	vld [tilespmem:s1+$0x19900]  }
0x16b: {  	v10 =	vadd.f32 $1.258291200e+07, v12;
	v9 =	vadd.f32 $1.258291200e+07, v9;
	v3 =	vmul.f32 v3, v2;
	v31 =	vld [tilespmem:s1+$0x19980]  }
0x16c: {  	v5 =	vadd.f32 $1.258291200e+07, v5;
	v4 =	vadd.f32 $1.258291200e+07, v4;
	v32 =	vld [tilespmem:s1+$0x19A00]  }
0x16d: {  	v8 =	vadd.f32 $1.258291200e+07, v8;
	v3 =	vadd.f32 $1.258291200e+07, v3;
	v33 =	vld [tilespmem:s1+$0x19A80]  }
0x16e: {  	v5 =	vadd.f32 v5, v6;
	v4 =	vadd.f32 v4, v10;
	v34 =	vld [tilespmem:s1+$0x19700]  }
0x16f: {  	v8 =	vadd.f32 v7, v8;
	v3 =	vadd.f32 v3, v9;
	v6 =	vld [tilespmem:s1+$0x19780]  }
0x170: {  	v5 =	vadd.f32 v21, v5;
	v4 =	vadd.f32 v26, v4;
	v7 =	vld [tilespmem:s1+$0x19800]  }
0x171: {  	s6 =	sor.u32 s3, s4;
	v8 =	vadd.f32 v29, v8;
	v3 =	vadd.f32 v28, v3;
	v10 =	vld [tilespmem:s1+$0x19880]  }
0x172: {  	s6 =	sor.u32 $0x380, s6;
	v5 =	vadd.f32 v16, v5;
	v4 =	vadd.f32 v20, v4;
	v11 =	vld [tilespmem:s1+$0x18700]  }
0x173: {  	v8 =	vadd.f32 v22, v8;
	s1 =	sadd.s32 $0x18700, s1;
	v3 =	vadd.f32 v17, v3;
	v13 =	vld [tilespmem:s6+$0x18700]  }
0x174: {  	v14 =	vadd.f32 v14, v5;
	v4 =	vadd.f32 v18, v4;
	v12 =	vld [tilespmem:s1+$0x80]  }
0x175: {  	v3 =	vadd.f32 v15, v3;
	v15 =	vadd.f32 v19, v8;
	v9 =	vld [tilespmem:s1+$0x100]  }
0x176: {  	v8 =	vld [tilespmem:s1+$0x180]  }
0x177: {  	v14 =	vadd.f32 v4, v14;
	v15 =	vadd.f32 v15, v3;
	v5 =	vld [tilespmem:s1+$0x200]  }
0x178: {  	v4 =	vld [tilespmem:s1+$0x280]  }
0x179: {  	v15 =	vadd.f32 v15, v14;
	v3 =	vld [tilespmem:s1+$0x300]  }
0x17a: {  	v14 =	vld.idx.msk [tilespmem:v23+s5+$0x0], $0xffff  }
0x17b: {  	v16 =	vadd.f32 $-2.516582400e+08, v15;
	v18 =	vld.idx.msk [tilespmem:v24+s5+$0x0], $0xffff  }
0x17c: {  	v15 =	vld.idx.msk [tilespmem:v25+s5+$0x0], $0xffff  }
0x17d: {  	v17 =	vmul.f32 v16, v1;
	v19 =	vld.idx.msk [tilespmem:v27+s5+$0x0], $0xffff  }
.Ltmp7:
0x17e: {  	v16 =	vld.idx.msk [tilespmem:v30+s5+$0x0], $0xffff;
	(pc) =	sbr.rel @p0 .LBB2_8-.Ltmp7, $4  }
0x17f: {  	v21 =	vadd.f32 v17, v0;
	v20 =	vld.idx.msk [tilespmem:v31+s5+$0x0], $0xffff  }
0x180: {  	s1 =	sand.u32 $0x1F0, s2;
	s2 =	smov.u32 s4;
	v17 =	vld.idx.msk [tilespmem:v32+s5+$0x0], $0xffff  }
0x181: {  	v22 =	vld.idx.msk [tilespmem:v33+s5+$0x0], $0xffff;
	[tilespmem:s1+$0x1EB00] =	vst v21  }
0x182: {  	s4 =	sadd.s32 $0x10, s4;
	v21 =	vld.idx.msk [tilespmem:v34+s5+$0x0], $0xffff  }
0x183: {  	_ =	sdelay $0x3  }
0x184: {  	v6 =	vld.idx.msk [tilespmem:v6+s5+$0x0], $0xffff  }
0x185: {  	v7 =	vld.idx.msk [tilespmem:v7+s5+$0x0], $0xffff  }
0x186: {  	v10 =	vld.idx.msk [tilespmem:v10+s5+$0x0], $0xffff  }
0x187: {  	v14 =	vmul.f32 v14, v2;
	v18 =	vmul.f32 v18, v2;
	v11 =	vld.idx.msk [tilespmem:v11+s5+$0x0], $0xffff  }
0x188: {  	v15 =	vmul.f32 v15, v2;
	v19 =	vmul.f32 v19, v2;
	v13 =	vld.idx.msk [tilespmem:v13+s5+$0x0], $0xffff  }
0x189: {  	v16 =	vmul.f32 v16, v2;
	v12 =	vld.idx.msk [tilespmem:v12+s5+$0x0], $0xffff;
	v20 =	vmul.f32 v20, v2  }
0x18a: {  	v9 =	vld.idx.msk [tilespmem:v9+s5+$0x0], $0xffff;
	v17 =	vmul.f32 v17, v2;
	v14 =	vadd.f32 $1.258291200e+07, v14;
	v18 =	vadd.f32 $1.258291200e+07, v18  }
0x18b: {  	v8 =	vld.idx.msk [tilespmem:v8+s5+$0x0], $0xffff;
	v15 =	vadd.f32 $1.258291200e+07, v15;
	v19 =	vadd.f32 $1.258291200e+07, v19;
	v22 =	vmul.f32 v22, v2  }
0x18c: {  	v5 =	vld.idx.msk [tilespmem:v5+s5+$0x0], $0xffff;
	v16 =	vadd.f32 $1.258291200e+07, v16;
	v21 =	vmul.f32 v21, v2;
	v6 =	vmul.f32 v6, v2  }
0x18d: {  	v4 =	vld.idx.msk [tilespmem:v4+s5+$0x0], $0xffff;
	v20 =	vadd.f32 $1.258291200e+07, v20;
	v7 =	vmul.f32 v7, v2;
	v10 =	vmul.f32 v10, v2  }
0x18e: {  	v3 =	vld.idx.msk [tilespmem:v3+s5+$0x0], $0xffff;
	v17 =	vadd.f32 $1.258291200e+07, v17;
	v11 =	vmul.f32 v11, v2;
	v13 =	vmul.f32 v13, v2  }
0x18f: {  	v12 =	vmul.f32 v12, v2;
	v9 =	vmul.f32 v9, v2;
	v22 =	vadd.f32 $1.258291200e+07, v22  }
0x190: {  	v8 =	vmul.f32 v8, v2;
	v21 =	vadd.f32 $1.258291200e+07, v21;
	v6 =	vadd.f32 $1.258291200e+07, v6  }
0x191: {  	v5 =	vmul.f32 v5, v2;
	v7 =	vadd.f32 $1.258291200e+07, v7;
	v10 =	vadd.f32 $1.258291200e+07, v10  }
0x192: {  	v4 =	vmul.f32 v4, v2;
	v11 =	vadd.f32 $1.258291200e+07, v11;
	v13 =	vadd.f32 $1.258291200e+07, v13  }
0x193: {  	v3 =	vmul.f32 v3, v2;
	v12 =	vadd.f32 $1.258291200e+07, v12;
	v9 =	vadd.f32 $1.258291200e+07, v9  }
0x194: {  	v5 =	vadd.f32 $1.258291200e+07, v5;
	v4 =	vadd.f32 $1.258291200e+07, v4  }
0x195: {  	v8 =	vadd.f32 $1.258291200e+07, v8;
	v3 =	vadd.f32 $1.258291200e+07, v3  }
0x196: {  	v5 =	vadd.f32 v5, v11;
	v4 =	vadd.f32 v4, v12  }
0x197: {  	v3 =	vadd.f32 v3, v9;
	v8 =	vadd.f32 v13, v8  }
0x198: {  	v5 =	vadd.f32 v21, v5;
	v4 =	vadd.f32 v6, v4  }
0x199: {  	v3 =	vadd.f32 v7, v3;
	v6 =	vadd.f32 v10, v8  }
0x19a: {  	v5 =	vadd.f32 v16, v5;
	v4 =	vadd.f32 v20, v4  }
0x19b: {  	v3 =	vadd.f32 v17, v3;
	v6 =	vadd.f32 v22, v6  }
0x19c: {  	v5 =	vadd.f32 v14, v5;
	v4 =	vadd.f32 v18, v4  }
0x19d: {  	v3 =	vadd.f32 v15, v3;
	v6 =	vadd.f32 v19, v6;
	_ =	sdelay $0x1  }
0x19e: {  	v4 =	vadd.f32 v4, v5;
	v3 =	vadd.f32 v6, v3;
	_ =	sdelay $0x1  }
0x19f: {  	v3 =	vadd.f32 v3, v4;
	_ =	sdelay $0x1  }
0x1a0: {  	v3 =	vadd.f32 $-2.516582400e+08, v3;
	_ =	sdelay $0x1  }
0x1a1: {  	v3 =	vmul.f32 v3, v1;
	_ =	sdelay $0x1  }
0x1a2: {  	v3 =	vadd.f32 v3, v0  }
0x1a3: {  	s1 =	sand.u32 $0x1F0, s2  }
0x1a4: {  	[tilespmem:s1+$0x1EB00] =	vst v3  }
0x1a5: {  	s3 =	simm.s32 $0x0;
	_ =	swait.ge [sflag:s0], $0x3000  }
0x1a6: {  	s2 =	sand.u32 $0x70, s3;
	s4 =	sand.u32 $0xC00, s3;
	[sflag:s0] =	ssyncset.done $0x0  }
0x1a7: {  	s1 =	sor.u32 s2, s4;
	[sflag:s0] =	ssyncadd.s32 $0xFFFFD000  }
0x1a8: {  	[tilespmem:s28], [sflag:$0x2] =	stream.strided.gather [hbm4b:s14+s25], $0x3000, s26, s25, $0x38;
	[tilespmem:$0x1FE80] =	vst v63  }
0x1a9: {  	v14 =	vld [tilespmem:s1+$0x1D700]  }
0x1aa: {  	v15 =	vld [tilespmem:s1+$0x1D780]  }
0x1ab: {  	v16 =	vld [tilespmem:s1+$0x1D800]  }
0x1ac: {  	v17 =	vld [tilespmem:s1+$0x1D880]  }
0x1ad: {  	v20 =	vld [tilespmem:s1+$0x1C900]  }
0x1ae: {  	v21 =	vld [tilespmem:s1+$0x1C980]  }
0x1af: {  	v22 =	vld [tilespmem:s1+$0x1CA00]  }
0x1b0: {  	v23 =	vld [tilespmem:s1+$0x1CA80]  }
0x1b1: {  	v24 =	vld [tilespmem:s1+$0x1C700]  }
0x1b2: {  	v6 =	vld [tilespmem:s1+$0x1C780]  }
0x1b3: {  	v7 =	vld [tilespmem:s1+$0x1C800]  }
0x1b4: {  	s6 =	sor.u32 s3, s3;
	v10 =	vld [tilespmem:s1+$0x1C880]  }
0x1b5: {  	s2 =	sor.u32 $0x380, s6;
	v11 =	vld [tilespmem:s1+$0x1B700]  }
0x1b6: {  	s1 =	sadd.s32 $0x1B700, s1;
	v13 =	vld [tilespmem:s2+$0x1B700]  }
0x1b7: {  	v12 =	vld [tilespmem:s1+$0x80]  }
0x1b8: {  	v9 =	vld [tilespmem:s1+$0x100]  }
0x1b9: {  	v8 =	vld [tilespmem:s1+$0x180]  }
0x1ba: {  	v5 =	vld [tilespmem:s1+$0x200]  }
0x1bb: {  	v4 =	vld [tilespmem:s1+$0x280]  }
0x1bc: {  	v3 =	vld [tilespmem:s1+$0x300]  }
0x1bd: {  	v14 =	vld.idx.msk [tilespmem:v14+s5+$0x0], $0xffff  }
0x1be: {  	v18 =	vld.idx.msk [tilespmem:v15+s5+$0x0], $0xffff  }
0x1bf: {  	v15 =	vld.idx.msk [tilespmem:v16+s5+$0x0], $0xffff  }
0x1c0: {  	v19 =	vld.idx.msk [tilespmem:v17+s5+$0x0], $0xffff  }
0x1c1: {  	v16 =	vld.idx.msk [tilespmem:v20+s5+$0x0], $0xffff  }
0x1c2: {  	v20 =	vld.idx.msk [tilespmem:v21+s5+$0x0], $0xffff  }
0x1c3: {  	v17 =	vld.idx.msk [tilespmem:v22+s5+$0x0], $0xffff  }
0x1c4: {  	v22 =	vld.idx.msk [tilespmem:v23+s5+$0x0], $0xffff  }
0x1c5: {  	s4 =	simm.s32 $0x10;
	s2 =	simm.s32 $0x0;
	v21 =	vld.idx.msk [tilespmem:v24+s5+$0x0], $0xffff  }
.LBB2_10:
0x1c6: {  	p0 =	sne.s32 s4, $0x1F0;
	v6 =	vld.idx.msk [tilespmem:v6+s5+$0x0], $0xffff  }
0x1c7: {  	v7 =	vld.idx.msk [tilespmem:v7+s5+$0x0], $0xffff  }
0x1c8: {  	v10 =	vld.idx.msk [tilespmem:v10+s5+$0x0], $0xffff  }
0x1c9: {  	v14 =	vmul.f32 v14, v2;
	v18 =	vmul.f32 v18, v2;
	v11 =	vld.idx.msk [tilespmem:v11+s5+$0x0], $0xffff  }
0x1ca: {  	v15 =	vmul.f32 v15, v2;
	v19 =	vmul.f32 v19, v2;
	v13 =	vld.idx.msk [tilespmem:v13+s5+$0x0], $0xffff  }
0x1cb: {  	v16 =	vmul.f32 v16, v2;
	v20 =	vmul.f32 v20, v2;
	v12 =	vld.idx.msk [tilespmem:v12+s5+$0x0], $0xffff  }
0x1cc: {  	v17 =	vmul.f32 v17, v2;
	v22 =	vmul.f32 v22, v2;
	v9 =	vld.idx.msk [tilespmem:v9+s5+$0x0], $0xffff  }
0x1cd: {  	v21 =	vmul.f32 v21, v2;
	v6 =	vmul.f32 v6, v2;
	v8 =	vld.idx.msk [tilespmem:v8+s5+$0x0], $0xffff  }
0x1ce: {  	s3 =	sadd.s32 $0x80, s3;
	v7 =	vmul.f32 v7, v2;
	v10 =	vmul.f32 v10, v2;
	v5 =	vld.idx.msk [tilespmem:v5+s5+$0x0], $0xffff  }
0x1cf: {  	s1 =	sand.u32 $0x70, s4;
	s6 =	sand.u32 $0xC00, s3;
	v14 =	vadd.f32 $1.258291200e+07, v14;
	v18 =	vadd.f32 $1.258291200e+07, v18;
	v11 =	vmul.f32 v11, v2;
	v4 =	vld.idx.msk [tilespmem:v4+s5+$0x0], $0xffff  }
0x1d0: {  	s1 =	sor.u32 s1, s6;
	v15 =	vadd.f32 $1.258291200e+07, v15;
	v19 =	vadd.f32 $1.258291200e+07, v19;
	v13 =	vmul.f32 v13, v2;
	v3 =	vld.idx.msk [tilespmem:v3+s5+$0x0], $0xffff  }
0x1d1: {  	v16 =	vadd.f32 $1.258291200e+07, v16;
	v20 =	vadd.f32 $1.258291200e+07, v20;
	v12 =	vmul.f32 v12, v2;
	v23 =	vld [tilespmem:s1+$0x1D700]  }
0x1d2: {  	v17 =	vadd.f32 $1.258291200e+07, v17;
	v22 =	vadd.f32 $1.258291200e+07, v22;
	v9 =	vmul.f32 v9, v2;
	v24 =	vld [tilespmem:s1+$0x1D780]  }
0x1d3: {  	v21 =	vadd.f32 $1.258291200e+07, v21;
	v26 =	vadd.f32 $1.258291200e+07, v6;
	v8 =	vmul.f32 v8, v2;
	v25 =	vld [tilespmem:s1+$0x1D800]  }
0x1d4: {  	v28 =	vadd.f32 $1.258291200e+07, v7;
	v29 =	vadd.f32 $1.258291200e+07, v10;
	v5 =	vmul.f32 v5, v2;
	v27 =	vld [tilespmem:s1+$0x1D880]  }
0x1d5: {  	v6 =	vadd.f32 $1.258291200e+07, v11;
	v7 =	vadd.f32 $1.258291200e+07, v13;
	v4 =	vmul.f32 v4, v2;
	v30 =	vld [tilespmem:s1+$0x1C900]  }
0x1d6: {  	v10 =	vadd.f32 $1.258291200e+07, v12;
	v9 =	vadd.f32 $1.258291200e+07, v9;
	v3 =	vmul.f32 v3, v2;
	v31 =	vld [tilespmem:s1+$0x1C980]  }
0x1d7: {  	v5 =	vadd.f32 $1.258291200e+07, v5;
	v4 =	vadd.f32 $1.258291200e+07, v4;
	v32 =	vld [tilespmem:s1+$0x1CA00]  }
0x1d8: {  	v8 =	vadd.f32 $1.258291200e+07, v8;
	v3 =	vadd.f32 $1.258291200e+07, v3;
	v33 =	vld [tilespmem:s1+$0x1CA80]  }
0x1d9: {  	v5 =	vadd.f32 v5, v6;
	v4 =	vadd.f32 v4, v10;
	v34 =	vld [tilespmem:s1+$0x1C700]  }
0x1da: {  	v8 =	vadd.f32 v7, v8;
	v3 =	vadd.f32 v3, v9;
	v6 =	vld [tilespmem:s1+$0x1C780]  }
0x1db: {  	v5 =	vadd.f32 v21, v5;
	v4 =	vadd.f32 v26, v4;
	v7 =	vld [tilespmem:s1+$0x1C800]  }
0x1dc: {  	s6 =	sor.u32 s3, s4;
	v8 =	vadd.f32 v29, v8;
	v3 =	vadd.f32 v28, v3;
	v10 =	vld [tilespmem:s1+$0x1C880]  }
0x1dd: {  	s6 =	sor.u32 $0x380, s6;
	v5 =	vadd.f32 v16, v5;
	v4 =	vadd.f32 v20, v4;
	v11 =	vld [tilespmem:s1+$0x1B700]  }
0x1de: {  	v8 =	vadd.f32 v22, v8;
	s1 =	sadd.s32 $0x1B700, s1;
	v3 =	vadd.f32 v17, v3;
	v13 =	vld [tilespmem:s6+$0x1B700]  }
0x1df: {  	v14 =	vadd.f32 v14, v5;
	v4 =	vadd.f32 v18, v4;
	v12 =	vld [tilespmem:s1+$0x80]  }
0x1e0: {  	v3 =	vadd.f32 v15, v3;
	v15 =	vadd.f32 v19, v8;
	v9 =	vld [tilespmem:s1+$0x100]  }
0x1e1: {  	v8 =	vld [tilespmem:s1+$0x180]  }
0x1e2: {  	v14 =	vadd.f32 v4, v14;
	v15 =	vadd.f32 v15, v3;
	v5 =	vld [tilespmem:s1+$0x200]  }
0x1e3: {  	v4 =	vld [tilespmem:s1+$0x280]  }
0x1e4: {  	v15 =	vadd.f32 v15, v14;
	v3 =	vld [tilespmem:s1+$0x300]  }
0x1e5: {  	v14 =	vld.idx.msk [tilespmem:v23+s5+$0x0], $0xffff  }
0x1e6: {  	v16 =	vadd.f32 $-2.516582400e+08, v15;
	v18 =	vld.idx.msk [tilespmem:v24+s5+$0x0], $0xffff  }
0x1e7: {  	v15 =	vld.idx.msk [tilespmem:v25+s5+$0x0], $0xffff  }
0x1e8: {  	v17 =	vmul.f32 v16, v1;
	v19 =	vld.idx.msk [tilespmem:v27+s5+$0x0], $0xffff  }
.Ltmp8:
0x1e9: {  	v16 =	vld.idx.msk [tilespmem:v30+s5+$0x0], $0xffff;
	(pc) =	sbr.rel @p0 .LBB2_10-.Ltmp8, $4  }
0x1ea: {  	v21 =	vadd.f32 v17, v0;
	v20 =	vld.idx.msk [tilespmem:v31+s5+$0x0], $0xffff  }
0x1eb: {  	s1 =	sand.u32 $0x1F0, s2;
	s2 =	smov.u32 s4;
	v17 =	vld.idx.msk [tilespmem:v32+s5+$0x0], $0xffff  }
0x1ec: {  	v22 =	vld.idx.msk [tilespmem:v33+s5+$0x0], $0xffff;
	[tilespmem:s1+$0x1ED00] =	vst v21  }
0x1ed: {  	s4 =	sadd.s32 $0x10, s4;
	v21 =	vld.idx.msk [tilespmem:v34+s5+$0x0], $0xffff  }
0x1ee: {  	_ =	sdelay $0x3  }
0x1ef: {  	v6 =	vld.idx.msk [tilespmem:v6+s5+$0x0], $0xffff  }
0x1f0: {  	v7 =	vld.idx.msk [tilespmem:v7+s5+$0x0], $0xffff  }
0x1f1: {  	v10 =	vld.idx.msk [tilespmem:v10+s5+$0x0], $0xffff  }
0x1f2: {  	v14 =	vmul.f32 v14, v2;
	v18 =	vmul.f32 v18, v2;
	v11 =	vld.idx.msk [tilespmem:v11+s5+$0x0], $0xffff  }
0x1f3: {  	v15 =	vmul.f32 v15, v2;
	v19 =	vmul.f32 v19, v2;
	v13 =	vld.idx.msk [tilespmem:v13+s5+$0x0], $0xffff  }
0x1f4: {  	v16 =	vmul.f32 v16, v2;
	v12 =	vld.idx.msk [tilespmem:v12+s5+$0x0], $0xffff;
	v20 =	vmul.f32 v20, v2  }
0x1f5: {  	v9 =	vld.idx.msk [tilespmem:v9+s5+$0x0], $0xffff;
	v17 =	vmul.f32 v17, v2;
	v14 =	vadd.f32 $1.258291200e+07, v14;
	v18 =	vadd.f32 $1.258291200e+07, v18  }
0x1f6: {  	v8 =	vld.idx.msk [tilespmem:v8+s5+$0x0], $0xffff;
	v15 =	vadd.f32 $1.258291200e+07, v15;
	v19 =	vadd.f32 $1.258291200e+07, v19;
	v22 =	vmul.f32 v22, v2  }
0x1f7: {  	v5 =	vld.idx.msk [tilespmem:v5+s5+$0x0], $0xffff;
	v16 =	vadd.f32 $1.258291200e+07, v16;
	v21 =	vmul.f32 v21, v2;
	v6 =	vmul.f32 v6, v2  }
0x1f8: {  	v4 =	vld.idx.msk [tilespmem:v4+s5+$0x0], $0xffff;
	v20 =	vadd.f32 $1.258291200e+07, v20;
	v7 =	vmul.f32 v7, v2;
	v10 =	vmul.f32 v10, v2  }
0x1f9: {  	v3 =	vld.idx.msk [tilespmem:v3+s5+$0x0], $0xffff;
	v17 =	vadd.f32 $1.258291200e+07, v17;
	v11 =	vmul.f32 v11, v2;
	v13 =	vmul.f32 v13, v2  }
0x1fa: {  	v12 =	vmul.f32 v12, v2;
	v9 =	vmul.f32 v9, v2;
	v22 =	vadd.f32 $1.258291200e+07, v22  }
0x1fb: {  	v8 =	vmul.f32 v8, v2;
	v21 =	vadd.f32 $1.258291200e+07, v21;
	v6 =	vadd.f32 $1.258291200e+07, v6  }
0x1fc: {  	v5 =	vmul.f32 v5, v2;
	v7 =	vadd.f32 $1.258291200e+07, v7;
	v10 =	vadd.f32 $1.258291200e+07, v10  }
0x1fd: {  	v4 =	vmul.f32 v4, v2;
	v11 =	vadd.f32 $1.258291200e+07, v11;
	v13 =	vadd.f32 $1.258291200e+07, v13  }
0x1fe: {  	v3 =	vmul.f32 v3, v2;
	v12 =	vadd.f32 $1.258291200e+07, v12;
	v9 =	vadd.f32 $1.258291200e+07, v9  }
0x1ff: {  	v5 =	vadd.f32 $1.258291200e+07, v5;
	v4 =	vadd.f32 $1.258291200e+07, v4  }
0x200: {  	v8 =	vadd.f32 $1.258291200e+07, v8;
	v3 =	vadd.f32 $1.258291200e+07, v3  }
0x201: {  	v5 =	vadd.f32 v5, v11;
	v4 =	vadd.f32 v4, v12  }
0x202: {  	v3 =	vadd.f32 v3, v9;
	v8 =	vadd.f32 v13, v8  }
0x203: {  	v5 =	vadd.f32 v21, v5;
	v4 =	vadd.f32 v6, v4  }
0x204: {  	v3 =	vadd.f32 v7, v3;
	v6 =	vadd.f32 v10, v8  }
0x205: {  	v5 =	vadd.f32 v16, v5;
	v4 =	vadd.f32 v20, v4  }
0x206: {  	v3 =	vadd.f32 v17, v3;
	v6 =	vadd.f32 v22, v6  }
0x207: {  	v5 =	vadd.f32 v14, v5;
	v4 =	vadd.f32 v18, v4  }
0x208: {  	v3 =	vadd.f32 v15, v3;
	v6 =	vadd.f32 v19, v6;
	_ =	sdelay $0x1  }
0x209: {  	v4 =	vadd.f32 v4, v5;
	v3 =	vadd.f32 v6, v3;
	_ =	sdelay $0x1  }
0x20a: {  	v3 =	vadd.f32 v3, v4;
	_ =	sdelay $0x1  }
0x20b: {  	v3 =	vadd.f32 $-2.516582400e+08, v3;
	_ =	sdelay $0x1  }
0x20c: {  	v3 =	vmul.f32 v3, v1;
	_ =	sdelay $0x1  }
0x20d: {  	v3 =	vadd.f32 v3, v0  }
0x20e: {  	s1 =	sand.u32 $0x1F0, s2  }
0x20f: {  	[tilespmem:s1+$0x1ED00] =	vst v3  }
0x210: {  	s3 =	simm.s32 $0x0;
	_ =	swait.ge [sflag:s30], $0x3000  }
0x211: {  	s2 =	sand.u32 $0x70, s3;
	s4 =	sand.u32 $0xC00, s3;
	[sflag:s30] =	ssyncset.done $0x0  }
0x212: {  	s1 =	sor.u32 s2, s4;
	[sflag:s30] =	ssyncadd.s32 $0xFFFFD000  }
0x213: {  	[tilespmem:s31], [sflag:$0x3] =	stream.strided.gather [hbm4b:s15+s25], $0x3000, s26, s25, $0x38;
	[tilespmem:$0x1FE80] =	vst v63  }
0x214: {  	v14 =	vld [tilespmem:s1+$0x1A700]  }
0x215: {  	v15 =	vld [tilespmem:s1+$0x1A780]  }
0x216: {  	v16 =	vld [tilespmem:s1+$0x1A800]  }
0x217: {  	v17 =	vld [tilespmem:s1+$0x1A880]  }
0x218: {  	v20 =	vld [tilespmem:s1+$0x19900]  }
0x219: {  	v21 =	vld [tilespmem:s1+$0x19980]  }
0x21a: {  	v22 =	vld [tilespmem:s1+$0x19A00]  }
0x21b: {  	v23 =	vld [tilespmem:s1+$0x19A80]  }
0x21c: {  	v24 =	vld [tilespmem:s1+$0x19700]  }
0x21d: {  	v6 =	vld [tilespmem:s1+$0x19780]  }
0x21e: {  	v7 =	vld [tilespmem:s1+$0x19800]  }
0x21f: {  	s6 =	sor.u32 s3, s3;
	v10 =	vld [tilespmem:s1+$0x19880]  }
0x220: {  	s2 =	sor.u32 $0x380, s6;
	v11 =	vld [tilespmem:s1+$0x18700]  }
0x221: {  	s1 =	sadd.s32 $0x18700, s1;
	v13 =	vld [tilespmem:s2+$0x18700]  }
0x222: {  	v12 =	vld [tilespmem:s1+$0x80]  }
0x223: {  	v9 =	vld [tilespmem:s1+$0x100]  }
0x224: {  	v8 =	vld [tilespmem:s1+$0x180]  }
0x225: {  	v5 =	vld [tilespmem:s1+$0x200]  }
0x226: {  	v4 =	vld [tilespmem:s1+$0x280]  }
0x227: {  	v3 =	vld [tilespmem:s1+$0x300]  }
0x228: {  	v14 =	vld.idx.msk [tilespmem:v14+s5+$0x0], $0xffff  }
0x229: {  	v18 =	vld.idx.msk [tilespmem:v15+s5+$0x0], $0xffff  }
0x22a: {  	v15 =	vld.idx.msk [tilespmem:v16+s5+$0x0], $0xffff  }
0x22b: {  	v19 =	vld.idx.msk [tilespmem:v17+s5+$0x0], $0xffff  }
0x22c: {  	v16 =	vld.idx.msk [tilespmem:v20+s5+$0x0], $0xffff  }
0x22d: {  	v20 =	vld.idx.msk [tilespmem:v21+s5+$0x0], $0xffff  }
0x22e: {  	v17 =	vld.idx.msk [tilespmem:v22+s5+$0x0], $0xffff  }
0x22f: {  	v22 =	vld.idx.msk [tilespmem:v23+s5+$0x0], $0xffff  }
0x230: {  	s4 =	simm.s32 $0x10;
	s2 =	simm.s32 $0x0;
	v21 =	vld.idx.msk [tilespmem:v24+s5+$0x0], $0xffff  }
.LBB2_12:
0x231: {  	p0 =	sne.s32 s4, $0x1F0;
	v6 =	vld.idx.msk [tilespmem:v6+s5+$0x0], $0xffff  }
0x232: {  	v7 =	vld.idx.msk [tilespmem:v7+s5+$0x0], $0xffff  }
0x233: {  	v10 =	vld.idx.msk [tilespmem:v10+s5+$0x0], $0xffff  }
0x234: {  	v14 =	vmul.f32 v14, v2;
	v18 =	vmul.f32 v18, v2;
	v11 =	vld.idx.msk [tilespmem:v11+s5+$0x0], $0xffff  }
0x235: {  	v15 =	vmul.f32 v15, v2;
	v19 =	vmul.f32 v19, v2;
	v13 =	vld.idx.msk [tilespmem:v13+s5+$0x0], $0xffff  }
0x236: {  	v16 =	vmul.f32 v16, v2;
	v20 =	vmul.f32 v20, v2;
	v12 =	vld.idx.msk [tilespmem:v12+s5+$0x0], $0xffff  }
0x237: {  	v17 =	vmul.f32 v17, v2;
	v22 =	vmul.f32 v22, v2;
	v9 =	vld.idx.msk [tilespmem:v9+s5+$0x0], $0xffff  }
0x238: {  	v21 =	vmul.f32 v21, v2;
	v6 =	vmul.f32 v6, v2;
	v8 =	vld.idx.msk [tilespmem:v8+s5+$0x0], $0xffff  }
0x239: {  	s3 =	sadd.s32 $0x80, s3;
	v7 =	vmul.f32 v7, v2;
	v10 =	vmul.f32 v10, v2;
	v5 =	vld.idx.msk [tilespmem:v5+s5+$0x0], $0xffff  }
0x23a: {  	s1 =	sand.u32 $0x70, s4;
	s6 =	sand.u32 $0xC00, s3;
	v14 =	vadd.f32 $1.258291200e+07, v14;
	v18 =	vadd.f32 $1.258291200e+07, v18;
	v11 =	vmul.f32 v11, v2;
	v4 =	vld.idx.msk [tilespmem:v4+s5+$0x0], $0xffff  }
0x23b: {  	s1 =	sor.u32 s1, s6;
	v15 =	vadd.f32 $1.258291200e+07, v15;
	v19 =	vadd.f32 $1.258291200e+07, v19;
	v13 =	vmul.f32 v13, v2;
	v3 =	vld.idx.msk [tilespmem:v3+s5+$0x0], $0xffff  }
0x23c: {  	v16 =	vadd.f32 $1.258291200e+07, v16;
	v20 =	vadd.f32 $1.258291200e+07, v20;
	v12 =	vmul.f32 v12, v2;
	v23 =	vld [tilespmem:s1+$0x1A700]  }
0x23d: {  	v17 =	vadd.f32 $1.258291200e+07, v17;
	v22 =	vadd.f32 $1.258291200e+07, v22;
	v9 =	vmul.f32 v9, v2;
	v24 =	vld [tilespmem:s1+$0x1A780]  }
0x23e: {  	v21 =	vadd.f32 $1.258291200e+07, v21;
	v26 =	vadd.f32 $1.258291200e+07, v6;
	v8 =	vmul.f32 v8, v2;
	v25 =	vld [tilespmem:s1+$0x1A800]  }
0x23f: {  	v28 =	vadd.f32 $1.258291200e+07, v7;
	v29 =	vadd.f32 $1.258291200e+07, v10;
	v5 =	vmul.f32 v5, v2;
	v27 =	vld [tilespmem:s1+$0x1A880]  }
0x240: {  	v6 =	vadd.f32 $1.258291200e+07, v11;
	v7 =	vadd.f32 $1.258291200e+07, v13;
	v4 =	vmul.f32 v4, v2;
	v30 =	vld [tilespmem:s1+$0x19900]  }
0x241: {  	v10 =	vadd.f32 $1.258291200e+07, v12;
	v9 =	vadd.f32 $1.258291200e+07, v9;
	v3 =	vmul.f32 v3, v2;
	v31 =	vld [tilespmem:s1+$0x19980]  }
0x242: {  	v5 =	vadd.f32 $1.258291200e+07, v5;
	v4 =	vadd.f32 $1.258291200e+07, v4;
	v32 =	vld [tilespmem:s1+$0x19A00]  }
0x243: {  	v8 =	vadd.f32 $1.258291200e+07, v8;
	v3 =	vadd.f32 $1.258291200e+07, v3;
	v33 =	vld [tilespmem:s1+$0x19A80]  }
0x244: {  	v5 =	vadd.f32 v5, v6;
	v4 =	vadd.f32 v4, v10;
	v34 =	vld [tilespmem:s1+$0x19700]  }
0x245: {  	v8 =	vadd.f32 v7, v8;
	v3 =	vadd.f32 v3, v9;
	v6 =	vld [tilespmem:s1+$0x19780]  }
0x246: {  	v5 =	vadd.f32 v21, v5;
	v4 =	vadd.f32 v26, v4;
	v7 =	vld [tilespmem:s1+$0x19800]  }
0x247: {  	s6 =	sor.u32 s3, s4;
	v8 =	vadd.f32 v29, v8;
	v3 =	vadd.f32 v28, v3;
	v10 =	vld [tilespmem:s1+$0x19880]  }
0x248: {  	s6 =	sor.u32 $0x380, s6;
	v5 =	vadd.f32 v16, v5;
	v4 =	vadd.f32 v20, v4;
	v11 =	vld [tilespmem:s1+$0x18700]  }
0x249: {  	v8 =	vadd.f32 v22, v8;
	s1 =	sadd.s32 $0x18700, s1;
	v3 =	vadd.f32 v17, v3;
	v13 =	vld [tilespmem:s6+$0x18700]  }
0x24a: {  	v14 =	vadd.f32 v14, v5;
	v4 =	vadd.f32 v18, v4;
	v12 =	vld [tilespmem:s1+$0x80]  }
0x24b: {  	v3 =	vadd.f32 v15, v3;
	v15 =	vadd.f32 v19, v8;
	v9 =	vld [tilespmem:s1+$0x100]  }
0x24c: {  	v8 =	vld [tilespmem:s1+$0x180]  }
0x24d: {  	v14 =	vadd.f32 v4, v14;
	v15 =	vadd.f32 v15, v3;
	v5 =	vld [tilespmem:s1+$0x200]  }
0x24e: {  	v4 =	vld [tilespmem:s1+$0x280]  }
0x24f: {  	v15 =	vadd.f32 v15, v14;
	v3 =	vld [tilespmem:s1+$0x300]  }
0x250: {  	v14 =	vld.idx.msk [tilespmem:v23+s5+$0x0], $0xffff  }
0x251: {  	v16 =	vadd.f32 $-2.516582400e+08, v15;
	v18 =	vld.idx.msk [tilespmem:v24+s5+$0x0], $0xffff  }
0x252: {  	v15 =	vld.idx.msk [tilespmem:v25+s5+$0x0], $0xffff  }
0x253: {  	v17 =	vmul.f32 v16, v1;
	v19 =	vld.idx.msk [tilespmem:v27+s5+$0x0], $0xffff  }
.Ltmp9:
0x254: {  	v16 =	vld.idx.msk [tilespmem:v30+s5+$0x0], $0xffff;
	(pc) =	sbr.rel @p0 .LBB2_12-.Ltmp9, $4  }
0x255: {  	v21 =	vadd.f32 v17, v0;
	v20 =	vld.idx.msk [tilespmem:v31+s5+$0x0], $0xffff  }
0x256: {  	s1 =	sand.u32 $0x1F0, s2;
	s2 =	smov.u32 s4;
	v17 =	vld.idx.msk [tilespmem:v32+s5+$0x0], $0xffff  }
0x257: {  	v22 =	vld.idx.msk [tilespmem:v33+s5+$0x0], $0xffff;
	[tilespmem:s1+$0x1EF00] =	vst v21  }
0x258: {  	s4 =	sadd.s32 $0x10, s4;
	v21 =	vld.idx.msk [tilespmem:v34+s5+$0x0], $0xffff  }
0x259: {  	_ =	sdelay $0x3  }
0x25a: {  	v6 =	vld.idx.msk [tilespmem:v6+s5+$0x0], $0xffff  }
0x25b: {  	v7 =	vld.idx.msk [tilespmem:v7+s5+$0x0], $0xffff  }
0x25c: {  	v10 =	vld.idx.msk [tilespmem:v10+s5+$0x0], $0xffff  }
0x25d: {  	v14 =	vmul.f32 v14, v2;
	v18 =	vmul.f32 v18, v2;
	v11 =	vld.idx.msk [tilespmem:v11+s5+$0x0], $0xffff  }
0x25e: {  	v15 =	vmul.f32 v15, v2;
	v19 =	vmul.f32 v19, v2;
	v13 =	vld.idx.msk [tilespmem:v13+s5+$0x0], $0xffff  }
0x25f: {  	v16 =	vmul.f32 v16, v2;
	v12 =	vld.idx.msk [tilespmem:v12+s5+$0x0], $0xffff;
	v20 =	vmul.f32 v20, v2  }
0x260: {  	v9 =	vld.idx.msk [tilespmem:v9+s5+$0x0], $0xffff;
	v17 =	vmul.f32 v17, v2;
	v14 =	vadd.f32 $1.258291200e+07, v14;
	v18 =	vadd.f32 $1.258291200e+07, v18  }
0x261: {  	v8 =	vld.idx.msk [tilespmem:v8+s5+$0x0], $0xffff;
	v15 =	vadd.f32 $1.258291200e+07, v15;
	v19 =	vadd.f32 $1.258291200e+07, v19;
	v22 =	vmul.f32 v22, v2  }
0x262: {  	v5 =	vld.idx.msk [tilespmem:v5+s5+$0x0], $0xffff;
	v16 =	vadd.f32 $1.258291200e+07, v16;
	v21 =	vmul.f32 v21, v2;
	v6 =	vmul.f32 v6, v2  }
0x263: {  	v4 =	vld.idx.msk [tilespmem:v4+s5+$0x0], $0xffff;
	v20 =	vadd.f32 $1.258291200e+07, v20;
	v7 =	vmul.f32 v7, v2;
	v10 =	vmul.f32 v10, v2  }
0x264: {  	v3 =	vld.idx.msk [tilespmem:v3+s5+$0x0], $0xffff;
	v17 =	vadd.f32 $1.258291200e+07, v17;
	v11 =	vmul.f32 v11, v2;
	v13 =	vmul.f32 v13, v2  }
0x265: {  	v12 =	vmul.f32 v12, v2;
	v9 =	vmul.f32 v9, v2;
	v22 =	vadd.f32 $1.258291200e+07, v22  }
0x266: {  	v8 =	vmul.f32 v8, v2;
	v21 =	vadd.f32 $1.258291200e+07, v21;
	v6 =	vadd.f32 $1.258291200e+07, v6  }
0x267: {  	v5 =	vmul.f32 v5, v2;
	v7 =	vadd.f32 $1.258291200e+07, v7;
	v10 =	vadd.f32 $1.258291200e+07, v10  }
0x268: {  	v4 =	vmul.f32 v4, v2;
	v11 =	vadd.f32 $1.258291200e+07, v11;
	v13 =	vadd.f32 $1.258291200e+07, v13  }
0x269: {  	v3 =	vmul.f32 v3, v2;
	v12 =	vadd.f32 $1.258291200e+07, v12;
	v9 =	vadd.f32 $1.258291200e+07, v9  }
0x26a: {  	v5 =	vadd.f32 $1.258291200e+07, v5;
	v4 =	vadd.f32 $1.258291200e+07, v4  }
0x26b: {  	v8 =	vadd.f32 $1.258291200e+07, v8;
	v3 =	vadd.f32 $1.258291200e+07, v3  }
0x26c: {  	v5 =	vadd.f32 v5, v11;
	v4 =	vadd.f32 v4, v12  }
0x26d: {  	v3 =	vadd.f32 v3, v9;
	v8 =	vadd.f32 v13, v8  }
0x26e: {  	v5 =	vadd.f32 v21, v5;
	v4 =	vadd.f32 v6, v4  }
0x26f: {  	v3 =	vadd.f32 v7, v3;
	v6 =	vadd.f32 v10, v8  }
0x270: {  	v5 =	vadd.f32 v16, v5;
	v4 =	vadd.f32 v20, v4  }
0x271: {  	v3 =	vadd.f32 v17, v3;
	v6 =	vadd.f32 v22, v6  }
0x272: {  	v5 =	vadd.f32 v14, v5;
	v4 =	vadd.f32 v18, v4  }
0x273: {  	v3 =	vadd.f32 v15, v3;
	v6 =	vadd.f32 v19, v6;
	_ =	sdelay $0x1  }
0x274: {  	v4 =	vadd.f32 v4, v5;
	v3 =	vadd.f32 v6, v3;
	_ =	sdelay $0x1  }
0x275: {  	v3 =	vadd.f32 v3, v4;
	_ =	sdelay $0x1  }
0x276: {  	v3 =	vadd.f32 $-2.516582400e+08, v3;
	_ =	sdelay $0x1  }
0x277: {  	v3 =	vmul.f32 v3, v1;
	_ =	sdelay $0x1  }
0x278: {  	v3 =	vadd.f32 v3, v0  }
0x279: {  	s1 =	sand.u32 $0x1F0, s2  }
0x27a: {  	[tilespmem:s1+$0x1EF00] =	vst v3  }
0x27b: {  	s3 =	simm.s32 $0x0;
	_ =	swait.ge [sflag:s0], $0x3000  }
0x27c: {  	s2 =	sand.u32 $0x70, s3;
	s4 =	sand.u32 $0xC00, s3;
	[sflag:s0] =	ssyncset.done $0x0  }
0x27d: {  	s1 =	sor.u32 s2, s4;
	[sflag:s0] =	ssyncadd.s32 $0xFFFFD000  }
0x27e: {  	[tilespmem:s28], [sflag:$0x2] =	stream.strided.gather [hbm4b:s16+s25], $0x3000, s26, s25, $0x38;
	[tilespmem:$0x1FE80] =	vst v63  }
0x27f: {  	v14 =	vld [tilespmem:s1+$0x1D700]  }
0x280: {  	v15 =	vld [tilespmem:s1+$0x1D780]  }
0x281: {  	v16 =	vld [tilespmem:s1+$0x1D800]  }
0x282: {  	v17 =	vld [tilespmem:s1+$0x1D880]  }
0x283: {  	v20 =	vld [tilespmem:s1+$0x1C900]  }
0x284: {  	v21 =	vld [tilespmem:s1+$0x1C980]  }
0x285: {  	v22 =	vld [tilespmem:s1+$0x1CA00]  }
0x286: {  	v23 =	vld [tilespmem:s1+$0x1CA80]  }
0x287: {  	v24 =	vld [tilespmem:s1+$0x1C700]  }
0x288: {  	v6 =	vld [tilespmem:s1+$0x1C780]  }
0x289: {  	v7 =	vld [tilespmem:s1+$0x1C800]  }
0x28a: {  	s6 =	sor.u32 s3, s3;
	v10 =	vld [tilespmem:s1+$0x1C880]  }
0x28b: {  	s2 =	sor.u32 $0x380, s6;
	v11 =	vld [tilespmem:s1+$0x1B700]  }
0x28c: {  	s1 =	sadd.s32 $0x1B700, s1;
	v13 =	vld [tilespmem:s2+$0x1B700]  }
0x28d: {  	v12 =	vld [tilespmem:s1+$0x80]  }
0x28e: {  	v9 =	vld [tilespmem:s1+$0x100]  }
0x28f: {  	v8 =	vld [tilespmem:s1+$0x180]  }
0x290: {  	v5 =	vld [tilespmem:s1+$0x200]  }
0x291: {  	v4 =	vld [tilespmem:s1+$0x280]  }
0x292: {  	v3 =	vld [tilespmem:s1+$0x300]  }
0x293: {  	v14 =	vld.idx.msk [tilespmem:v14+s5+$0x0], $0xffff  }
0x294: {  	v18 =	vld.idx.msk [tilespmem:v15+s5+$0x0], $0xffff  }
0x295: {  	v15 =	vld.idx.msk [tilespmem:v16+s5+$0x0], $0xffff  }
0x296: {  	v19 =	vld.idx.msk [tilespmem:v17+s5+$0x0], $0xffff  }
0x297: {  	v16 =	vld.idx.msk [tilespmem:v20+s5+$0x0], $0xffff  }
0x298: {  	v20 =	vld.idx.msk [tilespmem:v21+s5+$0x0], $0xffff  }
0x299: {  	v17 =	vld.idx.msk [tilespmem:v22+s5+$0x0], $0xffff  }
0x29a: {  	v22 =	vld.idx.msk [tilespmem:v23+s5+$0x0], $0xffff  }
0x29b: {  	s4 =	simm.s32 $0x10;
	s2 =	simm.s32 $0x0;
	v21 =	vld.idx.msk [tilespmem:v24+s5+$0x0], $0xffff  }
.LBB2_14:
0x29c: {  	p0 =	sne.s32 s4, $0x1F0;
	v6 =	vld.idx.msk [tilespmem:v6+s5+$0x0], $0xffff  }
0x29d: {  	v7 =	vld.idx.msk [tilespmem:v7+s5+$0x0], $0xffff  }
0x29e: {  	v10 =	vld.idx.msk [tilespmem:v10+s5+$0x0], $0xffff  }
0x29f: {  	v14 =	vmul.f32 v14, v2;
	v18 =	vmul.f32 v18, v2;
	v11 =	vld.idx.msk [tilespmem:v11+s5+$0x0], $0xffff  }
0x2a0: {  	v15 =	vmul.f32 v15, v2;
	v19 =	vmul.f32 v19, v2;
	v13 =	vld.idx.msk [tilespmem:v13+s5+$0x0], $0xffff  }
0x2a1: {  	v16 =	vmul.f32 v16, v2;
	v20 =	vmul.f32 v20, v2;
	v12 =	vld.idx.msk [tilespmem:v12+s5+$0x0], $0xffff  }
0x2a2: {  	v17 =	vmul.f32 v17, v2;
	v22 =	vmul.f32 v22, v2;
	v9 =	vld.idx.msk [tilespmem:v9+s5+$0x0], $0xffff  }
0x2a3: {  	v21 =	vmul.f32 v21, v2;
	v6 =	vmul.f32 v6, v2;
	v8 =	vld.idx.msk [tilespmem:v8+s5+$0x0], $0xffff  }
0x2a4: {  	s3 =	sadd.s32 $0x80, s3;
	v7 =	vmul.f32 v7, v2;
	v10 =	vmul.f32 v10, v2;
	v5 =	vld.idx.msk [tilespmem:v5+s5+$0x0], $0xffff  }
0x2a5: {  	s1 =	sand.u32 $0x70, s4;
	s6 =	sand.u32 $0xC00, s3;
	v14 =	vadd.f32 $1.258291200e+07, v14;
	v18 =	vadd.f32 $1.258291200e+07, v18;
	v11 =	vmul.f32 v11, v2;
	v4 =	vld.idx.msk [tilespmem:v4+s5+$0x0], $0xffff  }
0x2a6: {  	s1 =	sor.u32 s1, s6;
	v15 =	vadd.f32 $1.258291200e+07, v15;
	v19 =	vadd.f32 $1.258291200e+07, v19;
	v13 =	vmul.f32 v13, v2;
	v3 =	vld.idx.msk [tilespmem:v3+s5+$0x0], $0xffff  }
0x2a7: {  	v16 =	vadd.f32 $1.258291200e+07, v16;
	v20 =	vadd.f32 $1.258291200e+07, v20;
	v12 =	vmul.f32 v12, v2;
	v23 =	vld [tilespmem:s1+$0x1D700]  }
0x2a8: {  	v17 =	vadd.f32 $1.258291200e+07, v17;
	v22 =	vadd.f32 $1.258291200e+07, v22;
	v9 =	vmul.f32 v9, v2;
	v24 =	vld [tilespmem:s1+$0x1D780]  }
0x2a9: {  	v21 =	vadd.f32 $1.258291200e+07, v21;
	v26 =	vadd.f32 $1.258291200e+07, v6;
	v8 =	vmul.f32 v8, v2;
	v25 =	vld [tilespmem:s1+$0x1D800]  }
0x2aa: {  	v28 =	vadd.f32 $1.258291200e+07, v7;
	v29 =	vadd.f32 $1.258291200e+07, v10;
	v5 =	vmul.f32 v5, v2;
	v27 =	vld [tilespmem:s1+$0x1D880]  }
0x2ab: {  	v6 =	vadd.f32 $1.258291200e+07, v11;
	v7 =	vadd.f32 $1.258291200e+07, v13;
	v4 =	vmul.f32 v4, v2;
	v30 =	vld [tilespmem:s1+$0x1C900]  }
0x2ac: {  	v10 =	vadd.f32 $1.258291200e+07, v12;
	v9 =	vadd.f32 $1.258291200e+07, v9;
	v3 =	vmul.f32 v3, v2;
	v31 =	vld [tilespmem:s1+$0x1C980]  }
0x2ad: {  	v5 =	vadd.f32 $1.258291200e+07, v5;
	v4 =	vadd.f32 $1.258291200e+07, v4;
	v32 =	vld [tilespmem:s1+$0x1CA00]  }
0x2ae: {  	v8 =	vadd.f32 $1.258291200e+07, v8;
	v3 =	vadd.f32 $1.258291200e+07, v3;
	v33 =	vld [tilespmem:s1+$0x1CA80]  }
0x2af: {  	v5 =	vadd.f32 v5, v6;
	v4 =	vadd.f32 v4, v10;
	v34 =	vld [tilespmem:s1+$0x1C700]  }
0x2b0: {  	v8 =	vadd.f32 v7, v8;
	v3 =	vadd.f32 v3, v9;
	v6 =	vld [tilespmem:s1+$0x1C780]  }
0x2b1: {  	v5 =	vadd.f32 v21, v5;
	v4 =	vadd.f32 v26, v4;
	v7 =	vld [tilespmem:s1+$0x1C800]  }
0x2b2: {  	s6 =	sor.u32 s3, s4;
	v8 =	vadd.f32 v29, v8;
	v3 =	vadd.f32 v28, v3;
	v10 =	vld [tilespmem:s1+$0x1C880]  }
0x2b3: {  	s6 =	sor.u32 $0x380, s6;
	v5 =	vadd.f32 v16, v5;
	v4 =	vadd.f32 v20, v4;
	v11 =	vld [tilespmem:s1+$0x1B700]  }
0x2b4: {  	v8 =	vadd.f32 v22, v8;
	s1 =	sadd.s32 $0x1B700, s1;
	v3 =	vadd.f32 v17, v3;
	v13 =	vld [tilespmem:s6+$0x1B700]  }
0x2b5: {  	v14 =	vadd.f32 v14, v5;
	v4 =	vadd.f32 v18, v4;
	v12 =	vld [tilespmem:s1+$0x80]  }
0x2b6: {  	v3 =	vadd.f32 v15, v3;
	v15 =	vadd.f32 v19, v8;
	v9 =	vld [tilespmem:s1+$0x100]  }
0x2b7: {  	v8 =	vld [tilespmem:s1+$0x180]  }
0x2b8: {  	v14 =	vadd.f32 v4, v14;
	v15 =	vadd.f32 v15, v3;
	v5 =	vld [tilespmem:s1+$0x200]  }
0x2b9: {  	v4 =	vld [tilespmem:s1+$0x280]  }
0x2ba: {  	v15 =	vadd.f32 v15, v14;
	v3 =	vld [tilespmem:s1+$0x300]  }
0x2bb: {  	v14 =	vld.idx.msk [tilespmem:v23+s5+$0x0], $0xffff  }
0x2bc: {  	v16 =	vadd.f32 $-2.516582400e+08, v15;
	v18 =	vld.idx.msk [tilespmem:v24+s5+$0x0], $0xffff  }
0x2bd: {  	v15 =	vld.idx.msk [tilespmem:v25+s5+$0x0], $0xffff  }
0x2be: {  	v17 =	vmul.f32 v16, v1;
	v19 =	vld.idx.msk [tilespmem:v27+s5+$0x0], $0xffff  }
.Ltmp10:
0x2bf: {  	v16 =	vld.idx.msk [tilespmem:v30+s5+$0x0], $0xffff;
	(pc) =	sbr.rel @p0 .LBB2_14-.Ltmp10, $4  }
0x2c0: {  	v21 =	vadd.f32 v17, v0;
	v20 =	vld.idx.msk [tilespmem:v31+s5+$0x0], $0xffff  }
0x2c1: {  	s1 =	sand.u32 $0x1F0, s2;
	s2 =	smov.u32 s4;
	v17 =	vld.idx.msk [tilespmem:v32+s5+$0x0], $0xffff  }
0x2c2: {  	v22 =	vld.idx.msk [tilespmem:v33+s5+$0x0], $0xffff;
	[tilespmem:s1+$0x1F100] =	vst v21  }
0x2c3: {  	s4 =	sadd.s32 $0x10, s4;
	v21 =	vld.idx.msk [tilespmem:v34+s5+$0x0], $0xffff  }
0x2c4: {  	_ =	sdelay $0x3  }
0x2c5: {  	v6 =	vld.idx.msk [tilespmem:v6+s5+$0x0], $0xffff  }
0x2c6: {  	v7 =	vld.idx.msk [tilespmem:v7+s5+$0x0], $0xffff  }
0x2c7: {  	v10 =	vld.idx.msk [tilespmem:v10+s5+$0x0], $0xffff  }
0x2c8: {  	v14 =	vmul.f32 v14, v2;
	v18 =	vmul.f32 v18, v2;
	v11 =	vld.idx.msk [tilespmem:v11+s5+$0x0], $0xffff  }
0x2c9: {  	v15 =	vmul.f32 v15, v2;
	v19 =	vmul.f32 v19, v2;
	v13 =	vld.idx.msk [tilespmem:v13+s5+$0x0], $0xffff  }
0x2ca: {  	v16 =	vmul.f32 v16, v2;
	v12 =	vld.idx.msk [tilespmem:v12+s5+$0x0], $0xffff;
	v20 =	vmul.f32 v20, v2  }
0x2cb: {  	v9 =	vld.idx.msk [tilespmem:v9+s5+$0x0], $0xffff;
	v17 =	vmul.f32 v17, v2;
	v14 =	vadd.f32 $1.258291200e+07, v14;
	v18 =	vadd.f32 $1.258291200e+07, v18  }
0x2cc: {  	v8 =	vld.idx.msk [tilespmem:v8+s5+$0x0], $0xffff;
	v15 =	vadd.f32 $1.258291200e+07, v15;
	v19 =	vadd.f32 $1.258291200e+07, v19;
	v22 =	vmul.f32 v22, v2  }
0x2cd: {  	v5 =	vld.idx.msk [tilespmem:v5+s5+$0x0], $0xffff;
	v16 =	vadd.f32 $1.258291200e+07, v16;
	v21 =	vmul.f32 v21, v2;
	v6 =	vmul.f32 v6, v2  }
0x2ce: {  	v4 =	vld.idx.msk [tilespmem:v4+s5+$0x0], $0xffff;
	v20 =	vadd.f32 $1.258291200e+07, v20;
	v7 =	vmul.f32 v7, v2;
	v10 =	vmul.f32 v10, v2  }
0x2cf: {  	v3 =	vld.idx.msk [tilespmem:v3+s5+$0x0], $0xffff;
	v17 =	vadd.f32 $1.258291200e+07, v17;
	v11 =	vmul.f32 v11, v2;
	v13 =	vmul.f32 v13, v2  }
0x2d0: {  	v12 =	vmul.f32 v12, v2;
	v9 =	vmul.f32 v9, v2;
	v22 =	vadd.f32 $1.258291200e+07, v22  }
0x2d1: {  	v8 =	vmul.f32 v8, v2;
	v21 =	vadd.f32 $1.258291200e+07, v21;
	v6 =	vadd.f32 $1.258291200e+07, v6  }
0x2d2: {  	v5 =	vmul.f32 v5, v2;
	v7 =	vadd.f32 $1.258291200e+07, v7;
	v10 =	vadd.f32 $1.258291200e+07, v10  }
0x2d3: {  	v4 =	vmul.f32 v4, v2;
	v11 =	vadd.f32 $1.258291200e+07, v11;
	v13 =	vadd.f32 $1.258291200e+07, v13  }
0x2d4: {  	v3 =	vmul.f32 v3, v2;
	v12 =	vadd.f32 $1.258291200e+07, v12;
	v9 =	vadd.f32 $1.258291200e+07, v9  }
0x2d5: {  	v5 =	vadd.f32 $1.258291200e+07, v5;
	v4 =	vadd.f32 $1.258291200e+07, v4  }
0x2d6: {  	v8 =	vadd.f32 $1.258291200e+07, v8;
	v3 =	vadd.f32 $1.258291200e+07, v3  }
0x2d7: {  	v5 =	vadd.f32 v5, v11;
	v4 =	vadd.f32 v4, v12  }
0x2d8: {  	v3 =	vadd.f32 v3, v9;
	v8 =	vadd.f32 v13, v8  }
0x2d9: {  	v5 =	vadd.f32 v21, v5;
	v4 =	vadd.f32 v6, v4  }
0x2da: {  	v3 =	vadd.f32 v7, v3;
	v6 =	vadd.f32 v10, v8  }
0x2db: {  	v5 =	vadd.f32 v16, v5;
	v4 =	vadd.f32 v20, v4  }
0x2dc: {  	v3 =	vadd.f32 v17, v3;
	v6 =	vadd.f32 v22, v6  }
0x2dd: {  	v5 =	vadd.f32 v14, v5;
	v4 =	vadd.f32 v18, v4  }
0x2de: {  	v3 =	vadd.f32 v15, v3;
	v6 =	vadd.f32 v19, v6;
	_ =	sdelay $0x1  }
0x2df: {  	v4 =	vadd.f32 v4, v5;
	v3 =	vadd.f32 v6, v3;
	_ =	sdelay $0x1  }
0x2e0: {  	v3 =	vadd.f32 v3, v4;
	_ =	sdelay $0x1  }
0x2e1: {  	v3 =	vadd.f32 $-2.516582400e+08, v3;
	_ =	sdelay $0x1  }
0x2e2: {  	v3 =	vmul.f32 v3, v1;
	_ =	sdelay $0x1  }
0x2e3: {  	v3 =	vadd.f32 v3, v0  }
0x2e4: {  	s1 =	sand.u32 $0x1F0, s2  }
0x2e5: {  	[tilespmem:s1+$0x1F100] =	vst v3  }
0x2e6: {  	s3 =	simm.s32 $0x0;
	_ =	swait.ge [sflag:s30], $0x3000  }
0x2e7: {  	s2 =	sand.u32 $0x70, s3;
	s4 =	sand.u32 $0xC00, s3;
	[sflag:s30] =	ssyncset.done $0x0  }
0x2e8: {  	s1 =	sor.u32 s2, s4;
	[sflag:s30] =	ssyncadd.s32 $0xFFFFD000  }
0x2e9: {  	[tilespmem:s31], [sflag:$0x3] =	stream.strided.gather [hbm4b:s17+s25], $0x3000, s26, s25, $0x38;
	[tilespmem:$0x1FE80] =	vst v63  }
0x2ea: {  	v14 =	vld [tilespmem:s1+$0x1A700]  }
0x2eb: {  	v15 =	vld [tilespmem:s1+$0x1A780]  }
0x2ec: {  	v16 =	vld [tilespmem:s1+$0x1A800]  }
0x2ed: {  	v17 =	vld [tilespmem:s1+$0x1A880]  }
0x2ee: {  	v20 =	vld [tilespmem:s1+$0x19900]  }
0x2ef: {  	v21 =	vld [tilespmem:s1+$0x19980]  }
0x2f0: {  	v22 =	vld [tilespmem:s1+$0x19A00]  }
0x2f1: {  	v23 =	vld [tilespmem:s1+$0x19A80]  }
0x2f2: {  	v24 =	vld [tilespmem:s1+$0x19700]  }
0x2f3: {  	v6 =	vld [tilespmem:s1+$0x19780]  }
0x2f4: {  	v7 =	vld [tilespmem:s1+$0x19800]  }
0x2f5: {  	s6 =	sor.u32 s3, s3;
	v10 =	vld [tilespmem:s1+$0x19880]  }
0x2f6: {  	s2 =	sor.u32 $0x380, s6;
	v11 =	vld [tilespmem:s1+$0x18700]  }
0x2f7: {  	s1 =	sadd.s32 $0x18700, s1;
	v13 =	vld [tilespmem:s2+$0x18700]  }
0x2f8: {  	v12 =	vld [tilespmem:s1+$0x80]  }
0x2f9: {  	v9 =	vld [tilespmem:s1+$0x100]  }
0x2fa: {  	v8 =	vld [tilespmem:s1+$0x180]  }
0x2fb: {  	v5 =	vld [tilespmem:s1+$0x200]  }
0x2fc: {  	v4 =	vld [tilespmem:s1+$0x280]  }
0x2fd: {  	v3 =	vld [tilespmem:s1+$0x300]  }
0x2fe: {  	v14 =	vld.idx.msk [tilespmem:v14+s5+$0x0], $0xffff  }
0x2ff: {  	v18 =	vld.idx.msk [tilespmem:v15+s5+$0x0], $0xffff  }
0x300: {  	v15 =	vld.idx.msk [tilespmem:v16+s5+$0x0], $0xffff  }
0x301: {  	v19 =	vld.idx.msk [tilespmem:v17+s5+$0x0], $0xffff  }
0x302: {  	v16 =	vld.idx.msk [tilespmem:v20+s5+$0x0], $0xffff  }
0x303: {  	v20 =	vld.idx.msk [tilespmem:v21+s5+$0x0], $0xffff  }
0x304: {  	v17 =	vld.idx.msk [tilespmem:v22+s5+$0x0], $0xffff  }
0x305: {  	v22 =	vld.idx.msk [tilespmem:v23+s5+$0x0], $0xffff  }
0x306: {  	s4 =	simm.s32 $0x10;
	s2 =	simm.s32 $0x0;
	v21 =	vld.idx.msk [tilespmem:v24+s5+$0x0], $0xffff  }
.LBB2_16:
0x307: {  	p0 =	sne.s32 s4, $0x1F0;
	v6 =	vld.idx.msk [tilespmem:v6+s5+$0x0], $0xffff  }
0x308: {  	v7 =	vld.idx.msk [tilespmem:v7+s5+$0x0], $0xffff  }
0x309: {  	v10 =	vld.idx.msk [tilespmem:v10+s5+$0x0], $0xffff  }
0x30a: {  	v14 =	vmul.f32 v14, v2;
	v18 =	vmul.f32 v18, v2;
	v11 =	vld.idx.msk [tilespmem:v11+s5+$0x0], $0xffff  }
0x30b: {  	v15 =	vmul.f32 v15, v2;
	v19 =	vmul.f32 v19, v2;
	v13 =	vld.idx.msk [tilespmem:v13+s5+$0x0], $0xffff  }
0x30c: {  	v16 =	vmul.f32 v16, v2;
	v20 =	vmul.f32 v20, v2;
	v12 =	vld.idx.msk [tilespmem:v12+s5+$0x0], $0xffff  }
0x30d: {  	v17 =	vmul.f32 v17, v2;
	v22 =	vmul.f32 v22, v2;
	v9 =	vld.idx.msk [tilespmem:v9+s5+$0x0], $0xffff  }
0x30e: {  	v21 =	vmul.f32 v21, v2;
	v6 =	vmul.f32 v6, v2;
	v8 =	vld.idx.msk [tilespmem:v8+s5+$0x0], $0xffff  }
0x30f: {  	s3 =	sadd.s32 $0x80, s3;
	v7 =	vmul.f32 v7, v2;
	v10 =	vmul.f32 v10, v2;
	v5 =	vld.idx.msk [tilespmem:v5+s5+$0x0], $0xffff  }
0x310: {  	s1 =	sand.u32 $0x70, s4;
	s6 =	sand.u32 $0xC00, s3;
	v14 =	vadd.f32 $1.258291200e+07, v14;
	v18 =	vadd.f32 $1.258291200e+07, v18;
	v11 =	vmul.f32 v11, v2;
	v4 =	vld.idx.msk [tilespmem:v4+s5+$0x0], $0xffff  }
0x311: {  	s1 =	sor.u32 s1, s6;
	v15 =	vadd.f32 $1.258291200e+07, v15;
	v19 =	vadd.f32 $1.258291200e+07, v19;
	v13 =	vmul.f32 v13, v2;
	v3 =	vld.idx.msk [tilespmem:v3+s5+$0x0], $0xffff  }
0x312: {  	v16 =	vadd.f32 $1.258291200e+07, v16;
	v20 =	vadd.f32 $1.258291200e+07, v20;
	v12 =	vmul.f32 v12, v2;
	v23 =	vld [tilespmem:s1+$0x1A700]  }
0x313: {  	v17 =	vadd.f32 $1.258291200e+07, v17;
	v22 =	vadd.f32 $1.258291200e+07, v22;
	v9 =	vmul.f32 v9, v2;
	v24 =	vld [tilespmem:s1+$0x1A780]  }
0x314: {  	v21 =	vadd.f32 $1.258291200e+07, v21;
	v26 =	vadd.f32 $1.258291200e+07, v6;
	v8 =	vmul.f32 v8, v2;
	v25 =	vld [tilespmem:s1+$0x1A800]  }
0x315: {  	v28 =	vadd.f32 $1.258291200e+07, v7;
	v29 =	vadd.f32 $1.258291200e+07, v10;
	v5 =	vmul.f32 v5, v2;
	v27 =	vld [tilespmem:s1+$0x1A880]  }
0x316: {  	v6 =	vadd.f32 $1.258291200e+07, v11;
	v7 =	vadd.f32 $1.258291200e+07, v13;
	v4 =	vmul.f32 v4, v2;
	v30 =	vld [tilespmem:s1+$0x19900]  }
0x317: {  	v10 =	vadd.f32 $1.258291200e+07, v12;
	v9 =	vadd.f32 $1.258291200e+07, v9;
	v3 =	vmul.f32 v3, v2;
	v31 =	vld [tilespmem:s1+$0x19980]  }
0x318: {  	v5 =	vadd.f32 $1.258291200e+07, v5;
	v4 =	vadd.f32 $1.258291200e+07, v4;
	v32 =	vld [tilespmem:s1+$0x19A00]  }
0x319: {  	v8 =	vadd.f32 $1.258291200e+07, v8;
	v3 =	vadd.f32 $1.258291200e+07, v3;
	v33 =	vld [tilespmem:s1+$0x19A80]  }
0x31a: {  	v5 =	vadd.f32 v5, v6;
	v4 =	vadd.f32 v4, v10;
	v34 =	vld [tilespmem:s1+$0x19700]  }
0x31b: {  	v8 =	vadd.f32 v7, v8;
	v3 =	vadd.f32 v3, v9;
	v6 =	vld [tilespmem:s1+$0x19780]  }
0x31c: {  	v5 =	vadd.f32 v21, v5;
	v4 =	vadd.f32 v26, v4;
	v7 =	vld [tilespmem:s1+$0x19800]  }
0x31d: {  	s6 =	sor.u32 s3, s4;
	v8 =	vadd.f32 v29, v8;
	v3 =	vadd.f32 v28, v3;
	v10 =	vld [tilespmem:s1+$0x19880]  }
0x31e: {  	s6 =	sor.u32 $0x380, s6;
	v5 =	vadd.f32 v16, v5;
	v4 =	vadd.f32 v20, v4;
	v11 =	vld [tilespmem:s1+$0x18700]  }
0x31f: {  	v8 =	vadd.f32 v22, v8;
	s1 =	sadd.s32 $0x18700, s1;
	v3 =	vadd.f32 v17, v3;
	v13 =	vld [tilespmem:s6+$0x18700]  }
0x320: {  	v14 =	vadd.f32 v14, v5;
	v4 =	vadd.f32 v18, v4;
	v12 =	vld [tilespmem:s1+$0x80]  }
0x321: {  	v3 =	vadd.f32 v15, v3;
	v15 =	vadd.f32 v19, v8;
	v9 =	vld [tilespmem:s1+$0x100]  }
0x322: {  	v8 =	vld [tilespmem:s1+$0x180]  }
0x323: {  	v14 =	vadd.f32 v4, v14;
	v15 =	vadd.f32 v15, v3;
	v5 =	vld [tilespmem:s1+$0x200]  }
0x324: {  	v4 =	vld [tilespmem:s1+$0x280]  }
0x325: {  	v15 =	vadd.f32 v15, v14;
	v3 =	vld [tilespmem:s1+$0x300]  }
0x326: {  	v14 =	vld.idx.msk [tilespmem:v23+s5+$0x0], $0xffff  }
0x327: {  	v16 =	vadd.f32 $-2.516582400e+08, v15;
	v18 =	vld.idx.msk [tilespmem:v24+s5+$0x0], $0xffff  }
0x328: {  	v15 =	vld.idx.msk [tilespmem:v25+s5+$0x0], $0xffff  }
0x329: {  	v17 =	vmul.f32 v16, v1;
	v19 =	vld.idx.msk [tilespmem:v27+s5+$0x0], $0xffff  }
.Ltmp11:
0x32a: {  	v16 =	vld.idx.msk [tilespmem:v30+s5+$0x0], $0xffff;
	(pc) =	sbr.rel @p0 .LBB2_16-.Ltmp11, $4  }
0x32b: {  	v21 =	vadd.f32 v17, v0;
	v20 =	vld.idx.msk [tilespmem:v31+s5+$0x0], $0xffff  }
0x32c: {  	s1 =	sand.u32 $0x1F0, s2;
	s2 =	smov.u32 s4;
	v17 =	vld.idx.msk [tilespmem:v32+s5+$0x0], $0xffff  }
0x32d: {  	v22 =	vld.idx.msk [tilespmem:v33+s5+$0x0], $0xffff;
	[tilespmem:s1+$0x1F300] =	vst v21  }
0x32e: {  	s4 =	sadd.s32 $0x10, s4;
	v21 =	vld.idx.msk [tilespmem:v34+s5+$0x0], $0xffff  }
0x32f: {  	_ =	sdelay $0x3  }
0x330: {  	v6 =	vld.idx.msk [tilespmem:v6+s5+$0x0], $0xffff  }
0x331: {  	v7 =	vld.idx.msk [tilespmem:v7+s5+$0x0], $0xffff  }
0x332: {  	v10 =	vld.idx.msk [tilespmem:v10+s5+$0x0], $0xffff  }
0x333: {  	v14 =	vmul.f32 v14, v2;
	v18 =	vmul.f32 v18, v2;
	v11 =	vld.idx.msk [tilespmem:v11+s5+$0x0], $0xffff  }
0x334: {  	v15 =	vmul.f32 v15, v2;
	v19 =	vmul.f32 v19, v2;
	v13 =	vld.idx.msk [tilespmem:v13+s5+$0x0], $0xffff  }
0x335: {  	v16 =	vmul.f32 v16, v2;
	v12 =	vld.idx.msk [tilespmem:v12+s5+$0x0], $0xffff;
	v20 =	vmul.f32 v20, v2  }
0x336: {  	v9 =	vld.idx.msk [tilespmem:v9+s5+$0x0], $0xffff;
	v17 =	vmul.f32 v17, v2;
	v14 =	vadd.f32 $1.258291200e+07, v14;
	v18 =	vadd.f32 $1.258291200e+07, v18  }
0x337: {  	v8 =	vld.idx.msk [tilespmem:v8+s5+$0x0], $0xffff;
	v15 =	vadd.f32 $1.258291200e+07, v15;
	v19 =	vadd.f32 $1.258291200e+07, v19;
	v22 =	vmul.f32 v22, v2  }
0x338: {  	v5 =	vld.idx.msk [tilespmem:v5+s5+$0x0], $0xffff;
	v16 =	vadd.f32 $1.258291200e+07, v16;
	v21 =	vmul.f32 v21, v2;
	v6 =	vmul.f32 v6, v2  }
0x339: {  	v4 =	vld.idx.msk [tilespmem:v4+s5+$0x0], $0xffff;
	v20 =	vadd.f32 $1.258291200e+07, v20;
	v7 =	vmul.f32 v7, v2;
	v10 =	vmul.f32 v10, v2  }
0x33a: {  	v3 =	vld.idx.msk [tilespmem:v3+s5+$0x0], $0xffff;
	v17 =	vadd.f32 $1.258291200e+07, v17;
	v11 =	vmul.f32 v11, v2;
	v13 =	vmul.f32 v13, v2  }
0x33b: {  	v12 =	vmul.f32 v12, v2;
	v9 =	vmul.f32 v9, v2;
	v22 =	vadd.f32 $1.258291200e+07, v22  }
0x33c: {  	v8 =	vmul.f32 v8, v2;
	v21 =	vadd.f32 $1.258291200e+07, v21;
	v6 =	vadd.f32 $1.258291200e+07, v6  }
0x33d: {  	v5 =	vmul.f32 v5, v2;
	v7 =	vadd.f32 $1.258291200e+07, v7;
	v10 =	vadd.f32 $1.258291200e+07, v10  }
0x33e: {  	v4 =	vmul.f32 v4, v2;
	v11 =	vadd.f32 $1.258291200e+07, v11;
	v13 =	vadd.f32 $1.258291200e+07, v13  }
0x33f: {  	v3 =	vmul.f32 v3, v2;
	v12 =	vadd.f32 $1.258291200e+07, v12;
	v9 =	vadd.f32 $1.258291200e+07, v9  }
0x340: {  	v5 =	vadd.f32 $1.258291200e+07, v5;
	v4 =	vadd.f32 $1.258291200e+07, v4  }
0x341: {  	v8 =	vadd.f32 $1.258291200e+07, v8;
	v3 =	vadd.f32 $1.258291200e+07, v3  }
0x342: {  	v5 =	vadd.f32 v5, v11;
	v4 =	vadd.f32 v4, v12  }
0x343: {  	v3 =	vadd.f32 v3, v9;
	v8 =	vadd.f32 v13, v8  }
0x344: {  	v5 =	vadd.f32 v21, v5;
	v4 =	vadd.f32 v6, v4  }
0x345: {  	v3 =	vadd.f32 v7, v3;
	v6 =	vadd.f32 v10, v8  }
0x346: {  	v5 =	vadd.f32 v16, v5;
	v4 =	vadd.f32 v20, v4  }
0x347: {  	v3 =	vadd.f32 v17, v3;
	v6 =	vadd.f32 v22, v6  }
0x348: {  	v5 =	vadd.f32 v14, v5;
	v4 =	vadd.f32 v18, v4  }
0x349: {  	v3 =	vadd.f32 v15, v3;
	v6 =	vadd.f32 v19, v6;
	_ =	sdelay $0x1  }
0x34a: {  	v4 =	vadd.f32 v4, v5;
	v3 =	vadd.f32 v6, v3;
	_ =	sdelay $0x1  }
0x34b: {  	v3 =	vadd.f32 v3, v4;
	_ =	sdelay $0x1  }
0x34c: {  	v3 =	vadd.f32 $-2.516582400e+08, v3;
	_ =	sdelay $0x1  }
0x34d: {  	v3 =	vmul.f32 v3, v1;
	_ =	sdelay $0x1  }
0x34e: {  	v3 =	vadd.f32 v3, v0  }
0x34f: {  	s1 =	sand.u32 $0x1F0, s2  }
0x350: {  	[tilespmem:s1+$0x1F300] =	vst v3  }
0x351: {  	s2 =	simm.s32 $0x0;
	_ =	swait.ge [sflag:s0], $0x3000  }
0x352: {  	s4 =	sand.u32 $0x70, s2;
	s3 =	sand.u32 $0xC00, s2;
	[sflag:s0] =	ssyncset.done $0x0  }
0x353: {  	s1 =	sor.u32 s4, s3;
	[sflag:s0] =	ssyncadd.s32 $0xFFFFD000  }
0x354: {  	v14 =	vld [tilespmem:s1+$0x1D700]  }
0x355: {  	v15 =	vld [tilespmem:s1+$0x1D780]  }
0x356: {  	v16 =	vld [tilespmem:s1+$0x1D800]  }
0x357: {  	v17 =	vld [tilespmem:s1+$0x1D880]  }
0x358: {  	v20 =	vld [tilespmem:s1+$0x1C900]  }
0x359: {  	v21 =	vld [tilespmem:s1+$0x1C980]  }
0x35a: {  	v22 =	vld [tilespmem:s1+$0x1CA00]  }
0x35b: {  	v23 =	vld [tilespmem:s1+$0x1CA80]  }
0x35c: {  	v24 =	vld [tilespmem:s1+$0x1C700]  }
0x35d: {  	v6 =	vld [tilespmem:s1+$0x1C780]  }
0x35e: {  	v7 =	vld [tilespmem:s1+$0x1C800]  }
0x35f: {  	s6 =	sor.u32 s2, s2;
	v10 =	vld [tilespmem:s1+$0x1C880]  }
0x360: {  	s3 =	sor.u32 $0x380, s6;
	v11 =	vld [tilespmem:s1+$0x1B700]  }
0x361: {  	s1 =	sadd.s32 $0x1B700, s1;
	v13 =	vld [tilespmem:s3+$0x1B700]  }
0x362: {  	v12 =	vld [tilespmem:s1+$0x80]  }
0x363: {  	v9 =	vld [tilespmem:s1+$0x100]  }
0x364: {  	v8 =	vld [tilespmem:s1+$0x180]  }
0x365: {  	v5 =	vld [tilespmem:s1+$0x200]  }
0x366: {  	v4 =	vld [tilespmem:s1+$0x280]  }
0x367: {  	v3 =	vld [tilespmem:s1+$0x300]  }
0x368: {  	v14 =	vld.idx.msk [tilespmem:v14+s5+$0x0], $0xffff  }
0x369: {  	v18 =	vld.idx.msk [tilespmem:v15+s5+$0x0], $0xffff  }
0x36a: {  	v15 =	vld.idx.msk [tilespmem:v16+s5+$0x0], $0xffff  }
0x36b: {  	v19 =	vld.idx.msk [tilespmem:v17+s5+$0x0], $0xffff  }
0x36c: {  	v16 =	vld.idx.msk [tilespmem:v20+s5+$0x0], $0xffff  }
0x36d: {  	v20 =	vld.idx.msk [tilespmem:v21+s5+$0x0], $0xffff  }
0x36e: {  	v17 =	vld.idx.msk [tilespmem:v22+s5+$0x0], $0xffff  }
0x36f: {  	v22 =	vld.idx.msk [tilespmem:v23+s5+$0x0], $0xffff  }
0x370: {  	s4 =	simm.s32 $0x10;
	s3 =	simm.s32 $0x0;
	v21 =	vld.idx.msk [tilespmem:v24+s5+$0x0], $0xffff  }
.LBB2_18:
0x371: {  	p0 =	sne.s32 s4, $0x1F0;
	v6 =	vld.idx.msk [tilespmem:v6+s5+$0x0], $0xffff  }
0x372: {  	v7 =	vld.idx.msk [tilespmem:v7+s5+$0x0], $0xffff  }
0x373: {  	v10 =	vld.idx.msk [tilespmem:v10+s5+$0x0], $0xffff  }
0x374: {  	v14 =	vmul.f32 v14, v2;
	v18 =	vmul.f32 v18, v2;
	v11 =	vld.idx.msk [tilespmem:v11+s5+$0x0], $0xffff  }
0x375: {  	v15 =	vmul.f32 v15, v2;
	v19 =	vmul.f32 v19, v2;
	v13 =	vld.idx.msk [tilespmem:v13+s5+$0x0], $0xffff  }
0x376: {  	v16 =	vmul.f32 v16, v2;
	v20 =	vmul.f32 v20, v2;
	v12 =	vld.idx.msk [tilespmem:v12+s5+$0x0], $0xffff  }
0x377: {  	v17 =	vmul.f32 v17, v2;
	v22 =	vmul.f32 v22, v2;
	v9 =	vld.idx.msk [tilespmem:v9+s5+$0x0], $0xffff  }
0x378: {  	v21 =	vmul.f32 v21, v2;
	v6 =	vmul.f32 v6, v2;
	v8 =	vld.idx.msk [tilespmem:v8+s5+$0x0], $0xffff  }
0x379: {  	s2 =	sadd.s32 $0x80, s2;
	v7 =	vmul.f32 v7, v2;
	v10 =	vmul.f32 v10, v2;
	v5 =	vld.idx.msk [tilespmem:v5+s5+$0x0], $0xffff  }
0x37a: {  	s1 =	sand.u32 $0x70, s4;
	s6 =	sand.u32 $0xC00, s2;
	v14 =	vadd.f32 $1.258291200e+07, v14;
	v18 =	vadd.f32 $1.258291200e+07, v18;
	v11 =	vmul.f32 v11, v2;
	v4 =	vld.idx.msk [tilespmem:v4+s5+$0x0], $0xffff  }
0x37b: {  	s1 =	sor.u32 s1, s6;
	v15 =	vadd.f32 $1.258291200e+07, v15;
	v19 =	vadd.f32 $1.258291200e+07, v19;
	v13 =	vmul.f32 v13, v2;
	v3 =	vld.idx.msk [tilespmem:v3+s5+$0x0], $0xffff  }
0x37c: {  	v16 =	vadd.f32 $1.258291200e+07, v16;
	v20 =	vadd.f32 $1.258291200e+07, v20;
	v12 =	vmul.f32 v12, v2;
	v23 =	vld [tilespmem:s1+$0x1D700]  }
0x37d: {  	v17 =	vadd.f32 $1.258291200e+07, v17;
	v22 =	vadd.f32 $1.258291200e+07, v22;
	v9 =	vmul.f32 v9, v2;
	v24 =	vld [tilespmem:s1+$0x1D780]  }
0x37e: {  	v21 =	vadd.f32 $1.258291200e+07, v21;
	v26 =	vadd.f32 $1.258291200e+07, v6;
	v8 =	vmul.f32 v8, v2;
	v25 =	vld [tilespmem:s1+$0x1D800]  }
0x37f: {  	v28 =	vadd.f32 $1.258291200e+07, v7;
	v29 =	vadd.f32 $1.258291200e+07, v10;
	v5 =	vmul.f32 v5, v2;
	v27 =	vld [tilespmem:s1+$0x1D880]  }
0x380: {  	v6 =	vadd.f32 $1.258291200e+07, v11;
	v7 =	vadd.f32 $1.258291200e+07, v13;
	v4 =	vmul.f32 v4, v2;
	v30 =	vld [tilespmem:s1+$0x1C900]  }
0x381: {  	v10 =	vadd.f32 $1.258291200e+07, v12;
	v9 =	vadd.f32 $1.258291200e+07, v9;
	v3 =	vmul.f32 v3, v2;
	v31 =	vld [tilespmem:s1+$0x1C980]  }
0x382: {  	v5 =	vadd.f32 $1.258291200e+07, v5;
	v4 =	vadd.f32 $1.258291200e+07, v4;
	v32 =	vld [tilespmem:s1+$0x1CA00]  }
0x383: {  	v8 =	vadd.f32 $1.258291200e+07, v8;
	v3 =	vadd.f32 $1.258291200e+07, v3;
	v33 =	vld [tilespmem:s1+$0x1CA80]  }
0x384: {  	v5 =	vadd.f32 v5, v6;
	v4 =	vadd.f32 v4, v10;
	v34 =	vld [tilespmem:s1+$0x1C700]  }
0x385: {  	v8 =	vadd.f32 v7, v8;
	v3 =	vadd.f32 v3, v9;
	v6 =	vld [tilespmem:s1+$0x1C780]  }
0x386: {  	v5 =	vadd.f32 v21, v5;
	v4 =	vadd.f32 v26, v4;
	v7 =	vld [tilespmem:s1+$0x1C800]  }
0x387: {  	s6 =	sor.u32 s2, s4;
	v8 =	vadd.f32 v29, v8;
	v3 =	vadd.f32 v28, v3;
	v10 =	vld [tilespmem:s1+$0x1C880]  }
0x388: {  	s6 =	sor.u32 $0x380, s6;
	v5 =	vadd.f32 v16, v5;
	v4 =	vadd.f32 v20, v4;
	v11 =	vld [tilespmem:s1+$0x1B700]  }
0x389: {  	v8 =	vadd.f32 v22, v8;
	s1 =	sadd.s32 $0x1B700, s1;
	v3 =	vadd.f32 v17, v3;
	v13 =	vld [tilespmem:s6+$0x1B700]  }
0x38a: {  	v14 =	vadd.f32 v14, v5;
	v4 =	vadd.f32 v18, v4;
	v12 =	vld [tilespmem:s1+$0x80]  }
0x38b: {  	v3 =	vadd.f32 v15, v3;
	v15 =	vadd.f32 v19, v8;
	v9 =	vld [tilespmem:s1+$0x100]  }
0x38c: {  	v8 =	vld [tilespmem:s1+$0x180]  }
0x38d: {  	v14 =	vadd.f32 v4, v14;
	v15 =	vadd.f32 v15, v3;
	v5 =	vld [tilespmem:s1+$0x200]  }
0x38e: {  	v4 =	vld [tilespmem:s1+$0x280]  }
0x38f: {  	v15 =	vadd.f32 v15, v14;
	v3 =	vld [tilespmem:s1+$0x300]  }
0x390: {  	v14 =	vld.idx.msk [tilespmem:v23+s5+$0x0], $0xffff  }
0x391: {  	v16 =	vadd.f32 $-2.516582400e+08, v15;
	v18 =	vld.idx.msk [tilespmem:v24+s5+$0x0], $0xffff  }
0x392: {  	v15 =	vld.idx.msk [tilespmem:v25+s5+$0x0], $0xffff  }
0x393: {  	v17 =	vmul.f32 v16, v1;
	v19 =	vld.idx.msk [tilespmem:v27+s5+$0x0], $0xffff  }
.Ltmp12:
0x394: {  	v16 =	vld.idx.msk [tilespmem:v30+s5+$0x0], $0xffff;
	(pc) =	sbr.rel @p0 .LBB2_18-.Ltmp12, $4  }
0x395: {  	v21 =	vadd.f32 v17, v0;
	v20 =	vld.idx.msk [tilespmem:v31+s5+$0x0], $0xffff  }
0x396: {  	s1 =	sand.u32 $0x1F0, s3;
	s3 =	smov.u32 s4;
	v17 =	vld.idx.msk [tilespmem:v32+s5+$0x0], $0xffff  }
0x397: {  	v22 =	vld.idx.msk [tilespmem:v33+s5+$0x0], $0xffff;
	[tilespmem:s1+$0x1F500] =	vst v21  }
0x398: {  	s4 =	sadd.s32 $0x10, s4;
	v21 =	vld.idx.msk [tilespmem:v34+s5+$0x0], $0xffff  }
0x399: {  	_ =	sdelay $0x3  }
0x39a: {  	v6 =	vld.idx.msk [tilespmem:v6+s5+$0x0], $0xffff  }
0x39b: {  	v7 =	vld.idx.msk [tilespmem:v7+s5+$0x0], $0xffff  }
0x39c: {  	v10 =	vld.idx.msk [tilespmem:v10+s5+$0x0], $0xffff  }
0x39d: {  	v14 =	vmul.f32 v14, v2;
	v18 =	vmul.f32 v18, v2;
	v11 =	vld.idx.msk [tilespmem:v11+s5+$0x0], $0xffff  }
0x39e: {  	v15 =	vmul.f32 v15, v2;
	v19 =	vmul.f32 v19, v2;
	v13 =	vld.idx.msk [tilespmem:v13+s5+$0x0], $0xffff  }
0x39f: {  	v16 =	vmul.f32 v16, v2;
	v12 =	vld.idx.msk [tilespmem:v12+s5+$0x0], $0xffff;
	v20 =	vmul.f32 v20, v2  }
0x3a0: {  	v9 =	vld.idx.msk [tilespmem:v9+s5+$0x0], $0xffff;
	v17 =	vmul.f32 v17, v2;
	v14 =	vadd.f32 $1.258291200e+07, v14;
	v18 =	vadd.f32 $1.258291200e+07, v18  }
0x3a1: {  	v8 =	vld.idx.msk [tilespmem:v8+s5+$0x0], $0xffff;
	v15 =	vadd.f32 $1.258291200e+07, v15;
	v19 =	vadd.f32 $1.258291200e+07, v19;
	v22 =	vmul.f32 v22, v2  }
0x3a2: {  	v5 =	vld.idx.msk [tilespmem:v5+s5+$0x0], $0xffff;
	v16 =	vadd.f32 $1.258291200e+07, v16;
	v21 =	vmul.f32 v21, v2;
	v6 =	vmul.f32 v6, v2  }
0x3a3: {  	v4 =	vld.idx.msk [tilespmem:v4+s5+$0x0], $0xffff;
	v20 =	vadd.f32 $1.258291200e+07, v20;
	v7 =	vmul.f32 v7, v2;
	v10 =	vmul.f32 v10, v2  }
0x3a4: {  	v3 =	vld.idx.msk [tilespmem:v3+s5+$0x0], $0xffff;
	v17 =	vadd.f32 $1.258291200e+07, v17;
	v11 =	vmul.f32 v11, v2;
	v13 =	vmul.f32 v13, v2  }
0x3a5: {  	v12 =	vmul.f32 v12, v2;
	v9 =	vmul.f32 v9, v2;
	v22 =	vadd.f32 $1.258291200e+07, v22  }
0x3a6: {  	v8 =	vmul.f32 v8, v2;
	v21 =	vadd.f32 $1.258291200e+07, v21;
	v6 =	vadd.f32 $1.258291200e+07, v6  }
0x3a7: {  	v5 =	vmul.f32 v5, v2;
	v7 =	vadd.f32 $1.258291200e+07, v7;
	v10 =	vadd.f32 $1.258291200e+07, v10  }
0x3a8: {  	v4 =	vmul.f32 v4, v2;
	v11 =	vadd.f32 $1.258291200e+07, v11;
	v13 =	vadd.f32 $1.258291200e+07, v13  }
0x3a9: {  	v61 =	vmul.f32 v3, v2;
	v12 =	vadd.f32 $1.258291200e+07, v12;
	v9 =	vadd.f32 $1.258291200e+07, v9  }
0x3aa: {  	v62 =	vadd.f32 $1.258291200e+07, v5;
	v4 =	vadd.f32 $1.258291200e+07, v4  }
0x3ab: {  	v63 =	vadd.f32 $1.258291200e+07, v8;
	v2 =	vadd.f32 $1.258291200e+07, v61  }
0x3ac: {  	v3 =	vadd.f32 v62, v11;
	v4 =	vadd.f32 v4, v12  }
0x3ad: {  	v2 =	vadd.f32 v2, v9;
	v5 =	vadd.f32 v13, v63  }
0x3ae: {  	v3 =	vadd.f32 v21, v3;
	v4 =	vadd.f32 v6, v4  }
0x3af: {  	v2 =	vadd.f32 v7, v2;
	v5 =	vadd.f32 v10, v5  }
0x3b0: {  	v3 =	vadd.f32 v16, v3;
	v4 =	vadd.f32 v20, v4  }
0x3b1: {  	v2 =	vadd.f32 v17, v2;
	v5 =	vadd.f32 v22, v5  }
0x3b2: {  	v3 =	vadd.f32 v14, v3;
	v4 =	vadd.f32 v18, v4  }
0x3b3: {  	v2 =	vadd.f32 v15, v2;
	v5 =	vadd.f32 v19, v5;
	_ =	sdelay $0x1  }
0x3b4: {  	v3 =	vadd.f32 v4, v3;
	v2 =	vadd.f32 v5, v2;
	_ =	sdelay $0x1  }
0x3b5: {  	v2 =	vadd.f32 v2, v3;
	_ =	sdelay $0x1  }
0x3b6: {  	v2 =	vadd.f32 $-2.516582400e+08, v2;
	_ =	sdelay $0x1  }
0x3b7: {  	v1 =	vmul.f32 v2, v1  }
0x3b8: {  	s1 =	sshll.u32 s8, $0xF  }
0x3b9: {  	s1 =	sor.u32 s18, s1;
	v0 =	vadd.f32 v1, v0  }
0x3ba: {  	s2 =	sand.u32 $0x1F0, s3;
	s8 =	rddreg [dreg:$0x4];
	s1 =	sshrl.u32 s1, $0x3  }
.Ltmp13:
0x3bb: {  	s18 =	simm.s32 $0x1E700;
	s1 =	sadd.s32 s8, s1;
	[tilespmem:s2+$0x1F500] =	vst v0;
	(pc) =	sbr.rel .LBB2_20-.Ltmp13, $4  }
0x3bc: {  	[hbm4b:s1+s23] =	stream.strided.scatter [tilespmem:s18], [sflag:$0x4], $0x1000, s24, s23, $0x38;
	[tilespmem:$0x1FE80] =	vst v63  }
0x3bd: {  	_ =	swait.ge [sflag:s20], $0x1000  }
0x3be: {  	[sflag:s20] =	ssyncset.done $0x0  }
0x3bf: {  	[sflag:s20] =	ssyncadd.s32 $0xFFFFF000  }
.LBB2_22:
0x3c0: {  	_ =	sfence.sel $0x180000  }
0x3c1: {  	[bflag:$0x0] =	sbarrier.arrive $0xFFFF  }
0x3c2: {  	_ =	strace $0x90000047  }
0x3c3: {  	s0 =	stileid.u32;
	[bflag:$0x2] =	sbarrier.arrive $0xFFFF  }
0x3c4: {  	p0 =	sne.s32 s0, $0x0;
	s0 =	rddreg [dreg:$0x5]  }
0x3c5: {  	s0 =	sadd.s32 @!p0 $0x100000, s0  }
0x3c6: {  	[sflag:s0] =	ssyncadd.tile.s32 @!p0 $0x1;
	_ =	shalt  }
.Lfunc_end2:
_tile_overlayer_lowered:
.L_overlay_start_2:
0x3c7: {  	(tag) =	ssettag $0x2  }
0x3c8: {  	s0 =	rddreg [dreg:$0x0];
	s2 =	stileid.u32  }
0x3c9: {  	s1 =	rddreg [dreg:$0x1];
	p0 =	sne.s32 s2, $0x0  }
0x3ca: {  	s3 =	rddreg [dreg:$0x2];
	[bflag:$0x3] =	sbarrier.arrive $0xFFFF;
	s2 =	simm.s32 @!p0 $0x1C04  }
0x3cb: {  	[timem:s3], [sflag:s2] =	dma.local @!p0 [hbm:s0], s1  }
0x3cc: {  	s0 =	simm.s32 @!p0 $0x4  }
0x3cd: {  	_ =	swait.ge @!p0 [sflag:s0], s1  }
0x3ce: {  	s1 =	ssub.s32 @!p0 $0x0, s1;
	[sflag:s0] =	ssyncset.done @!p0 $0x0  }
0x3cf: {  	[sflag:s0] =	ssyncadd.s32 @!p0 s1  }
0x3d0: {  	[bflag:$0x3] =	sbarrier.arrive $0xFFFF  }
0x3d1: {  	_ =	shalt  }

</sc_bundles>
